<compile_context>
chip_gen: v7x
topology: tpu7x:2x2x1
jax: 0.10.2.dev20260603
libtpu: 0.0.44.dev20260713+nightly
codegen_flags: <defaults>
</compile_context>

<pallas_src>
import dataclasses
import functools

import jax
import jax.numpy as jnp
import numpy as np
from jax import lax
from jax.experimental import pallas as pl
from jax.experimental.pallas import tpu as pltpu
from jax.experimental.pallas import tpu_sc as plsc

N = 10000
D = 128
NC = 2
NS = 16
LANES = 16
NW = NC * NS

NPAD = 10240
CH = 80
EPAD = NW * NPAD
CPW = EPAD // NW // CH
SLABC = 16
RPT = NPAD // NS

_mesh = plsc.VectorSubcoreMesh(
    core_axis_name="c", subcore_axis_name="s", num_cores=NC, num_subcores=NS
)

_sc_params = pltpu.CompilerParams()
if "needs_layout_passes" in pltpu.CompilerParams.__dataclass_fields__:
  _sc_params = dataclasses.replace(_sc_params, needs_layout_passes=False)


def _sc_hist(dst1d):

  @functools.partial(
      pl.kernel,
      out_type=jax.ShapeDtypeStruct((NW, NPAD), jnp.float32),
      mesh=_mesh,
      compiler_params=_sc_params,
      scratch_types=[
          pltpu.VMEM((CPW * CH,), jnp.int32),
          pltpu.VMEM((NPAD,), jnp.float32),
      ],
  )
  def k(d_hbm, o_hbm, didx, hist):
    c = lax.axis_index("c")
    s = lax.axis_index("s")
    wid = s * NC + c

    @pl.loop(0, NPAD, step=LANES)
    def _(i):
      hist.at[pl.ds(i, LANES)][...] = jnp.zeros((LANES,), jnp.float32)

    pltpu.sync_copy(d_hbm.at[pl.ds(wid * CPW * CH, CPW * CH)], didx)

    @pl.loop(0, CPW * CH, step=LANES)
    def _(t):
      idxv = didx.at[pl.ds(t, LANES)][...]
      plsc.addupdate_scatter(hist, [idxv], jnp.ones((LANES,), jnp.float32))

    pltpu.sync_copy(hist, o_hbm.at[wid])

  return k(dst1d)


def _sc_prop(g, src2, dst2):

  @functools.partial(
      pl.kernel,
      out_type=jax.ShapeDtypeStruct((NC, NPAD, D), jnp.float32),
      mesh=_mesh,
      compiler_params=_sc_params,
      scratch_types=[
          pltpu.VMEM((SLABC, CH), jnp.int32),
          pltpu.VMEM((SLABC, CH), jnp.int32),
          pltpu.VMEM((CH, D), jnp.float32),
          pltpu.VMEM((CH, D), jnp.float32),
          pltpu.VMEM_SHARED((NPAD, D), jnp.float32),
          pltpu.SemaphoreType.DMA,
          pltpu.SemaphoreType.DMA,
          pltpu.SemaphoreType.DMA,
      ],
  )
  def k(g_hbm, s_hbm, d_hbm, o_hbm, sidx, didx, rows0, rows1, acc,
        sem0, sem1, zsem):
    c = lax.axis_index("c")
    s = lax.axis_index("s")
    wid = c * NS + s
    base = wid * CPW

    pltpu.async_copy(s_hbm.at[pl.ds(base, SLABC)], sidx, sem0)
    pltpu.async_copy(d_hbm.at[pl.ds(base, SLABC)], didx, sem1)

    @pl.loop(0, CH)
    def _(r):
      @pl.loop(0, D, step=LANES)
      def _(l):
        rows0.at[r, pl.ds(l, LANES)][...] = jnp.zeros((LANES,), jnp.float32)

    @pl.loop(0, RPT, step=CH)
    def _(r0):
      pltpu.async_copy(rows0, acc.at[pl.ds(s * RPT + r0, CH)], zsem)

    @pl.loop(0, RPT, step=CH)
    def _(r0):
      pltpu.make_async_copy(
          rows0, acc.at[pl.ds(s * RPT + r0, CH)], zsem).wait()

    plsc.subcore_barrier()

    @pl.loop(0, CPW // SLABC)
    def _(sl):
      sbase = base + sl * SLABC

      @pl.when(sl > 0)
      def _():
        pltpu.async_copy(s_hbm.at[pl.ds(sbase, SLABC)], sidx, sem0)
        pltpu.async_copy(d_hbm.at[pl.ds(sbase, SLABC)], didx, sem1)

      pltpu.make_async_copy(s_hbm.at[pl.ds(sbase, SLABC)], sidx, sem0).wait()
      pltpu.make_async_copy(d_hbm.at[pl.ds(sbase, SLABC)], didx, sem1).wait()

      pltpu.async_copy(g_hbm.at[sidx.at[0]], rows0, sem0)

      @pl.loop(0, SLABC, step=2)
      def _(j):
        pltpu.async_copy(g_hbm.at[sidx.at[j + 1]], rows1, sem1)
        pltpu.make_async_copy(g_hbm.at[sidx.at[j]], rows0, sem0).wait()
        pltpu.sync_copy(rows0, acc.at[didx.at[j]], add=True)

        @pl.when(j + 2 < SLABC)
        def _():
          pltpu.async_copy(g_hbm.at[sidx.at[j + 2]], rows0, sem0)

        pltpu.make_async_copy(g_hbm.at[sidx.at[j + 1]], rows1, sem1).wait()
        pltpu.sync_copy(rows1, acc.at[didx.at[j + 1]], add=True)

    plsc.subcore_barrier()

    @pl.loop(0, RPT, step=CH)
    def _(r0):
      pltpu.async_copy(
          acc.at[pl.ds(s * RPT + r0, CH)],
          o_hbm.at[c, pl.ds(s * RPT + r0, CH)],
          zsem,
      )

    @pl.loop(0, RPT, step=CH)
    def _(r0):
      pltpu.make_async_copy(
          acc.at[pl.ds(s * RPT + r0, CH)],
          o_hbm.at[c, pl.ds(s * RPT + r0, CH)],
          zsem,
      ).wait()

  return k(g, src2, dst2)


_BR = 1024
_BN = 1000


def _tc_dinv(deg_p):

  def body(dp_ref, o_ref):
    deg = jnp.sum(dp_ref[...], axis=0) + 1.0
    o_ref[...] = lax.rsqrt(deg)

  return pl.pallas_call(
      body,
      out_shape=jax.ShapeDtypeStruct((NPAD // 128, 128), jnp.float32),
  )(deg_p)


def _tc_pre(x, W, dinv_col):

  def body(x_ref, w_ref, dv_ref, o_ref):
    h = jnp.dot(x_ref[...], w_ref[...], preferred_element_type=jnp.float32)
    o_ref[...] = h * dv_ref[...]

  return pl.pallas_call(
      body,
      grid=(N // _BN,),
      in_specs=[
          pl.BlockSpec((_BN, D), lambda i: (i, 0)),
          pl.BlockSpec((D, D), lambda i: (0, 0)),
          pl.BlockSpec((_BN, 1), lambda i: (i, 0)),
      ],
      out_specs=pl.BlockSpec((_BN, D), lambda i: (i, 0)),
      out_shape=jax.ShapeDtypeStruct((NPAD, D), jnp.float32),
  )(x, W, dinv_col)


def _tc_mid(acc, g, dinv_col, b, W):

  def body(a_ref, g_ref, dv_ref, b_ref, w_ref, o_ref):
    dv = dv_ref[...]
    tot = a_ref[0] + a_ref[1] + g_ref[...]
    z = jnp.maximum(tot * dv + b_ref[...], 0.0)
    h = jnp.dot(z, w_ref[...], preferred_element_type=jnp.float32)
    o_ref[...] = h * dv

  return pl.pallas_call(
      body,
      grid=(NPAD // _BR,),
      in_specs=[
          pl.BlockSpec((NC, _BR, D), lambda i: (0, i, 0)),
          pl.BlockSpec((_BR, D), lambda i: (i, 0)),
          pl.BlockSpec((_BR, 1), lambda i: (i, 0)),
          pl.BlockSpec((1, D), lambda i: (0, 0)),
          pl.BlockSpec((D, D), lambda i: (0, 0)),
      ],
      out_specs=pl.BlockSpec((_BR, D), lambda i: (i, 0)),
      out_shape=jax.ShapeDtypeStruct((NPAD, D), jnp.float32),
  )(acc, g, dinv_col, b, W)


def _tc_post(acc, g, dinv_col, b):

  def body(a_ref, g_ref, dv_ref, b_ref, o_ref):
    tot = a_ref[0] + a_ref[1] + g_ref[...]
    o_ref[...] = tot * dv_ref[...] + b_ref[...]

  return pl.pallas_call(
      body,
      grid=(N // _BN,),
      in_specs=[
          pl.BlockSpec((NC, _BN, D), lambda i: (0, i, 0)),
          pl.BlockSpec((_BN, D), lambda i: (i, 0)),
          pl.BlockSpec((_BN, 1), lambda i: (i, 0)),
          pl.BlockSpec((1, D), lambda i: (0, 0)),
      ],
      out_specs=pl.BlockSpec((_BN, D), lambda i: (i, 0)),
      out_shape=jax.ShapeDtypeStruct((N, D), jnp.float32),
  )(acc, g, dinv_col, b)


def kernel(x, edge_index, W1, b1, W2, b2):
  src = edge_index[0].astype(jnp.int32)
  dst = edge_index[1].astype(jnp.int32)
  E = src.shape[0]
  pad = EPAD - E
  fill = jnp.asarray(N + np.arange(pad, dtype=np.int32) % (NPAD - N))
  srcp = jnp.concatenate([src, fill])
  dstp = jnp.concatenate([dst, fill])
  src2 = srcp.reshape(EPAD // CH, CH)
  dst2 = dstp.reshape(EPAD // CH, CH)

  b1r = b1.reshape(1, D)
  b2r = b2.reshape(1, D)

  deg_p = _sc_hist(dstp).reshape(NW, NPAD // 128, 128)
  dinv = _tc_dinv(deg_p)
  dinv_col = dinv.reshape(NPAD, 1)

  g1 = _tc_pre(x, W1, dinv_col)
  acc1 = _sc_prop(g1, src2, dst2)
  g2 = _tc_mid(acc1, g1, dinv_col, b1r, W2)
  acc2 = _sc_prop(g2, src2, dst2)
  return _tc_post(acc2, g2, dinv_col, b2r)

# --- scband reference (transcript-rebuilt; emitter-appended) ---
"""Pipeline reference for scband-gcn-27693949125321 (READ-ONLY COPY).

The authoritative reference and input builder live on the scoring server;
editing this copy changes nothing except your own understanding.
"""

import jax, jax.numpy as jnp
import numpy as np

N = 10000
E = 320000
D_IN = 128
D_HID = 128
D_OUT = 128


def setup_inputs(seed: int = 0) -> dict:
    key = jax.random.key(seed)
    k_x, k_e, k_w1, k_b1, k_w2, k_b2 = jax.random.split(key, 6)
    x = jax.random.normal(k_x, (N, D_IN), dtype=jnp.float32)
    edge_index = jax.random.randint(k_e, (2, E), 0, N, dtype=jnp.int64)
    # Glorot-style init for GCN weights, zeros for bias (matches PyG GCNConv defaults)
    s1 = float(np.sqrt(6.0 / (D_IN + D_HID)))
    W1 = jax.random.uniform(k_w1, (D_IN, D_HID), dtype=jnp.float32, minval=-s1, maxval=s1)
    b1 = jnp.zeros((D_HID,), dtype=jnp.float32)
    s2 = float(np.sqrt(6.0 / (D_HID + D_OUT)))
    W2 = jax.random.uniform(k_w2, (D_HID, D_OUT), dtype=jnp.float32, minval=-s2, maxval=s2)
    b2 = jnp.zeros((D_OUT,), dtype=jnp.float32)
    return {"x": x, "edge_index": edge_index, "W1": W1, "b1": b1, "W2": W2, "b2": b2}


def _gcn_conv(x, edge_index, W, b):
    # PyG GCNConv: out = D^{-1/2} (A + I) D^{-1/2} X W + b
    n = x.shape[0]
    loop = jnp.arange(n, dtype=edge_index.dtype)
    src = jnp.concatenate([edge_index[0], loop])
    dst = jnp.concatenate([edge_index[1], loop])
    deg = jnp.zeros((n,), dtype=x.dtype).at[dst].add(jnp.ones_like(dst, dtype=x.dtype))
    dinv = jnp.where(deg > 0, jax.lax.rsqrt(jnp.maximum(deg, 1e-12)), 0.0)
    norm = dinv[src] * dinv[dst]
    h = x @ W
    msg = h[src] * norm[:, None]
    out = jnp.zeros((n, h.shape[1]), dtype=h.dtype).at[dst].add(msg)
    return out + b


def reference(x, edge_index, W1, b1, W2, b2):
    h = _gcn_conv(x, edge_index, W1, b1)
    h = jax.nn.relu(h)
    # F.dropout with training=False is identity (inference/eval mode)
    out = _gcn_conv(h, edge_index, W2, b2)
    return out

if __name__ == "__main__":
    import jax
    _d = setup_inputs()
    print(jax.jit(kernel)(*tuple(_d.values())))

</pallas_src>

<mosaic_0001>
#map = affine_map<(d0, d1) -> (0, 0)>
#map1 = affine_map<(d0, d1) -> (0, 0, 0)>
module attributes {stable_mosaic.version = 14 : i64} {
  func.func @k(%arg0: i32, %arg1: i32, %arg2: memref<10240x128xf32, #tpu.memory_space<hbm>>, %arg3: memref<4096x80xi32, #tpu.memory_space<hbm>>, %arg4: memref<4096x80xi32, #tpu.memory_space<hbm>>, %arg5: memref<2x10240x128xf32, #tpu.memory_space<hbm>>, %arg6: memref<16x80xi32, #tpu.memory_space<vmem>>, %arg7: memref<16x80xi32, #tpu.memory_space<vmem>>, %arg8: memref<80x128xf32, #tpu.memory_space<vmem>>, %arg9: memref<80x128xf32, #tpu.memory_space<vmem>>, %arg10: memref<10240x128xf32, #tpu.memory_space<vmem_shared>>, %arg11: memref<!tpu.dma_semaphore, #tpu.memory_space<semaphore_mem>>, %arg12: memref<!tpu.dma_semaphore, #tpu.memory_space<semaphore_mem>>, %arg13: memref<!tpu.dma_semaphore, #tpu.memory_space<semaphore_mem>>) attributes {dimension_semantics = [#tpu.dimension_semantics<core_parallel>, #tpu.dimension_semantics<subcore_parallel>], iteration_bounds = array<i64: 2, 16>, scalar_prefetch = 0 : i64, scratch_operands = 8 : i64, tpu.core_type = #tpu.core_type<sc_vector_subcore>, window_params = [{transform_indices = #map}, {transform_indices = #map}, {transform_indices = #map}, {transform_indices = #map1}]} {
    %mul3A = arith.constant 16 : i32
    %mul3A_0 = arith.muli %arg0, %mul3A : i32
    %add3A = arith.addi %mul3A_0, %arg1 : i32
    %mul3A_1 = arith.constant 128 : i32
    %mul3A_2 = arith.muli %add3A, %mul3A_1 : i32
    %dma_start3A = arith.constant 0 : i32
    %dma_start3A_3 = tpu.memref_slice %arg3[%mul3A_2, %dma_start3A] : memref<4096x80xi32, #tpu.memory_space<hbm>> -> memref<16x80xi32, #tpu.memory_space<hbm>>
    %dma_start3A_4 = arith.constant 0 : i32
    %dma_start3A_5 = tpu.memref_slice %arg3[%mul3A_2, %dma_start3A_4] : memref<4096x80xi32, #tpu.memory_space<hbm>> -> memref<16x80xi32, #tpu.memory_space<hbm>>
    tpu.enqueue_dma source(%dma_start3A_5 : memref<16x80xi32, #tpu.memory_space<hbm>>) target(%arg6 : memref<16x80xi32, #tpu.memory_space<vmem>>) target_semaphore(%arg11 : memref<!tpu.dma_semaphore, #tpu.memory_space<semaphore_mem>>)
    %dma_start3A_6 = arith.constant 0 : i32
    %dma_start3A_7 = tpu.memref_slice %arg4[%mul3A_2, %dma_start3A_6] : memref<4096x80xi32, #tpu.memory_space<hbm>> -> memref<16x80xi32, #tpu.memory_space<hbm>>
    %dma_start3A_8 = arith.constant 0 : i32
    %dma_start3A_9 = tpu.memref_slice %arg4[%mul3A_2, %dma_start3A_8] : memref<4096x80xi32, #tpu.memory_space<hbm>> -> memref<16x80xi32, #tpu.memory_space<hbm>>
    tpu.enqueue_dma source(%dma_start3A_9 : memref<16x80xi32, #tpu.memory_space<hbm>>) target(%arg7 : memref<16x80xi32, #tpu.memory_space<vmem>>) target_semaphore(%arg12 : memref<!tpu.dma_semaphore, #tpu.memory_space<semaphore_mem>>)
    %scan3A = arith.constant 0 : i32
    %scan3A_10 = arith.constant 80 : i32
    %scan3A_11 = arith.addi %scan3A, %scan3A_10 : i32
    %scan3A_12 = arith.constant 1 : i32
    scf.for %scan3A_40 = %scan3A to %scan3A_11 step %scan3A_12  : i32 {
      %mul3A_41 = arith.constant 1 : i32
      %mul3A_42 = arith.muli %scan3A_40, %mul3A_41 : i32
      %add3A_43 = arith.constant 0 : i32
      %add3A_44 = arith.addi %add3A_43, %mul3A_42 : i32
      %scan3A_45 = arith.constant 0 : i32
      %scan3A_46 = arith.constant 8 : i32
      %scan3A_47 = arith.addi %scan3A_45, %scan3A_46 : i32
      %scan3A_48 = arith.constant 1 : i32
      scf.for %scan3A_50 = %scan3A_45 to %scan3A_47 step %scan3A_48  : i32 {
        %mul3A_51 = arith.constant 16 : i32
        %mul3A_52 = arith.muli %scan3A_50, %mul3A_51 : i32
        %add3A_53 = arith.constant 0 : i32
        %add3A_54 = arith.addi %add3A_53, %mul3A_52 : i32
        %broadcast_in_dim3A = arith.constant 0.000000e+00 : f32
        %broadcast_in_dim3A_55 = vector.broadcast %broadcast_in_dim3A : f32 to vector<16xf32>
        %swap3A = arith.index_cast %add3A_44 : i32 to index
        %swap3A_56 = arith.index_cast %add3A_54 : i32 to index
        %swap3A_57 = tpu.vector_load %arg8[%swap3A, %swap3A_56] {strides = array<i32>} : memref<80x128xf32, #tpu.memory_space<vmem>>, vector<16xf32>,
        tpu.vector_store %arg8[%swap3A, %swap3A_56], %broadcast_in_dim3A_55 {strides = array<i32>} : memref<80x128xf32, #tpu.memory_space<vmem>>, vector<16xf32>,
      }
      %scan3A_49 = arith.constant 8 : i32
    }
    %scan3A_13 = arith.constant 80 : i32
    %scan3A_14 = arith.constant 0 : i32
    %scan3A_15 = arith.constant 8 : i32
    %scan3A_16 = arith.addi %scan3A_14, %scan3A_15 : i32
    %scan3A_17 = arith.constant 1 : i32
    scf.for %scan3A_40 = %scan3A_14 to %scan3A_16 step %scan3A_17  : i32 {
      %mul3A_41 = arith.constant 80 : i32
      %mul3A_42 = arith.muli %scan3A_40, %mul3A_41 : i32
      %add3A_43 = arith.constant 0 : i32
      %add3A_44 = arith.addi %add3A_43, %mul3A_42 : i32
      %mul3A_45 = arith.constant 640 : i32
      %mul3A_46 = arith.muli %arg1, %mul3A_45 : i32
      %add3A_47 = arith.addi %mul3A_46, %add3A_44 : i32
      %dma_start3A_48 = arith.constant 0 : i32
      %dma_start3A_49 = tpu.memref_slice %arg10[%add3A_47, %dma_start3A_48] : memref<10240x128xf32, #tpu.memory_space<vmem_shared>> -> memref<80x128xf32, #tpu.memory_space<vmem_shared>>
      %dma_start3A_50 = arith.constant 0 : i32
      %dma_start3A_51 = tpu.memref_slice %arg10[%add3A_47, %dma_start3A_50] : memref<10240x128xf32, #tpu.memory_space<vmem_shared>> -> memref<80x128xf32, #tpu.memory_space<vmem_shared>>
      tpu.enqueue_dma source(%arg8 : memref<80x128xf32, #tpu.memory_space<vmem>>) target(%dma_start3A_51 : memref<80x128xf32, #tpu.memory_space<vmem_shared>>) target_semaphore(%arg13 : memref<!tpu.dma_semaphore, #tpu.memory_space<semaphore_mem>>)
    }
    %scan3A_18 = arith.constant 8 : i32
    %scan3A_19 = arith.constant 0 : i32
    %scan3A_20 = arith.constant 8 : i32
    %scan3A_21 = arith.addi %scan3A_19, %scan3A_20 : i32
    %scan3A_22 = arith.constant 1 : i32
    scf.for %scan3A_40 = %scan3A_19 to %scan3A_21 step %scan3A_22  : i32 {
      %mul3A_41 = arith.constant 80 : i32
      %mul3A_42 = arith.muli %scan3A_40, %mul3A_41 : i32
      %add3A_43 = arith.constant 0 : i32
      %add3A_44 = arith.addi %add3A_43, %mul3A_42 : i32
      %mul3A_45 = arith.constant 640 : i32
      %mul3A_46 = arith.muli %arg1, %mul3A_45 : i32
      %add3A_47 = arith.addi %mul3A_46, %add3A_44 : i32
      %dma_wait3A = arith.constant 0 : i32
      %dma_wait3A_48 = tpu.memref_slice %arg10[%add3A_47, %dma_wait3A] : memref<10240x128xf32, #tpu.memory_space<vmem_shared>> -> memref<80x128xf32, #tpu.memory_space<vmem_shared>>
      %dma_wait3A_49 = arith.constant 0 : i32
      %dma_wait3A_50 = tpu.memref_slice %arg10[%add3A_47, %dma_wait3A_49] : memref<10240x128xf32, #tpu.memory_space<vmem_shared>> -> memref<80x128xf32, #tpu.memory_space<vmem_shared>>
      tpu.wait_dma2 semaphore(%arg13 : memref<!tpu.dma_semaphore, #tpu.memory_space<semaphore_mem>>) src(%arg8 : memref<80x128xf32, #tpu.memory_space<vmem>>) dst(%dma_wait3A_50 : memref<80x128xf32, #tpu.memory_space<vmem_shared>>)
    }
    %scan3A_23 = arith.constant 8 : i32
    %barrier3A = arith.constant 0 : index
    tpu.barrier barrier_id(%barrier3A)
    %scan3A_24 = arith.constant 0 : i32
    %scan3A_25 = arith.constant 8 : i32
    %scan3A_26 = arith.addi %scan3A_24, %scan3A_25 : i32
    %scan3A_27 = arith.constant 1 : i32
    scf.for %scan3A_40 = %scan3A_24 to %scan3A_26 step %scan3A_27  : i32 {
      %mul3A_41 = arith.constant 1 : i32
      %mul3A_42 = arith.muli %scan3A_40, %mul3A_41 : i32
      %add3A_43 = arith.constant 0 : i32
      %add3A_44 = arith.addi %add3A_43, %mul3A_42 : i32
      %mul3A_45 = arith.constant 16 : i32
      %mul3A_46 = arith.muli %add3A_44, %mul3A_45 : i32
      %add3A_47 = arith.addi %mul3A_2, %mul3A_46 : i32
      %gt3A = arith.constant 0 : i32
      %gt3A_48 = arith.cmpi sgt, %add3A_44, %gt3A : i32
      %convert_element_type3A = arith.extui %gt3A_48 : i1 to i32
      %cond3A = arith.constant 0 : i32
      %cond3A_49 = arith.cmpi ne, %convert_element_type3A, %cond3A : i32
      scf.if %cond3A_49 {
        %dma_start3A_69 = arith.constant 0 : i32
        %dma_start3A_70 = tpu.memref_slice %arg3[%add3A_47, %dma_start3A_69] : memref<4096x80xi32, #tpu.memory_space<hbm>> -> memref<16x80xi32, #tpu.memory_space<hbm>>
        %dma_start3A_71 = arith.constant 0 : i32
        %dma_start3A_72 = tpu.memref_slice %arg3[%add3A_47, %dma_start3A_71] : memref<4096x80xi32, #tpu.memory_space<hbm>> -> memref<16x80xi32, #tpu.memory_space<hbm>>
        tpu.enqueue_dma source(%dma_start3A_72 : memref<16x80xi32, #tpu.memory_space<hbm>>) target(%arg6 : memref<16x80xi32, #tpu.memory_space<vmem>>) target_semaphore(%arg11 : memref<!tpu.dma_semaphore, #tpu.memory_space<semaphore_mem>>)
        %dma_start3A_73 = arith.constant 0 : i32
        %dma_start3A_74 = tpu.memref_slice %arg4[%add3A_47, %dma_start3A_73] : memref<4096x80xi32, #tpu.memory_space<hbm>> -> memref<16x80xi32, #tpu.memory_space<hbm>>
        %dma_start3A_75 = arith.constant 0 : i32
        %dma_start3A_76 = tpu.memref_slice %arg4[%add3A_47, %dma_start3A_75] : memref<4096x80xi32, #tpu.memory_space<hbm>> -> memref<16x80xi32, #tpu.memory_space<hbm>>
        tpu.enqueue_dma source(%dma_start3A_76 : memref<16x80xi32, #tpu.memory_space<hbm>>) target(%arg7 : memref<16x80xi32, #tpu.memory_space<vmem>>) target_semaphore(%arg12 : memref<!tpu.dma_semaphore, #tpu.memory_space<semaphore_mem>>)
      } else {
      }
      %dma_wait3A = arith.constant 0 : i32
      %dma_wait3A_50 = tpu.memref_slice %arg3[%add3A_47, %dma_wait3A] : memref<4096x80xi32, #tpu.memory_space<hbm>> -> memref<16x80xi32, #tpu.memory_space<hbm>>
      %dma_wait3A_51 = arith.constant 0 : i32
      %dma_wait3A_52 = tpu.memref_slice %arg3[%add3A_47, %dma_wait3A_51] : memref<4096x80xi32, #tpu.memory_space<hbm>> -> memref<16x80xi32, #tpu.memory_space<hbm>>
      tpu.wait_dma2 semaphore(%arg11 : memref<!tpu.dma_semaphore, #tpu.memory_space<semaphore_mem>>) src(%dma_wait3A_52 : memref<16x80xi32, #tpu.memory_space<hbm>>) dst(%arg6 : memref<16x80xi32, #tpu.memory_space<vmem>>)
      %dma_wait3A_53 = arith.constant 0 : i32
      %dma_wait3A_54 = tpu.memref_slice %arg4[%add3A_47, %dma_wait3A_53] : memref<4096x80xi32, #tpu.memory_space<hbm>> -> memref<16x80xi32, #tpu.memory_space<hbm>>
      %dma_wait3A_55 = arith.constant 0 : i32
      %dma_wait3A_56 = tpu.memref_slice %arg4[%add3A_47, %dma_wait3A_55] : memref<4096x80xi32, #tpu.memory_space<hbm>> -> memref<16x80xi32, #tpu.memory_space<hbm>>
      tpu.wait_dma2 semaphore(%arg12 : memref<!tpu.dma_semaphore, #tpu.memory_space<semaphore_mem>>) src(%dma_wait3A_56 : memref<16x80xi32, #tpu.memory_space<hbm>>) dst(%arg7 : memref<16x80xi32, #tpu.memory_space<vmem>>)
      %dma_start3A_57 = arith.constant 0 : i32
      %dma_start3A_58 = arith.constant 0 : i32
      %dma_start3A_59 = tpu.memref_slice %arg6[%dma_start3A_57, %dma_start3A_58] : memref<16x80xi32, #tpu.memory_space<vmem>> -> memref<1x80xi32, #tpu.memory_space<vmem>>
      %dma_start3A_60 = tpu.memref_squeeze %dma_start3A_59 : memref<1x80xi32, #tpu.memory_space<vmem>> -> memref<80xi32, #tpu.memory_space<vmem>>
      %dma_start3A_61 = arith.constant 0 : i32
      %dma_start3A_62 = arith.constant 0 : i32
      %dma_start3A_63 = tpu.memref_slice %arg2[%dma_start3A_61, %dma_start3A_62] : memref<10240x128xf32, #tpu.memory_space<hbm>> -> memref<10240x128xf32, #tpu.memory_space<hbm>>
      tpu.enqueue_indirect_dma source(%dma_start3A_63 : memref<10240x128xf32, #tpu.memory_space<hbm>>) target(%arg8 : memref<80x128xf32, #tpu.memory_space<vmem>>) offsets(%dma_start3A_60 : memref<80xi32, #tpu.memory_space<vmem>>) semaphore(%arg11 : memref<!tpu.dma_semaphore, #tpu.memory_space<semaphore_mem>>)
      %scan3A_64 = arith.constant 0 : i32
      %scan3A_65 = arith.constant 8 : i32
      %scan3A_66 = arith.addi %scan3A_64, %scan3A_65 : i32
      %scan3A_67 = arith.constant 1 : i32
      scf.for %scan3A_69 = %scan3A_64 to %scan3A_66 step %scan3A_67  : i32 {
        %mul3A_70 = arith.constant 2 : i32
        %mul3A_71 = arith.muli %scan3A_69, %mul3A_70 : i32
        %add3A_72 = arith.constant 0 : i32
        %add3A_73 = arith.addi %add3A_72, %mul3A_71 : i32
        %add3A_74 = arith.constant 1 : i32
        %add3A_75 = arith.addi %add3A_73, %add3A_74 : i32
        %dma_start3A_76 = arith.constant 0 : i32
        %dma_start3A_77 = tpu.memref_slice %arg6[%add3A_75, %dma_start3A_76] : memref<16x80xi32, #tpu.memory_space<vmem>> -> memref<1x80xi32, #tpu.memory_space<vmem>>
        %dma_start3A_78 = tpu.memref_squeeze %dma_start3A_77 : memref<1x80xi32, #tpu.memory_space<vmem>> -> memref<80xi32, #tpu.memory_space<vmem>>
        %dma_start3A_79 = arith.constant 0 : i32
        %dma_start3A_80 = arith.constant 0 : i32
        %dma_start3A_81 = tpu.memref_slice %arg2[%dma_start3A_79, %dma_start3A_80] : memref<10240x128xf32, #tpu.memory_space<hbm>> -> memref<10240x128xf32, #tpu.memory_space<hbm>>
        tpu.enqueue_indirect_dma source(%dma_start3A_81 : memref<10240x128xf32, #tpu.memory_space<hbm>>) target(%arg9 : memref<80x128xf32, #tpu.memory_space<vmem>>) offsets(%dma_start3A_78 : memref<80xi32, #tpu.memory_space<vmem>>) semaphore(%arg12 : memref<!tpu.dma_semaphore, #tpu.memory_space<semaphore_mem>>)
        %dma_wait3A_82 = arith.constant 0 : i32
        %dma_wait3A_83 = tpu.memref_slice %arg6[%add3A_73, %dma_wait3A_82] : memref<16x80xi32, #tpu.memory_space<vmem>> -> memref<1x80xi32, #tpu.memory_space<vmem>>
        %dma_wait3A_84 = tpu.memref_squeeze %dma_wait3A_83 : memref<1x80xi32, #tpu.memory_space<vmem>> -> memref<80xi32, #tpu.memory_space<vmem>>
        %dma_wait3A_85 = arith.constant 0 : i32
        %dma_wait3A_86 = arith.constant 0 : i32
        %dma_wait3A_87 = tpu.memref_slice %arg2[%dma_wait3A_85, %dma_wait3A_86] : memref<10240x128xf32, #tpu.memory_space<hbm>> -> memref<10240x128xf32, #tpu.memory_space<hbm>>
        tpu.wait_indirect_dma semaphore(%arg11 : memref<!tpu.dma_semaphore, #tpu.memory_space<semaphore_mem>>) src(%dma_wait3A_87 : memref<10240x128xf32, #tpu.memory_space<hbm>>) dst(%arg8 : memref<80x128xf32, #tpu.memory_space<vmem>>)
        "tpu.region"() ({
          %run_scoped3A = tpu.sem_alloc : memref<!tpu.dma_semaphore, #tpu.memory_space<semaphore_mem>>
          %dma_start3A_104 = arith.constant 0 : i32
          %dma_start3A_105 = tpu.memref_slice %arg7[%add3A_73, %dma_start3A_104] : memref<16x80xi32, #tpu.memory_space<vmem>> -> memref<1x80xi32, #tpu.memory_space<vmem>>
          %dma_start3A_106 = tpu.memref_squeeze %dma_start3A_105 : memref<1x80xi32, #tpu.memory_space<vmem>> -> memref<80xi32, #tpu.memory_space<vmem>>
          %dma_start3A_107 = arith.constant 0 : i32
          %dma_start3A_108 = arith.constant 0 : i32
          %dma_start3A_109 = tpu.memref_slice %arg10[%dma_start3A_107, %dma_start3A_108] : memref<10240x128xf32, #tpu.memory_space<vmem_shared>> -> memref<10240x128xf32, #tpu.memory_space<vmem_shared>>
          tpu.enqueue_indirect_dma source(%arg8 : memref<80x128xf32, #tpu.memory_space<vmem>>) target(%dma_start3A_109 : memref<10240x128xf32, #tpu.memory_space<vmem_shared>>) offsets(%dma_start3A_106 : memref<80xi32, #tpu.memory_space<vmem>>) semaphore(%run_scoped3A : memref<!tpu.dma_semaphore, #tpu.memory_space<semaphore_mem>>) {add = true}
          %dma_wait3A_110 = arith.constant 0 : i32
          %dma_wait3A_111 = tpu.memref_slice %arg7[%add3A_73, %dma_wait3A_110] : memref<16x80xi32, #tpu.memory_space<vmem>> -> memref<1x80xi32, #tpu.memory_space<vmem>>
          %dma_wait3A_112 = tpu.memref_squeeze %dma_wait3A_111 : memref<1x80xi32, #tpu.memory_space<vmem>> -> memref<80xi32, #tpu.memory_space<vmem>>
          %dma_wait3A_113 = arith.constant 0 : i32
          %dma_wait3A_114 = arith.constant 0 : i32
          %dma_wait3A_115 = tpu.memref_slice %arg10[%dma_wait3A_113, %dma_wait3A_114] : memref<10240x128xf32, #tpu.memory_space<vmem_shared>> -> memref<10240x128xf32, #tpu.memory_space<vmem_shared>>
          tpu.wait_indirect_dma semaphore(%run_scoped3A : memref<!tpu.dma_semaphore, #tpu.memory_space<semaphore_mem>>) src(%arg8 : memref<80x128xf32, #tpu.memory_space<vmem>>) dst(%dma_wait3A_115 : memref<10240x128xf32, #tpu.memory_space<vmem_shared>>)
          tpu.yield
        }) : () -> ()
        %add3A_88 = arith.constant 2 : i32
        %add3A_89 = arith.addi %add3A_73, %add3A_88 : i32
        %lt3A = arith.constant 16 : i32
        %lt3A_90 = arith.cmpi slt, %add3A_89, %lt3A : i32
        %convert_element_type3A_91 = arith.extui %lt3A_90 : i1 to i32
        %cond3A_92 = arith.constant 0 : i32
        %cond3A_93 = arith.cmpi ne, %convert_element_type3A_91, %cond3A_92 : i32
        scf.if %cond3A_93 {
          %add3A_104 = arith.constant 2 : i32
          %add3A_105 = arith.addi %add3A_73, %add3A_104 : i32
          %dma_start3A_106 = arith.constant 0 : i32
          %dma_start3A_107 = tpu.memref_slice %arg6[%add3A_105, %dma_start3A_106] : memref<16x80xi32, #tpu.memory_space<vmem>> -> memref<1x80xi32, #tpu.memory_space<vmem>>
          %dma_start3A_108 = tpu.memref_squeeze %dma_start3A_107 : memref<1x80xi32, #tpu.memory_space<vmem>> -> memref<80xi32, #tpu.memory_space<vmem>>
          %dma_start3A_109 = arith.constant 0 : i32
          %dma_start3A_110 = arith.constant 0 : i32
          %dma_start3A_111 = tpu.memref_slice %arg2[%dma_start3A_109, %dma_start3A_110] : memref<10240x128xf32, #tpu.memory_space<hbm>> -> memref<10240x128xf32, #tpu.memory_space<hbm>>
          tpu.enqueue_indirect_dma source(%dma_start3A_111 : memref<10240x128xf32, #tpu.memory_space<hbm>>) target(%arg8 : memref<80x128xf32, #tpu.memory_space<vmem>>) offsets(%dma_start3A_108 : memref<80xi32, #tpu.memory_space<vmem>>) semaphore(%arg11 : memref<!tpu.dma_semaphore, #tpu.memory_space<semaphore_mem>>)
        } else {
        }
        %add3A_94 = arith.constant 1 : i32
        %add3A_95 = arith.addi %add3A_73, %add3A_94 : i32
        %dma_wait3A_96 = arith.constant 0 : i32
        %dma_wait3A_97 = tpu.memref_slice %arg6[%add3A_95, %dma_wait3A_96] : memref<16x80xi32, #tpu.memory_space<vmem>> -> memref<1x80xi32, #tpu.memory_space<vmem>>
        %dma_wait3A_98 = tpu.memref_squeeze %dma_wait3A_97 : memref<1x80xi32, #tpu.memory_space<vmem>> -> memref<80xi32, #tpu.memory_space<vmem>>
        %dma_wait3A_99 = arith.constant 0 : i32
        %dma_wait3A_100 = arith.constant 0 : i32
        %dma_wait3A_101 = tpu.memref_slice %arg2[%dma_wait3A_99, %dma_wait3A_100] : memref<10240x128xf32, #tpu.memory_space<hbm>> -> memref<10240x128xf32, #tpu.memory_space<hbm>>
        tpu.wait_indirect_dma semaphore(%arg12 : memref<!tpu.dma_semaphore, #tpu.memory_space<semaphore_mem>>) src(%dma_wait3A_101 : memref<10240x128xf32, #tpu.memory_space<hbm>>) dst(%arg9 : memref<80x128xf32, #tpu.memory_space<vmem>>)
        %add3A_102 = arith.constant 1 : i32
        %add3A_103 = arith.addi %add3A_73, %add3A_102 : i32
        "tpu.region"() ({
          %run_scoped3A = tpu.sem_alloc : memref<!tpu.dma_semaphore, #tpu.memory_space<semaphore_mem>>
          %dma_start3A_104 = arith.constant 0 : i32
          %dma_start3A_105 = tpu.memref_slice %arg7[%add3A_103, %dma_start3A_104] : memref<16x80xi32, #tpu.memory_space<vmem>> -> memref<1x80xi32, #tpu.memory_space<vmem>>
          %dma_start3A_106 = tpu.memref_squeeze %dma_start3A_105 : memref<1x80xi32, #tpu.memory_space<vmem>> -> memref<80xi32, #tpu.memory_space<vmem>>
          %dma_start3A_107 = arith.constant 0 : i32
          %dma_start3A_108 = arith.constant 0 : i32
          %dma_start3A_109 = tpu.memref_slice %arg10[%dma_start3A_107, %dma_start3A_108] : memref<10240x128xf32, #tpu.memory_space<vmem_shared>> -> memref<10240x128xf32, #tpu.memory_space<vmem_shared>>
          tpu.enqueue_indirect_dma source(%arg9 : memref<80x128xf32, #tpu.memory_space<vmem>>) target(%dma_start3A_109 : memref<10240x128xf32, #tpu.memory_space<vmem_shared>>) offsets(%dma_start3A_106 : memref<80xi32, #tpu.memory_space<vmem>>) semaphore(%run_scoped3A : memref<!tpu.dma_semaphore, #tpu.memory_space<semaphore_mem>>) {add = true}
          %dma_wait3A_110 = arith.constant 0 : i32
          %dma_wait3A_111 = tpu.memref_slice %arg7[%add3A_103, %dma_wait3A_110] : memref<16x80xi32, #tpu.memory_space<vmem>> -> memref<1x80xi32, #tpu.memory_space<vmem>>
          %dma_wait3A_112 = tpu.memref_squeeze %dma_wait3A_111 : memref<1x80xi32, #tpu.memory_space<vmem>> -> memref<80xi32, #tpu.memory_space<vmem>>
          %dma_wait3A_113 = arith.constant 0 : i32
          %dma_wait3A_114 = arith.constant 0 : i32
          %dma_wait3A_115 = tpu.memref_slice %arg10[%dma_wait3A_113, %dma_wait3A_114] : memref<10240x128xf32, #tpu.memory_space<vmem_shared>> -> memref<10240x128xf32, #tpu.memory_space<vmem_shared>>
          tpu.wait_indirect_dma semaphore(%run_scoped3A : memref<!tpu.dma_semaphore, #tpu.memory_space<semaphore_mem>>) src(%arg9 : memref<80x128xf32, #tpu.memory_space<vmem>>) dst(%dma_wait3A_115 : memref<10240x128xf32, #tpu.memory_space<vmem_shared>>)
          tpu.yield
        }) : () -> ()
      }
      %scan3A_68 = arith.constant 8 : i32
    }
    %scan3A_28 = arith.constant 8 : i32
    %barrier3A_29 = arith.constant 0 : index
    tpu.barrier barrier_id(%barrier3A_29)
    %scan3A_30 = arith.constant 0 : i32
    %scan3A_31 = arith.constant 8 : i32
    %scan3A_32 = arith.addi %scan3A_30, %scan3A_31 : i32
    %scan3A_33 = arith.constant 1 : i32
    scf.for %scan3A_40 = %scan3A_30 to %scan3A_32 step %scan3A_33  : i32 {
      %mul3A_41 = arith.constant 80 : i32
      %mul3A_42 = arith.muli %scan3A_40, %mul3A_41 : i32
      %add3A_43 = arith.constant 0 : i32
      %add3A_44 = arith.addi %add3A_43, %mul3A_42 : i32
      %mul3A_45 = arith.constant 640 : i32
      %mul3A_46 = arith.muli %arg1, %mul3A_45 : i32
      %add3A_47 = arith.addi %mul3A_46, %add3A_44 : i32
      %mul3A_48 = arith.constant 640 : i32
      %mul3A_49 = arith.muli %arg1, %mul3A_48 : i32
      %add3A_50 = arith.addi %mul3A_49, %add3A_44 : i32
      %dma_start3A_51 = arith.constant 0 : i32
      %dma_start3A_52 = tpu.memref_slice %arg5[%arg0, %add3A_50, %dma_start3A_51] : memref<2x10240x128xf32, #tpu.memory_space<hbm>> -> memref<1x80x128xf32, #tpu.memory_space<hbm>>
      %dma_start3A_53 = tpu.memref_squeeze %dma_start3A_52 : memref<1x80x128xf32, #tpu.memory_space<hbm>> -> memref<80x128xf32, #tpu.memory_space<hbm>>
      %dma_start3A_54 = arith.constant 0 : i32
      %dma_start3A_55 = tpu.memref_slice %arg10[%add3A_47, %dma_start3A_54] : memref<10240x128xf32, #tpu.memory_space<vmem_shared>> -> memref<80x128xf32, #tpu.memory_space<vmem_shared>>
      tpu.enqueue_dma source(%dma_start3A_55 : memref<80x128xf32, #tpu.memory_space<vmem_shared>>) target(%dma_start3A_53 : memref<80x128xf32, #tpu.memory_space<hbm>>) target_semaphore(%arg13 : memref<!tpu.dma_semaphore, #tpu.memory_space<semaphore_mem>>)
    }
    %scan3A_34 = arith.constant 8 : i32
    %scan3A_35 = arith.constant 0 : i32
    %scan3A_36 = arith.constant 8 : i32
    %scan3A_37 = arith.addi %scan3A_35, %scan3A_36 : i32
    %scan3A_38 = arith.constant 1 : i32
    scf.for %scan3A_40 = %scan3A_35 to %scan3A_37 step %scan3A_38  : i32 {
      %mul3A_41 = arith.constant 80 : i32
      %mul3A_42 = arith.muli %scan3A_40, %mul3A_41 : i32
      %add3A_43 = arith.constant 0 : i32
      %add3A_44 = arith.addi %add3A_43, %mul3A_42 : i32
      %mul3A_45 = arith.constant 640 : i32
      %mul3A_46 = arith.muli %arg1, %mul3A_45 : i32
      %add3A_47 = arith.addi %mul3A_46, %add3A_44 : i32
      %mul3A_48 = arith.constant 640 : i32
      %mul3A_49 = arith.muli %arg1, %mul3A_48 : i32
      %add3A_50 = arith.addi %mul3A_49, %add3A_44 : i32
      %dma_wait3A = arith.constant 0 : i32
      %dma_wait3A_51 = tpu.memref_slice %arg5[%arg0, %add3A_50, %dma_wait3A] : memref<2x10240x128xf32, #tpu.memory_space<hbm>> -> memref<1x80x128xf32, #tpu.memory_space<hbm>>
      %dma_wait3A_52 = tpu.memref_squeeze %dma_wait3A_51 : memref<1x80x128xf32, #tpu.memory_space<hbm>> -> memref<80x128xf32, #tpu.memory_space<hbm>>
      %dma_wait3A_53 = arith.constant 0 : i32
      %dma_wait3A_54 = tpu.memref_slice %arg10[%add3A_47, %dma_wait3A_53] : memref<10240x128xf32, #tpu.memory_space<vmem_shared>> -> memref<80x128xf32, #tpu.memory_space<vmem_shared>>
      tpu.wait_dma2 semaphore(%arg13 : memref<!tpu.dma_semaphore, #tpu.memory_space<semaphore_mem>>) src(%dma_wait3A_54 : memref<80x128xf32, #tpu.memory_space<vmem_shared>>) dst(%dma_wait3A_52 : memref<80x128xf32, #tpu.memory_space<hbm>>)
    }
    %scan3A_39 = arith.constant 8 : i32
    return
  }
}

#map = affine_map<(d0, d1) -> (0)>
#map1 = affine_map<(d0, d1) -> (0, 0)>
module attributes {stable_mosaic.version = 14 : i64} {
  func.func @k(%arg0: i32, %arg1: i32, %arg2: memref<327680xi32, #tpu.memory_space<hbm>>, %arg3: memref<32x10240xf32, #tpu.memory_space<hbm>>, %arg4: memref<10240xi32, #tpu.memory_space<vmem>>, %arg5: memref<10240xf32, #tpu.memory_space<vmem>>) attributes {dimension_semantics = [#tpu.dimension_semantics<core_parallel>, #tpu.dimension_semantics<subcore_parallel>], iteration_bounds = array<i64: 2, 16>, scalar_prefetch = 0 : i64, scratch_operands = 2 : i64, tpu.core_type = #tpu.core_type<sc_vector_subcore>, window_params = [{transform_indices = #map}, {transform_indices = #map1}]} {
    %mul3A = arith.constant 2 : i32
    %mul3A_0 = arith.muli %arg1, %mul3A : i32
    %add3A = arith.addi %mul3A_0, %arg0 : i32
    %scan3A = arith.constant 0 : i32
    %scan3A_1 = arith.constant 640 : i32
    %scan3A_2 = arith.addi %scan3A, %scan3A_1 : i32
    %scan3A_3 = arith.constant 1 : i32
    scf.for %scan3A_14 = %scan3A to %scan3A_2 step %scan3A_3  : i32 {
      %mul3A_15 = arith.constant 16 : i32
      %mul3A_16 = arith.muli %scan3A_14, %mul3A_15 : i32
      %add3A_17 = arith.constant 0 : i32
      %add3A_18 = arith.addi %add3A_17, %mul3A_16 : i32
      %broadcast_in_dim3A = arith.constant 0.000000e+00 : f32
      %broadcast_in_dim3A_19 = vector.broadcast %broadcast_in_dim3A : f32 to vector<16xf32>
      %swap3A = arith.index_cast %add3A_18 : i32 to index
      %swap3A_20 = tpu.vector_load %arg5[%swap3A] {strides = array<i32>} : memref<10240xf32, #tpu.memory_space<vmem>>, vector<16xf32>,
      tpu.vector_store %arg5[%swap3A], %broadcast_in_dim3A_19 {strides = array<i32>} : memref<10240xf32, #tpu.memory_space<vmem>>, vector<16xf32>,
    }
    %scan3A_4 = arith.constant 640 : i32
    %mul3A_5 = arith.constant 128 : i32
    %mul3A_6 = arith.muli %add3A, %mul3A_5 : i32
    %mul3A_7 = arith.constant 80 : i32
    %mul3A_8 = arith.muli %mul3A_6, %mul3A_7 : i32
    "tpu.region"() ({
      %run_scoped3A = tpu.sem_alloc : memref<!tpu.dma_semaphore, #tpu.memory_space<semaphore_mem>>
      %dma_start3A = tpu.memref_slice %arg2[%mul3A_8] : memref<327680xi32, #tpu.memory_space<hbm>> -> memref<10240xi32, #tpu.memory_space<hbm>>
      %dma_start3A_14 = tpu.memref_slice %arg2[%mul3A_8] : memref<327680xi32, #tpu.memory_space<hbm>> -> memref<10240xi32, #tpu.memory_space<hbm>>
      tpu.enqueue_dma source(%dma_start3A_14 : memref<10240xi32, #tpu.memory_space<hbm>>) target(%arg4 : memref<10240xi32, #tpu.memory_space<vmem>>) target_semaphore(%run_scoped3A : memref<!tpu.dma_semaphore, #tpu.memory_space<semaphore_mem>>)
      %dma_wait3A = tpu.memref_slice %arg2[%mul3A_8] : memref<327680xi32, #tpu.memory_space<hbm>> -> memref<10240xi32, #tpu.memory_space<hbm>>
      %dma_wait3A_15 = tpu.memref_slice %arg2[%mul3A_8] : memref<327680xi32, #tpu.memory_space<hbm>> -> memref<10240xi32, #tpu.memory_space<hbm>>
      tpu.wait_dma2 semaphore(%run_scoped3A : memref<!tpu.dma_semaphore, #tpu.memory_space<semaphore_mem>>) src(%dma_wait3A_15 : memref<10240xi32, #tpu.memory_space<hbm>>) dst(%arg4 : memref<10240xi32, #tpu.memory_space<vmem>>)
      tpu.yield
    }) : () -> ()
    %scan3A_9 = arith.constant 0 : i32
    %scan3A_10 = arith.constant 640 : i32
    %scan3A_11 = arith.addi %scan3A_9, %scan3A_10 : i32
    %scan3A_12 = arith.constant 1 : i32
    scf.for %scan3A_14 = %scan3A_9 to %scan3A_11 step %scan3A_12  : i32 {
      %mul3A_15 = arith.constant 16 : i32
      %mul3A_16 = arith.muli %scan3A_14, %mul3A_15 : i32
      %add3A_17 = arith.constant 0 : i32
      %add3A_18 = arith.addi %add3A_17, %mul3A_16 : i32
      %get3A = arith.index_cast %add3A_18 : i32 to index
      %get3A_19 = tpu.vector_load %arg4[%get3A] {strides = array<i32>} : memref<10240xi32, #tpu.memory_space<vmem>>, vector<16xi32>,
      %broadcast_in_dim3A = arith.constant 1.000000e+00 : f32
      %broadcast_in_dim3A_20 = vector.broadcast %broadcast_in_dim3A : f32 to vector<16xf32>
      tpu.vector_store_idx %arg5[%get3A_19], %broadcast_in_dim3A_20 {add = true} : memref<10240xf32, #tpu.memory_space<vmem>>[vector<16xi32>], vector<16xf32>,
    }
    %scan3A_13 = arith.constant 640 : i32
    "tpu.region"() ({
      %run_scoped3A = tpu.sem_alloc : memref<!tpu.dma_semaphore, #tpu.memory_space<semaphore_mem>>
      %dma_start3A = arith.constant 0 : i32
      %dma_start3A_14 = tpu.memref_slice %arg3[%add3A, %dma_start3A] : memref<32x10240xf32, #tpu.memory_space<hbm>> -> memref<1x10240xf32, #tpu.memory_space<hbm>>
      %dma_start3A_15 = tpu.memref_squeeze %dma_start3A_14 : memref<1x10240xf32, #tpu.memory_space<hbm>> -> memref<10240xf32, #tpu.memory_space<hbm>>
      %dma_start3A_16 = arith.constant 0 : i32
      %dma_start3A_17 = tpu.memref_slice %arg3[%add3A, %dma_start3A_16] : memref<32x10240xf32, #tpu.memory_space<hbm>> -> memref<1x10240xf32, #tpu.memory_space<hbm>>
      %dma_start3A_18 = tpu.memref_squeeze %dma_start3A_17 : memref<1x10240xf32, #tpu.memory_space<hbm>> -> memref<10240xf32, #tpu.memory_space<hbm>>
      tpu.enqueue_dma source(%arg5 : memref<10240xf32, #tpu.memory_space<vmem>>) target(%dma_start3A_18 : memref<10240xf32, #tpu.memory_space<hbm>>) target_semaphore(%run_scoped3A : memref<!tpu.dma_semaphore, #tpu.memory_space<semaphore_mem>>)
      %dma_wait3A = arith.constant 0 : i32
      %dma_wait3A_19 = tpu.memref_slice %arg3[%add3A, %dma_wait3A] : memref<32x10240xf32, #tpu.memory_space<hbm>> -> memref<1x10240xf32, #tpu.memory_space<hbm>>
      %dma_wait3A_20 = tpu.memref_squeeze %dma_wait3A_19 : memref<1x10240xf32, #tpu.memory_space<hbm>> -> memref<10240xf32, #tpu.memory_space<hbm>>
      %dma_wait3A_21 = arith.constant 0 : i32
      %dma_wait3A_22 = tpu.memref_slice %arg3[%add3A, %dma_wait3A_21] : memref<32x10240xf32, #tpu.memory_space<hbm>> -> memref<1x10240xf32, #tpu.memory_space<hbm>>
      %dma_wait3A_23 = tpu.memref_squeeze %dma_wait3A_22 : memref<1x10240xf32, #tpu.memory_space<hbm>> -> memref<10240xf32, #tpu.memory_space<hbm>>
      tpu.wait_dma2 semaphore(%run_scoped3A : memref<!tpu.dma_semaphore, #tpu.memory_space<semaphore_mem>>) src(%arg5 : memref<10240xf32, #tpu.memory_space<vmem>>) dst(%dma_wait3A_23 : memref<10240xf32, #tpu.memory_space<hbm>>)
      tpu.yield
    }) : () -> ()
    return
  }
}

#map = affine_map<(d0, d1) -> (0, 0)>
#map1 = affine_map<(d0, d1) -> (0, 0, 0)>
module attributes {stable_mosaic.version = 14 : i64} {
  func.func @k(%arg0: i32, %arg1: i32, %arg2: memref<10240x128xf32, #tpu.memory_space<hbm>>, %arg3: memref<4096x80xi32, #tpu.memory_space<hbm>>, %arg4: memref<4096x80xi32, #tpu.memory_space<hbm>>, %arg5: memref<2x10240x128xf32, #tpu.memory_space<hbm>>, %arg6: memref<16x80xi32, #tpu.memory_space<vmem>>, %arg7: memref<16x80xi32, #tpu.memory_space<vmem>>, %arg8: memref<80x128xf32, #tpu.memory_space<vmem>>, %arg9: memref<80x128xf32, #tpu.memory_space<vmem>>, %arg10: memref<10240x128xf32, #tpu.memory_space<vmem_shared>>, %arg11: memref<!tpu.dma_semaphore, #tpu.memory_space<semaphore_mem>>, %arg12: memref<!tpu.dma_semaphore, #tpu.memory_space<semaphore_mem>>, %arg13: memref<!tpu.dma_semaphore, #tpu.memory_space<semaphore_mem>>) attributes {dimension_semantics = [#tpu.dimension_semantics<core_parallel>, #tpu.dimension_semantics<subcore_parallel>], iteration_bounds = array<i64: 2, 16>, scalar_prefetch = 0 : i64, scratch_operands = 8 : i64, tpu.core_type = #tpu.core_type<sc_vector_subcore>, window_params = [{transform_indices = #map}, {transform_indices = #map}, {transform_indices = #map}, {transform_indices = #map1}]} {
    %mul3A = arith.constant 16 : i32
    %mul3A_0 = arith.muli %arg0, %mul3A : i32
    %add3A = arith.addi %mul3A_0, %arg1 : i32
    %mul3A_1 = arith.constant 128 : i32
    %mul3A_2 = arith.muli %add3A, %mul3A_1 : i32
    %dma_start3A = arith.constant 0 : i32
    %dma_start3A_3 = tpu.memref_slice %arg3[%mul3A_2, %dma_start3A] : memref<4096x80xi32, #tpu.memory_space<hbm>> -> memref<16x80xi32, #tpu.memory_space<hbm>>
    %dma_start3A_4 = arith.constant 0 : i32
    %dma_start3A_5 = tpu.memref_slice %arg3[%mul3A_2, %dma_start3A_4] : memref<4096x80xi32, #tpu.memory_space<hbm>> -> memref<16x80xi32, #tpu.memory_space<hbm>>
    tpu.enqueue_dma source(%dma_start3A_5 : memref<16x80xi32, #tpu.memory_space<hbm>>) target(%arg6 : memref<16x80xi32, #tpu.memory_space<vmem>>) target_semaphore(%arg11 : memref<!tpu.dma_semaphore, #tpu.memory_space<semaphore_mem>>)
    %dma_start3A_6 = arith.constant 0 : i32
    %dma_start3A_7 = tpu.memref_slice %arg4[%mul3A_2, %dma_start3A_6] : memref<4096x80xi32, #tpu.memory_space<hbm>> -> memref<16x80xi32, #tpu.memory_space<hbm>>
    %dma_start3A_8 = arith.constant 0 : i32
    %dma_start3A_9 = tpu.memref_slice %arg4[%mul3A_2, %dma_start3A_8] : memref<4096x80xi32, #tpu.memory_space<hbm>> -> memref<16x80xi32, #tpu.memory_space<hbm>>
    tpu.enqueue_dma source(%dma_start3A_9 : memref<16x80xi32, #tpu.memory_space<hbm>>) target(%arg7 : memref<16x80xi32, #tpu.memory_space<vmem>>) target_semaphore(%arg12 : memref<!tpu.dma_semaphore, #tpu.memory_space<semaphore_mem>>)
    %scan3A = arith.constant 0 : i32
    %scan3A_10 = arith.constant 80 : i32
    %scan3A_11 = arith.addi %scan3A, %scan3A_10 : i32
    %scan3A_12 = arith.constant 1 : i32
    scf.for %scan3A_40 = %scan3A to %scan3A_11 step %scan3A_12  : i32 {
      %mul3A_41 = arith.constant 1 : i32
      %mul3A_42 = arith.muli %scan3A_40, %mul3A_41 : i32
      %add3A_43 = arith.constant 0 : i32
      %add3A_44 = arith.addi %add3A_43, %mul3A_42 : i32
      %scan3A_45 = arith.constant 0 : i32
      %scan3A_46 = arith.constant 8 : i32
      %scan3A_47 = arith.addi %scan3A_45, %scan3A_46 : i32
      %scan3A_48 = arith.constant 1 : i32
      scf.for %scan3A_50 = %scan3A_45 to %scan3A_47 step %scan3A_48  : i32 {
        %mul3A_51 = arith.constant 16 : i32
        %mul3A_52 = arith.muli %scan3A_50, %mul3A_51 : i32
        %add3A_53 = arith.constant 0 : i32
        %add3A_54 = arith.addi %add3A_53, %mul3A_52 : i32
        %broadcast_in_dim3A = arith.constant 0.000000e+00 : f32
        %broadcast_in_dim3A_55 = vector.broadcast %broadcast_in_dim3A : f32 to vector<16xf32>
        %swap3A = arith.index_cast %add3A_44 : i32 to index
        %swap3A_56 = arith.index_cast %add3A_54 : i32 to index
        %swap3A_57 = tpu.vector_load %arg8[%swap3A, %swap3A_56] {strides = array<i32>} : memref<80x128xf32, #tpu.memory_space<vmem>>, vector<16xf32>,
        tpu.vector_store %arg8[%swap3A, %swap3A_56], %broadcast_in_dim3A_55 {strides = array<i32>} : memref<80x128xf32, #tpu.memory_space<vmem>>, vector<16xf32>,
      }
      %scan3A_49 = arith.constant 8 : i32
    }
    %scan3A_13 = arith.constant 80 : i32
    %scan3A_14 = arith.constant 0 : i32
    %scan3A_15 = arith.constant 8 : i32
    %scan3A_16 = arith.addi %scan3A_14, %scan3A_15 : i32
    %scan3A_17 = arith.constant 1 : i32
    scf.for %scan3A_40 = %scan3A_14 to %scan3A_16 step %scan3A_17  : i32 {
      %mul3A_41 = arith.constant 80 : i32
      %mul3A_42 = arith.muli %scan3A_40, %mul3A_41 : i32
      %add3A_43 = arith.constant 0 : i32
      %add3A_44 = arith.addi %add3A_43, %mul3A_42 : i32
      %mul3A_45 = arith.constant 640 : i32
      %mul3A_46 = arith.muli %arg1, %mul3A_45 : i32
      %add3A_47 = arith.addi %mul3A_46, %add3A_44 : i32
      %dma_start3A_48 = arith.constant 0 : i32
      %dma_start3A_49 = tpu.memref_slice %arg10[%add3A_47, %dma_start3A_48] : memref<10240x128xf32, #tpu.memory_space<vmem_shared>> -> memref<80x128xf32, #tpu.memory_space<vmem_shared>>
      %dma_start3A_50 = arith.constant 0 : i32
      %dma_start3A_51 = tpu.memref_slice %arg10[%add3A_47, %dma_start3A_50] : memref<10240x128xf32, #tpu.memory_space<vmem_shared>> -> memref<80x128xf32, #tpu.memory_space<vmem_shared>>
      tpu.enqueue_dma source(%arg8 : memref<80x128xf32, #tpu.memory_space<vmem>>) target(%dma_start3A_51 : memref<80x128xf32, #tpu.memory_space<vmem_shared>>) target_semaphore(%arg13 : memref<!tpu.dma_semaphore, #tpu.memory_space<semaphore_mem>>)
    }
    %scan3A_18 = arith.constant 8 : i32
    %scan3A_19 = arith.constant 0 : i32
    %scan3A_20 = arith.constant 8 : i32
    %scan3A_21 = arith.addi %scan3A_19, %scan3A_20 : i32
    %scan3A_22 = arith.constant 1 : i32
    scf.for %scan3A_40 = %scan3A_19 to %scan3A_21 step %scan3A_22  : i32 {
      %mul3A_41 = arith.constant 80 : i32
      %mul3A_42 = arith.muli %scan3A_40, %mul3A_41 : i32
      %add3A_43 = arith.constant 0 : i32
      %add3A_44 = arith.addi %add3A_43, %mul3A_42 : i32
      %mul3A_45 = arith.constant 640 : i32
      %mul3A_46 = arith.muli %arg1, %mul3A_45 : i32
      %add3A_47 = arith.addi %mul3A_46, %add3A_44 : i32
      %dma_wait3A = arith.constant 0 : i32
      %dma_wait3A_48 = tpu.memref_slice %arg10[%add3A_47, %dma_wait3A] : memref<10240x128xf32, #tpu.memory_space<vmem_shared>> -> memref<80x128xf32, #tpu.memory_space<vmem_shared>>
      %dma_wait3A_49 = arith.constant 0 : i32
      %dma_wait3A_50 = tpu.memref_slice %arg10[%add3A_47, %dma_wait3A_49] : memref<10240x128xf32, #tpu.memory_space<vmem_shared>> -> memref<80x128xf32, #tpu.memory_space<vmem_shared>>
      tpu.wait_dma2 semaphore(%arg13 : memref<!tpu.dma_semaphore, #tpu.memory_space<semaphore_mem>>) src(%arg8 : memref<80x128xf32, #tpu.memory_space<vmem>>) dst(%dma_wait3A_50 : memref<80x128xf32, #tpu.memory_space<vmem_shared>>)
    }
    %scan3A_23 = arith.constant 8 : i32
    %barrier3A = arith.constant 0 : index
    tpu.barrier barrier_id(%barrier3A)
    %scan3A_24 = arith.constant 0 : i32
    %scan3A_25 = arith.constant 8 : i32
    %scan3A_26 = arith.addi %scan3A_24, %scan3A_25 : i32
    %scan3A_27 = arith.constant 1 : i32
    scf.for %scan3A_40 = %scan3A_24 to %scan3A_26 step %scan3A_27  : i32 {
      %mul3A_41 = arith.constant 1 : i32
      %mul3A_42 = arith.muli %scan3A_40, %mul3A_41 : i32
      %add3A_43 = arith.constant 0 : i32
      %add3A_44 = arith.addi %add3A_43, %mul3A_42 : i32
      %mul3A_45 = arith.constant 16 : i32
      %mul3A_46 = arith.muli %add3A_44, %mul3A_45 : i32
      %add3A_47 = arith.addi %mul3A_2, %mul3A_46 : i32
      %gt3A = arith.constant 0 : i32
      %gt3A_48 = arith.cmpi sgt, %add3A_44, %gt3A : i32
      %convert_element_type3A = arith.extui %gt3A_48 : i1 to i32
      %cond3A = arith.constant 0 : i32
      %cond3A_49 = arith.cmpi ne, %convert_element_type3A, %cond3A : i32
      scf.if %cond3A_49 {
        %dma_start3A_69 = arith.constant 0 : i32
        %dma_start3A_70 = tpu.memref_slice %arg3[%add3A_47, %dma_start3A_69] : memref<4096x80xi32, #tpu.memory_space<hbm>> -> memref<16x80xi32, #tpu.memory_space<hbm>>
        %dma_start3A_71 = arith.constant 0 : i32
        %dma_start3A_72 = tpu.memref_slice %arg3[%add3A_47, %dma_start3A_71] : memref<4096x80xi32, #tpu.memory_space<hbm>> -> memref<16x80xi32, #tpu.memory_space<hbm>>
        tpu.enqueue_dma source(%dma_start3A_72 : memref<16x80xi32, #tpu.memory_space<hbm>>) target(%arg6 : memref<16x80xi32, #tpu.memory_space<vmem>>) target_semaphore(%arg11 : memref<!tpu.dma_semaphore, #tpu.memory_space<semaphore_mem>>)
        %dma_start3A_73 = arith.constant 0 : i32
        %dma_start3A_74 = tpu.memref_slice %arg4[%add3A_47, %dma_start3A_73] : memref<4096x80xi32, #tpu.memory_space<hbm>> -> memref<16x80xi32, #tpu.memory_space<hbm>>
        %dma_start3A_75 = arith.constant 0 : i32
        %dma_start3A_76 = tpu.memref_slice %arg4[%add3A_47, %dma_start3A_75] : memref<4096x80xi32, #tpu.memory_space<hbm>> -> memref<16x80xi32, #tpu.memory_space<hbm>>
        tpu.enqueue_dma source(%dma_start3A_76 : memref<16x80xi32, #tpu.memory_space<hbm>>) target(%arg7 : memref<16x80xi32, #tpu.memory_space<vmem>>) target_semaphore(%arg12 : memref<!tpu.dma_semaphore, #tpu.memory_space<semaphore_mem>>)
      } else {
      }
      %dma_wait3A = arith.constant 0 : i32
      %dma_wait3A_50 = tpu.memref_slice %arg3[%add3A_47, %dma_wait3A] : memref<4096x80xi32, #tpu.memory_space<hbm>> -> memref<16x80xi32, #tpu.memory_space<hbm>>
      %dma_wait3A_51 = arith.constant 0 : i32
      %dma_wait3A_52 = tpu.memref_slice %arg3[%add3A_47, %dma_wait3A_51] : memref<4096x80xi32, #tpu.memory_space<hbm>> -> memref<16x80xi32, #tpu.memory_space<hbm>>
      tpu.wait_dma2 semaphore(%arg11 : memref<!tpu.dma_semaphore, #tpu.memory_space<semaphore_mem>>) src(%dma_wait3A_52 : memref<16x80xi32, #tpu.memory_space<hbm>>) dst(%arg6 : memref<16x80xi32, #tpu.memory_space<vmem>>)
      %dma_wait3A_53 = arith.constant 0 : i32
      %dma_wait3A_54 = tpu.memref_slice %arg4[%add3A_47, %dma_wait3A_53] : memref<4096x80xi32, #tpu.memory_space<hbm>> -> memref<16x80xi32, #tpu.memory_space<hbm>>
      %dma_wait3A_55 = arith.constant 0 : i32
      %dma_wait3A_56 = tpu.memref_slice %arg4[%add3A_47, %dma_wait3A_55] : memref<4096x80xi32, #tpu.memory_space<hbm>> -> memref<16x80xi32, #tpu.memory_space<hbm>>
      tpu.wait_dma2 semaphore(%arg12 : memref<!tpu.dma_semaphore, #tpu.memory_space<semaphore_mem>>) src(%dma_wait3A_56 : memref<16x80xi32, #tpu.memory_space<hbm>>) dst(%arg7 : memref<16x80xi32, #tpu.memory_space<vmem>>)
      %dma_start3A_57 = arith.constant 0 : i32
      %dma_start3A_58 = arith.constant 0 : i32
      %dma_start3A_59 = tpu.memref_slice %arg6[%dma_start3A_57, %dma_start3A_58] : memref<16x80xi32, #tpu.memory_space<vmem>> -> memref<1x80xi32, #tpu.memory_space<vmem>>
      %dma_start3A_60 = tpu.memref_squeeze %dma_start3A_59 : memref<1x80xi32, #tpu.memory_space<vmem>> -> memref<80xi32, #tpu.memory_space<vmem>>
      %dma_start3A_61 = arith.constant 0 : i32
      %dma_start3A_62 = arith.constant 0 : i32
      %dma_start3A_63 = tpu.memref_slice %arg2[%dma_start3A_61, %dma_start3A_62] : memref<10240x128xf32, #tpu.memory_space<hbm>> -> memref<10240x128xf32, #tpu.memory_space<hbm>>
      tpu.enqueue_indirect_dma source(%dma_start3A_63 : memref<10240x128xf32, #tpu.memory_space<hbm>>) target(%arg8 : memref<80x128xf32, #tpu.memory_space<vmem>>) offsets(%dma_start3A_60 : memref<80xi32, #tpu.memory_space<vmem>>) semaphore(%arg11 : memref<!tpu.dma_semaphore, #tpu.memory_space<semaphore_mem>>)
      %scan3A_64 = arith.constant 0 : i32
      %scan3A_65 = arith.constant 8 : i32
      %scan3A_66 = arith.addi %scan3A_64, %scan3A_65 : i32
      %scan3A_67 = arith.constant 1 : i32
      scf.for %scan3A_69 = %scan3A_64 to %scan3A_66 step %scan3A_67  : i32 {
        %mul3A_70 = arith.constant 2 : i32
        %mul3A_71 = arith.muli %scan3A_69, %mul3A_70 : i32
        %add3A_72 = arith.constant 0 : i32
        %add3A_73 = arith.addi %add3A_72, %mul3A_71 : i32
        %add3A_74 = arith.constant 1 : i32
        %add3A_75 = arith.addi %add3A_73, %add3A_74 : i32
        %dma_start3A_76 = arith.constant 0 : i32
        %dma_start3A_77 = tpu.memref_slice %arg6[%add3A_75, %dma_start3A_76] : memref<16x80xi32, #tpu.memory_space<vmem>> -> memref<1x80xi32, #tpu.memory_space<vmem>>
        %dma_start3A_78 = tpu.memref_squeeze %dma_start3A_77 : memref<1x80xi32, #tpu.memory_space<vmem>> -> memref<80xi32, #tpu.memory_space<vmem>>
        %dma_start3A_79 = arith.constant 0 : i32
        %dma_start3A_80 = arith.constant 0 : i32
        %dma_start3A_81 = tpu.memref_slice %arg2[%dma_start3A_79, %dma_start3A_80] : memref<10240x128xf32, #tpu.memory_space<hbm>> -> memref<10240x128xf32, #tpu.memory_space<hbm>>
        tpu.enqueue_indirect_dma source(%dma_start3A_81 : memref<10240x128xf32, #tpu.memory_space<hbm>>) target(%arg9 : memref<80x128xf32, #tpu.memory_space<vmem>>) offsets(%dma_start3A_78 : memref<80xi32, #tpu.memory_space<vmem>>) semaphore(%arg12 : memref<!tpu.dma_semaphore, #tpu.memory_space<semaphore_mem>>)
        %dma_wait3A_82 = arith.constant 0 : i32
        %dma_wait3A_83 = tpu.memref_slice %arg6[%add3A_73, %dma_wait3A_82] : memref<16x80xi32, #tpu.memory_space<vmem>> -> memref<1x80xi32, #tpu.memory_space<vmem>>
        %dma_wait3A_84 = tpu.memref_squeeze %dma_wait3A_83 : memref<1x80xi32, #tpu.memory_space<vmem>> -> memref<80xi32, #tpu.memory_space<vmem>>
        %dma_wait3A_85 = arith.constant 0 : i32
        %dma_wait3A_86 = arith.constant 0 : i32
        %dma_wait3A_87 = tpu.memref_slice %arg2[%dma_wait3A_85, %dma_wait3A_86] : memref<10240x128xf32, #tpu.memory_space<hbm>> -> memref<10240x128xf32, #tpu.memory_space<hbm>>
        tpu.wait_indirect_dma semaphore(%arg11 : memref<!tpu.dma_semaphore, #tpu.memory_space<semaphore_mem>>) src(%dma_wait3A_87 : memref<10240x128xf32, #tpu.memory_space<hbm>>) dst(%arg8 : memref<80x128xf32, #tpu.memory_space<vmem>>)
        "tpu.region"() ({
          %run_scoped3A = tpu.sem_alloc : memref<!tpu.dma_semaphore, #tpu.memory_space<semaphore_mem>>
          %dma_start3A_104 = arith.constant 0 : i32
          %dma_start3A_105 = tpu.memref_slice %arg7[%add3A_73, %dma_start3A_104] : memref<16x80xi32, #tpu.memory_space<vmem>> -> memref<1x80xi32, #tpu.memory_space<vmem>>
          %dma_start3A_106 = tpu.memref_squeeze %dma_start3A_105 : memref<1x80xi32, #tpu.memory_space<vmem>> -> memref<80xi32, #tpu.memory_space<vmem>>
          %dma_start3A_107 = arith.constant 0 : i32
          %dma_start3A_108 = arith.constant 0 : i32
          %dma_start3A_109 = tpu.memref_slice %arg10[%dma_start3A_107, %dma_start3A_108] : memref<10240x128xf32, #tpu.memory_space<vmem_shared>> -> memref<10240x128xf32, #tpu.memory_space<vmem_shared>>
          tpu.enqueue_indirect_dma source(%arg8 : memref<80x128xf32, #tpu.memory_space<vmem>>) target(%dma_start3A_109 : memref<10240x128xf32, #tpu.memory_space<vmem_shared>>) offsets(%dma_start3A_106 : memref<80xi32, #tpu.memory_space<vmem>>) semaphore(%run_scoped3A : memref<!tpu.dma_semaphore, #tpu.memory_space<semaphore_mem>>) {add = true}
          %dma_wait3A_110 = arith.constant 0 : i32
          %dma_wait3A_111 = tpu.memref_slice %arg7[%add3A_73, %dma_wait3A_110] : memref<16x80xi32, #tpu.memory_space<vmem>> -> memref<1x80xi32, #tpu.memory_space<vmem>>
          %dma_wait3A_112 = tpu.memref_squeeze %dma_wait3A_111 : memref<1x80xi32, #tpu.memory_space<vmem>> -> memref<80xi32, #tpu.memory_space<vmem>>
          %dma_wait3A_113 = arith.constant 0 : i32
          %dma_wait3A_114 = arith.constant 0 : i32
          %dma_wait3A_115 = tpu.memref_slice %arg10[%dma_wait3A_113, %dma_wait3A_114] : memref<10240x128xf32, #tpu.memory_space<vmem_shared>> -> memref<10240x128xf32, #tpu.memory_space<vmem_shared>>
          tpu.wait_indirect_dma semaphore(%run_scoped3A : memref<!tpu.dma_semaphore, #tpu.memory_space<semaphore_mem>>) src(%arg8 : memref<80x128xf32, #tpu.memory_space<vmem>>) dst(%dma_wait3A_115 : memref<10240x128xf32, #tpu.memory_space<vmem_shared>>)
          tpu.yield
        }) : () -> ()
        %add3A_88 = arith.constant 2 : i32
        %add3A_89 = arith.addi %add3A_73, %add3A_88 : i32
        %lt3A = arith.constant 16 : i32
        %lt3A_90 = arith.cmpi slt, %add3A_89, %lt3A : i32
        %convert_element_type3A_91 = arith.extui %lt3A_90 : i1 to i32
        %cond3A_92 = arith.constant 0 : i32
        %cond3A_93 = arith.cmpi ne, %convert_element_type3A_91, %cond3A_92 : i32
        scf.if %cond3A_93 {
          %add3A_104 = arith.constant 2 : i32
          %add3A_105 = arith.addi %add3A_73, %add3A_104 : i32
          %dma_start3A_106 = arith.constant 0 : i32
          %dma_start3A_107 = tpu.memref_slice %arg6[%add3A_105, %dma_start3A_106] : memref<16x80xi32, #tpu.memory_space<vmem>> -> memref<1x80xi32, #tpu.memory_space<vmem>>
          %dma_start3A_108 = tpu.memref_squeeze %dma_start3A_107 : memref<1x80xi32, #tpu.memory_space<vmem>> -> memref<80xi32, #tpu.memory_space<vmem>>
          %dma_start3A_109 = arith.constant 0 : i32
          %dma_start3A_110 = arith.constant 0 : i32
          %dma_start3A_111 = tpu.memref_slice %arg2[%dma_start3A_109, %dma_start3A_110] : memref<10240x128xf32, #tpu.memory_space<hbm>> -> memref<10240x128xf32, #tpu.memory_space<hbm>>
          tpu.enqueue_indirect_dma source(%dma_start3A_111 : memref<10240x128xf32, #tpu.memory_space<hbm>>) target(%arg8 : memref<80x128xf32, #tpu.memory_space<vmem>>) offsets(%dma_start3A_108 : memref<80xi32, #tpu.memory_space<vmem>>) semaphore(%arg11 : memref<!tpu.dma_semaphore, #tpu.memory_space<semaphore_mem>>)
        } else {
        }
        %add3A_94 = arith.constant 1 : i32
        %add3A_95 = arith.addi %add3A_73, %add3A_94 : i32
        %dma_wait3A_96 = arith.constant 0 : i32
        %dma_wait3A_97 = tpu.memref_slice %arg6[%add3A_95, %dma_wait3A_96] : memref<16x80xi32, #tpu.memory_space<vmem>> -> memref<1x80xi32, #tpu.memory_space<vmem>>
        %dma_wait3A_98 = tpu.memref_squeeze %dma_wait3A_97 : memref<1x80xi32, #tpu.memory_space<vmem>> -> memref<80xi32, #tpu.memory_space<vmem>>
        %dma_wait3A_99 = arith.constant 0 : i32
        %dma_wait3A_100 = arith.constant 0 : i32
        %dma_wait3A_101 = tpu.memref_slice %arg2[%dma_wait3A_99, %dma_wait3A_100] : memref<10240x128xf32, #tpu.memory_space<hbm>> -> memref<10240x128xf32, #tpu.memory_space<hbm>>
        tpu.wait_indirect_dma semaphore(%arg12 : memref<!tpu.dma_semaphore, #tpu.memory_space<semaphore_mem>>) src(%dma_wait3A_101 : memref<10240x128xf32, #tpu.memory_space<hbm>>) dst(%arg9 : memref<80x128xf32, #tpu.memory_space<vmem>>)
        %add3A_102 = arith.constant 1 : i32
        %add3A_103 = arith.addi %add3A_73, %add3A_102 : i32
        "tpu.region"() ({
          %run_scoped3A = tpu.sem_alloc : memref<!tpu.dma_semaphore, #tpu.memory_space<semaphore_mem>>
          %dma_start3A_104 = arith.constant 0 : i32
          %dma_start3A_105 = tpu.memref_slice %arg7[%add3A_103, %dma_start3A_104] : memref<16x80xi32, #tpu.memory_space<vmem>> -> memref<1x80xi32, #tpu.memory_space<vmem>>
          %dma_start3A_106 = tpu.memref_squeeze %dma_start3A_105 : memref<1x80xi32, #tpu.memory_space<vmem>> -> memref<80xi32, #tpu.memory_space<vmem>>
          %dma_start3A_107 = arith.constant 0 : i32
          %dma_start3A_108 = arith.constant 0 : i32
          %dma_start3A_109 = tpu.memref_slice %arg10[%dma_start3A_107, %dma_start3A_108] : memref<10240x128xf32, #tpu.memory_space<vmem_shared>> -> memref<10240x128xf32, #tpu.memory_space<vmem_shared>>
          tpu.enqueue_indirect_dma source(%arg9 : memref<80x128xf32, #tpu.memory_space<vmem>>) target(%dma_start3A_109 : memref<10240x128xf32, #tpu.memory_space<vmem_shared>>) offsets(%dma_start3A_106 : memref<80xi32, #tpu.memory_space<vmem>>) semaphore(%run_scoped3A : memref<!tpu.dma_semaphore, #tpu.memory_space<semaphore_mem>>) {add = true}
          %dma_wait3A_110 = arith.constant 0 : i32
          %dma_wait3A_111 = tpu.memref_slice %arg7[%add3A_103, %dma_wait3A_110] : memref<16x80xi32, #tpu.memory_space<vmem>> -> memref<1x80xi32, #tpu.memory_space<vmem>>
          %dma_wait3A_112 = tpu.memref_squeeze %dma_wait3A_111 : memref<1x80xi32, #tpu.memory_space<vmem>> -> memref<80xi32, #tpu.memory_space<vmem>>
          %dma_wait3A_113 = arith.constant 0 : i32
          %dma_wait3A_114 = arith.constant 0 : i32
          %dma_wait3A_115 = tpu.memref_slice %arg10[%dma_wait3A_113, %dma_wait3A_114] : memref<10240x128xf32, #tpu.memory_space<vmem_shared>> -> memref<10240x128xf32, #tpu.memory_space<vmem_shared>>
          tpu.wait_indirect_dma semaphore(%run_scoped3A : memref<!tpu.dma_semaphore, #tpu.memory_space<semaphore_mem>>) src(%arg9 : memref<80x128xf32, #tpu.memory_space<vmem>>) dst(%dma_wait3A_115 : memref<10240x128xf32, #tpu.memory_space<vmem_shared>>)
          tpu.yield
        }) : () -> ()
      }
      %scan3A_68 = arith.constant 8 : i32
    }
    %scan3A_28 = arith.constant 8 : i32
    %barrier3A_29 = arith.constant 0 : index
    tpu.barrier barrier_id(%barrier3A_29)
    %scan3A_30 = arith.constant 0 : i32
    %scan3A_31 = arith.constant 8 : i32
    %scan3A_32 = arith.addi %scan3A_30, %scan3A_31 : i32
    %scan3A_33 = arith.constant 1 : i32
    scf.for %scan3A_40 = %scan3A_30 to %scan3A_32 step %scan3A_33  : i32 {
      %mul3A_41 = arith.constant 80 : i32
      %mul3A_42 = arith.muli %scan3A_40, %mul3A_41 : i32
      %add3A_43 = arith.constant 0 : i32
      %add3A_44 = arith.addi %add3A_43, %mul3A_42 : i32
      %mul3A_45 = arith.constant 640 : i32
      %mul3A_46 = arith.muli %arg1, %mul3A_45 : i32
      %add3A_47 = arith.addi %mul3A_46, %add3A_44 : i32
      %mul3A_48 = arith.constant 640 : i32
      %mul3A_49 = arith.muli %arg1, %mul3A_48 : i32
      %add3A_50 = arith.addi %mul3A_49, %add3A_44 : i32
      %dma_start3A_51 = arith.constant 0 : i32
      %dma_start3A_52 = tpu.memref_slice %arg5[%arg0, %add3A_50, %dma_start3A_51] : memref<2x10240x128xf32, #tpu.memory_space<hbm>> -> memref<1x80x128xf32, #tpu.memory_space<hbm>>
      %dma_start3A_53 = tpu.memref_squeeze %dma_start3A_52 : memref<1x80x128xf32, #tpu.memory_space<hbm>> -> memref<80x128xf32, #tpu.memory_space<hbm>>
      %dma_start3A_54 = arith.constant 0 : i32
      %dma_start3A_55 = tpu.memref_slice %arg10[%add3A_47, %dma_start3A_54] : memref<10240x128xf32, #tpu.memory_space<vmem_shared>> -> memref<80x128xf32, #tpu.memory_space<vmem_shared>>
      tpu.enqueue_dma source(%dma_start3A_55 : memref<80x128xf32, #tpu.memory_space<vmem_shared>>) target(%dma_start3A_53 : memref<80x128xf32, #tpu.memory_space<hbm>>) target_semaphore(%arg13 : memref<!tpu.dma_semaphore, #tpu.memory_space<semaphore_mem>>)
    }
    %scan3A_34 = arith.constant 8 : i32
    %scan3A_35 = arith.constant 0 : i32
    %scan3A_36 = arith.constant 8 : i32
    %scan3A_37 = arith.addi %scan3A_35, %scan3A_36 : i32
    %scan3A_38 = arith.constant 1 : i32
    scf.for %scan3A_40 = %scan3A_35 to %scan3A_37 step %scan3A_38  : i32 {
      %mul3A_41 = arith.constant 80 : i32
      %mul3A_42 = arith.muli %scan3A_40, %mul3A_41 : i32
      %add3A_43 = arith.constant 0 : i32
      %add3A_44 = arith.addi %add3A_43, %mul3A_42 : i32
      %mul3A_45 = arith.constant 640 : i32
      %mul3A_46 = arith.muli %arg1, %mul3A_45 : i32
      %add3A_47 = arith.addi %mul3A_46, %add3A_44 : i32
      %mul3A_48 = arith.constant 640 : i32
      %mul3A_49 = arith.muli %arg1, %mul3A_48 : i32
      %add3A_50 = arith.addi %mul3A_49, %add3A_44 : i32
      %dma_wait3A = arith.constant 0 : i32
      %dma_wait3A_51 = tpu.memref_slice %arg5[%arg0, %add3A_50, %dma_wait3A] : memref<2x10240x128xf32, #tpu.memory_space<hbm>> -> memref<1x80x128xf32, #tpu.memory_space<hbm>>
      %dma_wait3A_52 = tpu.memref_squeeze %dma_wait3A_51 : memref<1x80x128xf32, #tpu.memory_space<hbm>> -> memref<80x128xf32, #tpu.memory_space<hbm>>
      %dma_wait3A_53 = arith.constant 0 : i32
      %dma_wait3A_54 = tpu.memref_slice %arg10[%add3A_47, %dma_wait3A_53] : memref<10240x128xf32, #tpu.memory_space<vmem_shared>> -> memref<80x128xf32, #tpu.memory_space<vmem_shared>>
      tpu.wait_dma2 semaphore(%arg13 : memref<!tpu.dma_semaphore, #tpu.memory_space<semaphore_mem>>) src(%dma_wait3A_54 : memref<80x128xf32, #tpu.memory_space<vmem_shared>>) dst(%dma_wait3A_52 : memref<80x128xf32, #tpu.memory_space<hbm>>)
    }
    %scan3A_39 = arith.constant 8 : i32
    return
  }
}

module attributes {stable_mosaic.version = 14 : i64} {
  func.func @body(%arg0: memref<32x80x128xf32, #tpu.memory_space<vmem>>, %arg1: memref<80x128xf32, #tpu.memory_space<vmem>>) attributes {dimension_semantics = [], scalar_prefetch = 0 : i64, scratch_operands = 0 : i64, tpu.core_type = #tpu.core_type<tc>} {
    %get3A = arith.constant 0 : index
    %get3A_0 = arith.constant 0 : index
    %get3A_1 = arith.constant 0 : index
    %get3A_2 = vector.load %arg0[%get3A, %get3A_0, %get3A_1] : memref<32x80x128xf32, #tpu.memory_space<vmem>>, vector<32x80x128xf32>
    %reduce_sum3A = arith.constant dense<0.000000e+00> : vector<80x128xf32>
    %reduce_sum3A_3 = vector.multi_reduction <add>, %get3A_2, %reduce_sum3A [0] : vector<32x80x128xf32> to vector<80x128xf32>
    %add3A = arith.constant 1.000000e+00 : f32
    %add3A_4 = vector.broadcast %add3A : f32 to vector<80x128xf32>
    %add3A_5 = arith.addf %reduce_sum3A_3, %add3A_4 : vector<80x128xf32>
    %rsqrt3A = math.rsqrt %add3A_5 : vector<80x128xf32>
    %swap3A = arith.constant 0 : index
    %swap3A_6 = arith.constant 0 : index
    %swap3A_7 = vector.load %arg1[%swap3A, %swap3A_6] : memref<80x128xf32, #tpu.memory_space<vmem>>, vector<80x128xf32>
    tpu.vector_store %arg1[%swap3A, %swap3A_6], %rsqrt3A {strides = array<i32>} : memref<80x128xf32, #tpu.memory_space<vmem>>, vector<80x128xf32>,
    return
  }
}

module attributes {stable_mosaic.version = 14 : i64} {
  func.func @body(%arg0: i32, %arg1: memref<1000x128xf32, #tpu.memory_space<vmem>>, %arg2: memref<128x128xf32, #tpu.memory_space<vmem>>, %arg3: memref<1000x1xf32, #tpu.memory_space<vmem>>, %arg4: memref<1000x128xf32, #tpu.memory_space<vmem>>) attributes {dimension_semantics = [#tpu.dimension_semantics<arbitrary>], iteration_bounds = array<i64: 10>, scalar_prefetch = 0 : i64, scratch_operands = 0 : i64, tpu.core_type = #tpu.core_type<tc>, window_params = [{transform_indices = @transform_0, window_bounds = array<i64: 1000, 128>}, {pipeline_mode = #tpu.pipeline_mode<synchronous>, transform_indices = @transform_1, window_bounds = array<i64: 128, 128>}, {transform_indices = @transform_2, window_bounds = array<i64: 1000, 1>}, {transform_indices = @transform_3, window_bounds = array<i64: 1000, 128>}]} {
    %get3A = arith.constant 0 : index
    %get3A_0 = arith.constant 0 : index
    %get3A_1 = vector.load %arg1[%get3A, %get3A_0] : memref<1000x128xf32, #tpu.memory_space<vmem>>, vector<1000x128xf32>
    %get3A_2 = arith.constant 0 : index
    %get3A_3 = arith.constant 0 : index
    %get3A_4 = vector.load %arg2[%get3A_2, %get3A_3] : memref<128x128xf32, #tpu.memory_space<vmem>>, vector<128x128xf32>
    %dot_general3A = arith.constant dense<0.000000e+00> : vector<1000x128xf32>
    %dot_general3A_5 = tpu.matmul %get3A_1, %get3A_4, %dot_general3A {dimension_numbers = #tpu.dot_dimension_numbers<[1], [0], [0], [1], [0, 0, 1, 1], [], []>, transpose_lhs_hint = false} : vector<1000x128xf32>, vector<128x128xf32>, vector<1000x128xf32> -> vector<1000x128xf32>
    %get3A_6 = arith.constant 0 : index
    %get3A_7 = arith.constant 0 : index
    %get3A_8 = vector.load %arg3[%get3A_6, %get3A_7] : memref<1000x1xf32, #tpu.memory_space<vmem>>, vector<1000x1xf32>
    %mul3A = vector.broadcast %get3A_8 : vector<1000x1xf32> to vector<1000x128xf32>
    %mul3A_9 = arith.mulf %dot_general3A_5, %mul3A : vector<1000x128xf32>
    %swap3A = arith.constant 0 : index
    %swap3A_10 = arith.constant 0 : index
    %swap3A_11 = vector.load %arg4[%swap3A, %swap3A_10] : memref<1000x128xf32, #tpu.memory_space<vmem>>, vector<1000x128xf32>
    tpu.vector_store %arg4[%swap3A, %swap3A_10], %mul3A_9 {strides = array<i32>} : memref<1000x128xf32, #tpu.memory_space<vmem>>, vector<1000x128xf32>,
    return
  }
  func.func @transform_0(%arg0: i32) -> (i32, i32) {
    %c0_i32 = arith.constant 0 : i32
    %c0_i32_0 = arith.constant 0 : i32
    return %arg0, %c0_i32 : i32, i32
  }
  func.func @transform_1(%arg0: i32) -> (i32, i32) {
    %c0_i32 = arith.constant 0 : i32
    %c0_i32_0 = arith.constant 0 : i32
    %c0_i32_1 = arith.constant 0 : i32
    return %c0_i32, %c0_i32_0 : i32, i32
  }
  func.func @transform_2(%arg0: i32) -> (i32, i32) {
    %c0_i32 = arith.constant 0 : i32
    %c0_i32_0 = arith.constant 0 : i32
    return %arg0, %c0_i32 : i32, i32
  }
  func.func @transform_3(%arg0: i32) -> (i32, i32) {
    %c0_i32 = arith.constant 0 : i32
    %c0_i32_0 = arith.constant 0 : i32
    return %arg0, %c0_i32 : i32, i32
  }
}

module attributes {stable_mosaic.version = 14 : i64} {
  func.func @body(%arg0: i32, %arg1: memref<2x1024x128xf32, #tpu.memory_space<vmem>>, %arg2: memref<1024x128xf32, #tpu.memory_space<vmem>>, %arg3: memref<1024x1xf32, #tpu.memory_space<vmem>>, %arg4: memref<1x128xf32, #tpu.memory_space<vmem>>, %arg5: memref<128x128xf32, #tpu.memory_space<vmem>>, %arg6: memref<1024x128xf32, #tpu.memory_space<vmem>>) attributes {dimension_semantics = [#tpu.dimension_semantics<arbitrary>], iteration_bounds = array<i64: 10>, scalar_prefetch = 0 : i64, scratch_operands = 0 : i64, tpu.core_type = #tpu.core_type<tc>, window_params = [{transform_indices = @transform_0, window_bounds = array<i64: 2, 1024, 128>}, {transform_indices = @transform_1, window_bounds = array<i64: 1024, 128>}, {transform_indices = @transform_2, window_bounds = array<i64: 1024, 1>}, {pipeline_mode = #tpu.pipeline_mode<synchronous>, transform_indices = @transform_3, window_bounds = array<i64: 1, 128>}, {pipeline_mode = #tpu.pipeline_mode<synchronous>, transform_indices = @transform_4, window_bounds = array<i64: 128, 128>}, {transform_indices = @transform_5, window_bounds = array<i64: 1024, 128>}]} {
    %get3A = arith.constant 0 : index
    %get3A_0 = arith.constant 0 : index
    %get3A_1 = vector.load %arg3[%get3A, %get3A_0] : memref<1024x1xf32, #tpu.memory_space<vmem>>, vector<1024x1xf32>
    %get3A_2 = arith.constant 0 : index
    %get3A_3 = arith.constant 0 : index
    %get3A_4 = arith.constant 0 : index
    %get3A_5 = vector.load %arg1[%get3A_2, %get3A_3, %get3A_4] : memref<2x1024x128xf32, #tpu.memory_space<vmem>>, vector<1x1024x128xf32>
    %get3A_6 = vector.shape_cast %get3A_5 : vector<1x1024x128xf32> to vector<1024x128xf32>
    %get3A_7 = arith.constant 1 : index
    %get3A_8 = arith.constant 0 : index
    %get3A_9 = arith.constant 0 : index
    %get3A_10 = vector.load %arg1[%get3A_7, %get3A_8, %get3A_9] : memref<2x1024x128xf32, #tpu.memory_space<vmem>>, vector<1x1024x128xf32>
    %get3A_11 = vector.shape_cast %get3A_10 : vector<1x1024x128xf32> to vector<1024x128xf32>
    %add3A = arith.addf %get3A_6, %get3A_11 : vector<1024x128xf32>
    %get3A_12 = arith.constant 0 : index
    %get3A_13 = arith.constant 0 : index
    %get3A_14 = vector.load %arg2[%get3A_12, %get3A_13] : memref<1024x128xf32, #tpu.memory_space<vmem>>, vector<1024x128xf32>
    %add3A_15 = arith.addf %add3A, %get3A_14 : vector<1024x128xf32>
    %mul3A = vector.broadcast %get3A_1 : vector<1024x1xf32> to vector<1024x128xf32>
    %mul3A_16 = arith.mulf %add3A_15, %mul3A : vector<1024x128xf32>
    %get3A_17 = arith.constant 0 : index
    %get3A_18 = arith.constant 0 : index
    %get3A_19 = vector.load %arg4[%get3A_17, %get3A_18] : memref<1x128xf32, #tpu.memory_space<vmem>>, vector<1x128xf32>
    %add3A_20 = vector.broadcast %get3A_19 : vector<1x128xf32> to vector<1024x128xf32>
    %add3A_21 = arith.addf %mul3A_16, %add3A_20 : vector<1024x128xf32>
    %max3A = arith.constant 0.000000e+00 : f32
    %max3A_22 = vector.broadcast %max3A : f32 to vector<1024x128xf32>
    %max3A_23 = arith.maximumf %add3A_21, %max3A_22 : vector<1024x128xf32>
    %get3A_24 = arith.constant 0 : index
    %get3A_25 = arith.constant 0 : index
    %get3A_26 = vector.load %arg5[%get3A_24, %get3A_25] : memref<128x128xf32, #tpu.memory_space<vmem>>, vector<128x128xf32>
    %dot_general3A = arith.constant dense<0.000000e+00> : vector<1024x128xf32>
    %dot_general3A_27 = tpu.matmul %max3A_23, %get3A_26, %dot_general3A {dimension_numbers = #tpu.dot_dimension_numbers<[1], [0], [0], [1], [0, 0, 1, 1], [], []>, transpose_lhs_hint = false} : vector<1024x128xf32>, vector<128x128xf32>, vector<1024x128xf32> -> vector<1024x128xf32>
    %mul3A_28 = vector.broadcast %get3A_1 : vector<1024x1xf32> to vector<1024x128xf32>
    %mul3A_29 = arith.mulf %dot_general3A_27, %mul3A_28 : vector<1024x128xf32>
    %swap3A = arith.constant 0 : index
    %swap3A_30 = arith.constant 0 : index
    %swap3A_31 = vector.load %arg6[%swap3A, %swap3A_30] : memref<1024x128xf32, #tpu.memory_space<vmem>>, vector<1024x128xf32>
    tpu.vector_store %arg6[%swap3A, %swap3A_30], %mul3A_29 {strides = array<i32>} : memref<1024x128xf32, #tpu.memory_space<vmem>>, vector<1024x128xf32>,
    return
  }
  func.func @transform_0(%arg0: i32) -> (i32, i32, i32) {
    %c0_i32 = arith.constant 0 : i32
    %c0_i32_0 = arith.constant 0 : i32
    %c0_i32_1 = arith.constant 0 : i32
    return %c0_i32, %arg0, %c0_i32_0 : i32, i32, i32
  }
  func.func @transform_1(%arg0: i32) -> (i32, i32) {
    %c0_i32 = arith.constant 0 : i32
    %c0_i32_0 = arith.constant 0 : i32
    return %arg0, %c0_i32 : i32, i32
  }
  func.func @transform_2(%arg0: i32) -> (i32, i32) {
    %c0_i32 = arith.constant 0 : i32
    %c0_i32_0 = arith.constant 0 : i32
    return %arg0, %c0_i32 : i32, i32
  }
  func.func @transform_3(%arg0: i32) -> (i32, i32) {
    %c0_i32 = arith.constant 0 : i32
    %c0_i32_0 = arith.constant 0 : i32
    %c0_i32_1 = arith.constant 0 : i32
    return %c0_i32, %c0_i32_0 : i32, i32
  }
  func.func @transform_4(%arg0: i32) -> (i32, i32) {
    %c0_i32 = arith.constant 0 : i32
    %c0_i32_0 = arith.constant 0 : i32
    %c0_i32_1 = arith.constant 0 : i32
    return %c0_i32, %c0_i32_0 : i32, i32
  }
  func.func @transform_5(%arg0: i32) -> (i32, i32) {
    %c0_i32 = arith.constant 0 : i32
    %c0_i32_0 = arith.constant 0 : i32
    return %arg0, %c0_i32 : i32, i32
  }
}

module attributes {stable_mosaic.version = 14 : i64} {
  func.func @body(%arg0: i32, %arg1: memref<2x1000x128xf32, #tpu.memory_space<vmem>>, %arg2: memref<1000x128xf32, #tpu.memory_space<vmem>>, %arg3: memref<1000x1xf32, #tpu.memory_space<vmem>>, %arg4: memref<1x128xf32, #tpu.memory_space<vmem>>, %arg5: memref<1000x128xf32, #tpu.memory_space<vmem>>) attributes {dimension_semantics = [#tpu.dimension_semantics<arbitrary>], iteration_bounds = array<i64: 10>, scalar_prefetch = 0 : i64, scratch_operands = 0 : i64, tpu.core_type = #tpu.core_type<tc>, window_params = [{transform_indices = @transform_0, window_bounds = array<i64: 2, 1000, 128>}, {transform_indices = @transform_1, window_bounds = array<i64: 1000, 128>}, {transform_indices = @transform_2, window_bounds = array<i64: 1000, 1>}, {pipeline_mode = #tpu.pipeline_mode<synchronous>, transform_indices = @transform_3, window_bounds = array<i64: 1, 128>}, {transform_indices = @transform_4, window_bounds = array<i64: 1000, 128>}]} {
    %get3A = arith.constant 0 : index
    %get3A_0 = arith.constant 0 : index
    %get3A_1 = arith.constant 0 : index
    %get3A_2 = vector.load %arg1[%get3A, %get3A_0, %get3A_1] : memref<2x1000x128xf32, #tpu.memory_space<vmem>>, vector<1x1000x128xf32>
    %get3A_3 = vector.shape_cast %get3A_2 : vector<1x1000x128xf32> to vector<1000x128xf32>
    %get3A_4 = arith.constant 1 : index
    %get3A_5 = arith.constant 0 : index
    %get3A_6 = arith.constant 0 : index
    %get3A_7 = vector.load %arg1[%get3A_4, %get3A_5, %get3A_6] : memref<2x1000x128xf32, #tpu.memory_space<vmem>>, vector<1x1000x128xf32>
    %get3A_8 = vector.shape_cast %get3A_7 : vector<1x1000x128xf32> to vector<1000x128xf32>
    %add3A = arith.addf %get3A_3, %get3A_8 : vector<1000x128xf32>
    %get3A_9 = arith.constant 0 : index
    %get3A_10 = arith.constant 0 : index
    %get3A_11 = vector.load %arg2[%get3A_9, %get3A_10] : memref<1000x128xf32, #tpu.memory_space<vmem>>, vector<1000x128xf32>
    %add3A_12 = arith.addf %add3A, %get3A_11 : vector<1000x128xf32>
    %get3A_13 = arith.constant 0 : index
    %get3A_14 = arith.constant 0 : index
    %get3A_15 = vector.load %arg3[%get3A_13, %get3A_14] : memref<1000x1xf32, #tpu.memory_space<vmem>>, vector<1000x1xf32>
    %mul3A = vector.broadcast %get3A_15 : vector<1000x1xf32> to vector<1000x128xf32>
    %mul3A_16 = arith.mulf %add3A_12, %mul3A : vector<1000x128xf32>
    %get3A_17 = arith.constant 0 : index
    %get3A_18 = arith.constant 0 : index
    %get3A_19 = vector.load %arg4[%get3A_17, %get3A_18] : memref<1x128xf32, #tpu.memory_space<vmem>>, vector<1x128xf32>
    %add3A_20 = vector.broadcast %get3A_19 : vector<1x128xf32> to vector<1000x128xf32>
    %add3A_21 = arith.addf %mul3A_16, %add3A_20 : vector<1000x128xf32>
    %swap3A = arith.constant 0 : index
    %swap3A_22 = arith.constant 0 : index
    %swap3A_23 = vector.load %arg5[%swap3A, %swap3A_22] : memref<1000x128xf32, #tpu.memory_space<vmem>>, vector<1000x128xf32>
    tpu.vector_store %arg5[%swap3A, %swap3A_22], %add3A_21 {strides = array<i32>} : memref<1000x128xf32, #tpu.memory_space<vmem>>, vector<1000x128xf32>,
    return
  }
  func.func @transform_0(%arg0: i32) -> (i32, i32, i32) {
    %c0_i32 = arith.constant 0 : i32
    %c0_i32_0 = arith.constant 0 : i32
    %c0_i32_1 = arith.constant 0 : i32
    return %c0_i32, %arg0, %c0_i32_0 : i32, i32, i32
  }
  func.func @transform_1(%arg0: i32) -> (i32, i32) {
    %c0_i32 = arith.constant 0 : i32
    %c0_i32_0 = arith.constant 0 : i32
    return %arg0, %c0_i32 : i32, i32
  }
  func.func @transform_2(%arg0: i32) -> (i32, i32) {
    %c0_i32 = arith.constant 0 : i32
    %c0_i32_0 = arith.constant 0 : i32
    return %arg0, %c0_i32 : i32, i32
  }
  func.func @transform_3(%arg0: i32) -> (i32, i32) {
    %c0_i32 = arith.constant 0 : i32
    %c0_i32_0 = arith.constant 0 : i32
    %c0_i32_1 = arith.constant 0 : i32
    return %c0_i32, %c0_i32_0 : i32, i32
  }
  func.func @transform_4(%arg0: i32) -> (i32, i32) {
    %c0_i32 = arith.constant 0 : i32
    %c0_i32_0 = arith.constant 0 : i32
    return %arg0, %c0_i32 : i32, i32
  }
}

</mosaic_0001>

<sc_bundles>
// kernel: kernel.12.cloned.1.call-start
scs
__scs_entry_jumppad:
0x0: {  	(pc) =	sbr.rel $0x88, $3  }
0x1: {  	(tag) =	ssettag $0x0;
	lr =	simm.s32 $0x1  }
0x2: {  	[smem:$0x3F9B] =	sst lr;
	_ =	strace $0xD0000000  }
0x3: {  	_ = 	snop  }
0x4: {  	_ = 	snop  }
0x5: {  	_ = 	snop  }
0x6: {  	_ = 	snop  }
0x7: {  	_ = 	snop  }
__scs_overlays_trampoline_lowered:
0x8: {  	[smem:$0x3FAA] =	sst s0  }
0x9: {  	[smem:$0x3FAB] =	sst s1  }
0xa: {  	[smem:$0x3FAC] =	sst s2  }
0xb: {  	[smem:$0x3FAD] =	sst s3  }
0xc: {  	[smem:$0x3FAE] =	sst s4  }
0xd: {  	[smem:$0x3FAF] =	sst s5  }
0xe: {  	[smem:$0x3FB0] =	sst s6  }
0xf: {  	[smem:$0x3FB1] =	sst s7  }
0x10: {  	[smem:$0x3FB2] =	sst s8  }
0x11: {  	[smem:$0x3FB3] =	sst s9;
	s0 =	simm.s32 @!p0 $0x0  }
0x12: {  	s1 =	sld [smem:$0x3F99];
	s0 =	simm.s32 @p0 $0x1  }
0x13: {  	[smem:$0x3FB4] =	sst s0;
	s0 =	simm.s32 @!p1 $0x0  }
0x14: {  	s2 =	sld [smem:$0x3F98];
	s0 =	simm.s32 @p1 $0x1  }
0x15: {  	[smem:$0x3FB5] =	sst s0;
	s0 =	simm.s32 @!p2 $0x0  }
0x16: {  	s3 =	sld [smem:$0x3FDB];
	s0 =	simm.s32 @p2 $0x1  }
0x17: {  	s4 =	simm.s32 $0x1BF5;
	[smem:$0x3FB7] =	sst s0  }
0x18: {  	s0 =	sld [smem:$0x3F9A];
	_ =	swait.ge [sflag:s4], $0x0  }
0x19: {  	s7 =	sld [smem:$0x3F9B]  }
0x1a: {  	s8 =	sadd.s32 $0xFFFFE003, lr  }
0x1b: {  	s9 =	sadd.s32 $0xFFFFFEF7, lr;
	s5 =	simm.s32 $0xFFFFFFFF;
	p2 =	slt.u32 s8, $0xFFFFF086  }
0x1c: {  	p1 =	slt.u32 s9, $0xF7A;
	s5 =	simm.s32 @!p2 $0x0  }
0x1d: {  	s5 =	simm.s32 @p1 $0x1;
	p0 =	seq.s32 s7, s2  }
0x1e: {  	s7 =	smul.u32 @!p0 $0xF7A, s2;
	p2 =	seq.s32 @!p0 s5, $0x0  }
0x1f: {  	s9 =	smul.u32 $0xF7A, s1;
	s8 =	simm.s32 @!p0 $0x1BF5;
	p2 =	por !p2, p0  }
0x20: {  	[sflag:s8] =	ssyncset.s32 @!p0 $0xFFFFF086;
	s6 =	sadd.s32 @!p0 s3, s7;
	s7 =	simm.s32 @!p0 $0x108  }
0x21: {  	s3 =	sadd.s32 s3, s9;
	s6 =	sadd.s32 @!p0 $0x88, s6;
	s7 =	simm.s32 @p2 $0x1082  }
0x22: {  	[simem:s7], [sflag:s8] =	dma.local @!p0 [hbm:s6], $0xF7A  }
0x23: {  	s9 =	sor.u32 $0xD0000000, s2;
	s6 =	simm.s32 $0x108;
	_ =	swait.ge @!p0 [sflag:s8], $0x0  }
0x24: {  	s3 =	sadd.s32 $0x88, s3;
	s6 =	simm.s32 @!p1 $0x1082;
	[sflag:s4] =	ssyncset.s32 $0xFFFFF086  }
0x25: {  	[simem:s6], [sflag:s4] =	dma.local [hbm:s3], $0xF7A  }
0x26: {  	[smem:$0x3F9B] =	sst s1;
	(tag) =	ssettag s2;
	_ =	strace s9  }
0x27: {  	s1 =	sld [smem:$0x3FAB]  }
0x28: {  	s2 =	sld [smem:$0x3FAC]  }
0x29: {  	s4 =	sld [smem:$0x3FAE]  }
0x2a: {  	p0 =	seq.s32 s5, $0x0;
	s5 =	sld [smem:$0x3FAF]  }
0x2b: {  	s6 =	sld [smem:$0x3FB0]  }
0x2c: {  	s7 =	sld [smem:$0x3FB1]  }
0x2d: {  	s3 =	simm.s32 $0x108;
	s8 =	sld [smem:$0x3FB2]  }
0x2e: {  	s3 =	simm.s32 @!p0 $0x1082;
	s9 =	sld [smem:$0x3FB3]  }
0x2f: {  	lr =	sadd.s32 s0, s3;
	s0 =	sld [smem:$0x3FAA]  }
0x30: {  	s3 =	sld [smem:$0x3FAD]  }
0x31: {  	[smem:$0x3FB6] =	sst s10  }
0x32: {  	s10 =	sld [smem:$0x3FB4];
	_ =	sdelay $0x3  }
0x33: {  	p0 =	seq.s32 s10, $0x1;
	s10 =	sld [smem:$0x3FB6];
	_ =	sdelay $0x3  }
0x34: {  	[smem:$0x3FB6] =	sst s10  }
0x35: {  	s10 =	sld [smem:$0x3FB5];
	_ =	sdelay $0x3  }
0x36: {  	p1 =	seq.s32 s10, $0x1;
	s10 =	sld [smem:$0x3FB6];
	_ =	sdelay $0x3  }
0x37: {  	[smem:$0x3FB6] =	sst s10  }
0x38: {  	s10 =	sld [smem:$0x3FB7]  }
0x39: {  	_ = 	snop;
	(pc) =	sbr.ind lr, $3  }
0x3a: {  	_ = 	snop  }
0x3b: {  	_ = 	snop  }
0x3c: {  	p2 =	seq.s32 s10, $0x1;
	s10 =	sld [smem:$0x3FB6]  }
0x3d: {  	_ =	shalt  }
0x3e: {  	_ =	shalt  }
0x3f: {  	_ =	shalt  }
0x40: {  	_ =	shalt  }
0x41: {  	_ =	shalt  }
0x42: {  	_ =	shalt  }
0x43: {  	_ =	shalt  }
0x44: {  	_ =	shalt  }
0x45: {  	_ =	shalt  }
0x46: {  	_ =	shalt  }
0x47: {  	_ =	shalt  }
0x48: {  	_ =	shalt  }
0x49: {  	_ =	shalt  }
0x4a: {  	_ =	shalt  }
0x4b: {  	_ =	shalt  }
0x4c: {  	_ =	shalt  }
0x4d: {  	_ =	shalt  }
0x4e: {  	_ =	shalt  }
0x4f: {  	_ =	shalt  }
0x50: {  	_ =	shalt  }
0x51: {  	_ =	shalt  }
0x52: {  	_ =	shalt  }
0x53: {  	_ =	shalt  }
0x54: {  	_ =	shalt  }
0x55: {  	_ =	shalt  }
0x56: {  	_ =	shalt  }
0x57: {  	_ =	shalt  }
0x58: {  	_ =	shalt  }
0x59: {  	_ =	shalt  }
0x5a: {  	_ =	shalt  }
0x5b: {  	_ =	shalt  }
0x5c: {  	_ =	shalt  }
0x5d: {  	_ =	shalt  }
0x5e: {  	_ =	shalt  }
0x5f: {  	_ =	shalt  }
0x60: {  	_ =	shalt  }
0x61: {  	_ =	shalt  }
0x62: {  	_ =	shalt  }
0x63: {  	_ =	shalt  }
0x64: {  	_ =	shalt  }
0x65: {  	_ =	shalt  }
0x66: {  	_ =	shalt  }
0x67: {  	_ =	shalt  }
0x68: {  	_ =	shalt  }
0x69: {  	_ =	shalt  }
0x6a: {  	_ =	shalt  }
0x6b: {  	_ =	shalt  }
0x6c: {  	_ =	shalt  }
0x6d: {  	_ =	shalt  }
0x6e: {  	_ =	shalt  }
0x6f: {  	_ =	shalt  }
0x70: {  	_ =	shalt  }
0x71: {  	_ =	shalt  }
0x72: {  	_ =	shalt  }
0x73: {  	_ =	shalt  }
0x74: {  	_ =	shalt  }
0x75: {  	_ =	shalt  }
0x76: {  	_ =	shalt  }
0x77: {  	_ =	shalt  }
0x78: {  	_ =	shalt  }
0x79: {  	_ =	shalt  }
0x7a: {  	_ =	shalt  }
0x7b: {  	_ =	shalt  }
0x7c: {  	_ =	shalt  }
0x7d: {  	_ =	shalt  }
0x7e: {  	_ =	shalt  }
0x7f: {  	_ =	shalt  }
0x80: {  	_ =	shalt  }
0x81: {  	_ =	shalt  }
0x82: {  	_ =	shalt  }
0x83: {  	_ =	shalt  }
0x84: {  	_ =	shalt  }
0x85: {  	_ =	shalt  }
0x86: {  	_ =	shalt  }
0x87: {  	_ =	shalt  }
.Lfunc_end0:
.L_simem_size_0:
called_computation.1_lowered:
.L_overlay_start_0:
0x88: {  	s2 =	sld [smem:$0x3FD9]  }
0x89: {  	s3 =	sld [smem:$0x3FFE];
	_ =	sdelay $0x1  }
0x8a: {  	s1 =	srdreg.scid  }
0x8b: {  	s0 =	sand.u32 $0x1, s1  }
0x8c: {  	s17 =	sshll.u32 s0, $0xA;
	s2 =	sadd.s32 s3, s2  }
0x8d: {  	s2 =	sadd.s32 s2, s17  }
0x8e: {  	[smem:$0x3FC2] =	sst s2  }
0x8f: {  	_ = 	snop  }
0x90: {  	s2 =	sld [smem:$0x3FD0];
	(tm) =	ssettm $0x1  }
0x91: {  	s18 =	sld [smem:$0x3FFB];
	_ =	sdelay $0x3  }
0x92: {  	_ =	strace s18  }
0x93: {  	s3 =	sld [smem:$0x3FFC];
	_ =	sdelay $0x3  }
0x94: {  	_ =	strace s3  }
0x95: {  	s3 =	sld [smem:$0x3FFD];
	_ =	sdelay $0x3  }
0x96: {  	_ =	strace s3  }
0x97: {  	_ =	strace $0x8FFFFFFF  }
0x98: {  	s19 =	sld [smem:$0x3FDB];
	_ =	sdelay $0x1  }
0x99: {  	s4 =	simm.s32 $_scs_section_size  }
0x9a: {  	s5 =	simm.s32 $_size__tile_overlayer_lowered;
	s6 =	simm.s32 $_tile_overlayer_lowered  }
0x9b: {  	s22 =	simm.s32 $0x1BFF;
	s21 =	sshll.u32 s6, $0x1;
	s3 =	sadd.s32 s4, s19  }
0x9c: {  	s7 =	simm.s32 $0x0;
	s20 =	sshll.u32 s5, $0x1;
	s5 =	sadd.s32 s21, s3  }
0x9d: {  	[timem:s7], [sflag:s22] =	dma.local [hbm:s5], s20  }
0x9e: {  	_ =	swait.ge [sflag:s22], s20  }
0x9f: {  	s4 =	ssub.s32 $0x0, s20;
	[sflag:s22] =	ssyncset.done $0x0  }
0xa0: {  	[sflag:s22] =	ssyncadd.s32 s4;
	_ =	sdelay $0x1  }
0xa1: {  	s23 =	simm.s32 $0x1B8B  }
0xa2: {  	_ =	swait.ge [sflag:s23], $0x1  }
0xa3: {  	[sflag:s23] =	ssyncset.done $0x0  }
0xa4: {  	s25 =	simm.s32 $0x1B8E;
	s24 =	sld [smem:$0x3FFE];
	[sflag:s23] =	ssyncadd.s32 $0xFFFFFFFF  }
0xa5: {  	s26 =	simm.s32 $execute0_lowered;
	[smem:$0x3FD2] =	sst s25  }
0xa6: {  	s5 =	sshll.u32 s26, $0x1;
	_ =	strace $0x80000049;
	[dreg:$0x1] =	wrdreg $0xFFFFFFFF  }
0xa7: {  	s28 =	simm.s32 $_size_execute0_lowered;
	s3 =	sadd.s32 s3, s5;
	[dreg:$0x0] =	wrdreg $0x0  }
0xa8: {  	s5 =	sshll.u32 s28, $0x1;
	[dreg:$0x2] =	wrdreg s3  }
0xa9: {  	[dreg:$0x3] =	wrdreg s5  }
0xaa: {  	[dreg:$0x4] =	wrdreg $0xC0  }
0xab: {  	_ =	task [dreg:s7], $0x5FFFF  }
0xac: {  	[dreg:$0x1] =	wrdreg $0xFFFFFFFF  }
0xad: {  	[dreg:$0x0] =	wrdreg $0x60  }
0xae: {  	[dreg:$0x2] =	wrdreg s24  }
0xaf: {  	[dreg:$0x3] =	wrdreg s2  }
0xb0: {  	[dreg:$0x4] =	wrdreg $0x60000  }
0xb1: {  	[dreg:$0x5] =	wrdreg $0x9  }
0xb2: {  	_ =	task.clear_ibuf [dreg:s7], $0x6FFFF;
	_ =	strace $0x90000049  }
0xb3: {  	s29 =	simm.s32 $0x9;
	_ =	strace $0x8000004B  }
0xb4: {  	_ =	swait.ge [sflag:s29], $0x1  }
0xb5: {  	[sflag:s29] =	ssyncadd.s32 $0xFFFFFFFF  }
0xb6: {  	_ =	strace $0x9000004B  }
0xb7: {  	_ =	sfence  }
0xb8: {  	s30 =	sld [smem:$0x0];
	_ =	sdelay $0x2  }
0xb9: {  	s31 =	sshll.u32 s1, $0xD;
	s1 =	sshrl.u32 s1, $0x2  }
0xba: {  	s3 =	sand.u32 $0x4000, s31;
	s1 =	sadd.s32 s1, s30  }
0xbb: {  	s0 =	sor.u32 s3, s0;
	s1 =	sshll.u32 s1, $0x11  }
0xbc: {  	s0 =	sor.u32 s1, s0  }
0xbd: {  	s0 =	sadd.s32 $0x8F2B, s0  }
0xbe: {  	[sflag:s0] =	ssyncadd.remote.s32 $0x1  }
0xbf: {  	_ =	sfence.sel $0xFFFF  }
0xc0: {  	[dreg:$0x0] =	wrdreg $0xFFFFFFFF;
	(pc) =	sbr.abs _section_cstart, $3  }
0xc1: {  	[dreg:$0x1] =	wrdreg $0xFFFFFFFF  }
0xc2: {  	_ =	task.clear_ibuf [dreg:s7], $0x2FFFF;
	_ =	strace $0x9FFFFFFF  }
0xc3: {  	(tm) =	ssettm $0x7FFFFFFF  }
tec
execute0_lowered:
.L_overlay_start_1:
0x0: {  	(tag) =	ssettag $0x1  }
0x1: {  	s0 =	rddreg [dreg:$0x0]  }
0x2: {  	s3 =	rddreg [dreg:$0x1]  }
0x3: {  	s1 =	rddreg [dreg:$0x2];
	s2 =	simm.s32 $0x0  }
0x4: {  	s5 =	srdreg.scid;
	s12 =	stileid.u32;
	s28 =	simm.s32 $0x1  }
0x5: {  	s29 =	simm.s32 $0x2;
	s30 =	simm.s32 $0x50;
	s31 =	simm.s32 $0x3800  }
0x6: {  	[smem:$0x7FF] =	sst s2;
	s6 =	sadd.s32 $0x16400, s0;
	s5 =	sand.u32 $0x1, s5  }
0x7: {  	s10 =	sshll.u32 s12, $0xB;
	s11 =	smul.u32 $0x50000, s12;
	s9 =	sshll.u32 s5, $0xF  }
0x8: {  	_ =	strace $0x8000004A;
	s7 =	ssub.s32 $0x2, s5;
	s25 =	sor.u32 s10, s9  }
0x9: {  	s8 =	sshrl.u32 s7, $0x1;
	s26 =	sshrl.u32 s11, $0x2;
	s13 =	sadd.s32 s3, s25  }
0xa: {  	s7 =	ssub.s32 s7, s8;
	s8 =	sadd.s32 s6, s25;
	[dreg:$0x15] =	wrdreg s13  }
0xb: {  	s4 =	sadd.s32 $0x26400, s0;
	s15 =	sadd.s32 s26, s1;
	[dreg:$0x16] =	wrdreg s8  }
0xc: {  	s6 =	sadd.s32 s9, s6;
	s7 =	smax.u32 s7, $0x1;
	[dreg:$0x18] =	wrdreg s15  }
0xd: {  	s3 =	sadd.s32 s9, s3;
	s6 =	sadd.s32 s10, s6;
	[dreg:$0x17] =	wrdreg s7  }
0xe: {  	s0 =	sadd.s32 $0x4E400, s0;
	s3 =	sadd.s32 s10, s3;
	[dreg:$0x4] =	wrdreg s6  }
0xf: {  	s8 =	smul.u32 $0x14000, s12;
	s12 =	simm.s32 $0x280;
	[dreg:$0x5] =	wrdreg s3  }
0x10: {  	s5 =	smul.u32 $0x140000, s5;
	s13 =	simm.s32 $0x0;
	[dreg:$0xd] =	wrdreg s12  }
0x11: {  	s3 =	simm.s32 $0x480;
	s11 =	sor.u32 $0x2800, s8;
	s17 =	sadd.s32 $0x5000, s8  }
0x12: {  	s19 =	sadd.s32 $0x7800, s8;
	s21 =	sadd.s32 $0xA000, s8;
	s14 =	sadd.s32 $0xC800, s8  }
0x13: {  	s23 =	sadd.s32 $0xF000, s8;
	s24 =	sadd.s32 s5, s8;
	s8 =	sadd.s32 $0x11800, s8  }
0x14: {  	s26 =	sadd.s32 s11, s1;
	s18 =	sadd.s32 s17, s1;
	s20 =	sadd.s32 s19, s1  }
0x15: {  	s16 =	sadd.s32 s21, s1;
	s22 =	sadd.s32 s14, s1;
	[dreg:$0x1a] =	wrdreg s18  }
0x16: {  	s25 =	sadd.s32 s23, s1;
	s6 =	sshrl.u32 s24, $0x3;
	[dreg:$0x1b] =	wrdreg s20  }
0x17: {  	s7 =	sadd.s32 s5, s11;
	s11 =	sadd.s32 s5, s17;
	[dreg:$0x1c] =	wrdreg s16  }
0x18: {  	s17 =	sadd.s32 s5, s21;
	s9 =	sadd.s32 s5, s23;
	[dreg:$0x1d] =	wrdreg s22  }
0x19: {  	s21 =	simm.s32 $0x100;
	s23 =	simm.s32 $0x880;
	[dreg:$0x1e] =	wrdreg s25  }
0x1a: {  	s24 =	simm.s32 $0x180;
	s16 =	sadd.s32 s5, s19;
	[dreg:$0x7] =	wrdreg s21  }
0x1b: {  	s18 =	sadd.s32 s5, s14;
	s5 =	sadd.s32 s5, s8;
	[dreg:$0x8] =	wrdreg s23  }
0x1c: {  	s14 =	sadd.s32 s8, s1;
	s6 =	sadd.s32 s0, s6;
	[dreg:$0x9] =	wrdreg s24  }
0x1d: {  	s19 =	sshrl.u32 s7, $0x3;
	s20 =	simm.s32 $0x80;
	[dreg:$0x19] =	wrdreg s26  }
0x1e: {  	s22 =	sshrl.u32 s11, $0x3;
	s7 =	simm.s32 $0x900;
	[smem:$0x7F6] =	sst s6  }
0x1f: {  	s8 =	simm.s32 $0x200;
	s10 =	sshrl.u32 s17, $0x3;
	[dreg:$0x6] =	wrdreg s20  }
0x20: {  	s11 =	simm.s32 $0x980;
	s17 =	simm.s32 $0xA00;
	[dreg:$0xa] =	wrdreg s7  }
0x21: {  	s21 =	simm.s32 $0x380;
	s23 =	simm.s32 $0x400;
	[dreg:$0xb] =	wrdreg s8  }
0x22: {  	s24 =	simm.s32 $0x800;
	s6 =	sadd.s32 s0, s19;
	[dreg:$0xc] =	wrdreg s11  }
0x23: {  	s25 =	sshrl.u32 s16, $0x3;
	s16 =	sshrl.u32 s18, $0x3;
	[dreg:$0xe] =	wrdreg s17  }
0x24: {  	s18 =	simm.s32 $0x300;
	s19 =	sshrl.u32 s9, $0x3;
	[dreg:$0x11] =	wrdreg s21  }
0x25: {  	s20 =	simm.s32 $0xA80;
	s5 =	sshrl.u32 s5, $0x3;
	[dreg:$0x13] =	wrdreg s23  }
0x26: {  	s7 =	simm.s32 $0xC80;
	s17 =	simm.s32 $0xD00;
	[dreg:$0x1f] =	wrdreg s14  }
0x27: {  	s21 =	simm.s32 $0xE00;
	s23 =	simm.s32 $0xE80;
	[smem:$0x7F7] =	sst s6  }
0x28: {  	s8 =	simm.s32 $0x780;
	s9 =	simm.s32 $0xF00;
	[dreg:$0xf] =	wrdreg s18  }
0x29: {  	s6 =	sadd.s32 s0, s22;
	[dreg:$0x10] =	wrdreg s20;
	s22 =	simm.s32 $0xB00  }
0x2a: {  	s18 =	simm.s32 $0x600;
	s20 =	simm.s32 $0x680;
	[smem:$0x7F8] =	sst s6  }
0x2b: {  	s6 =	sadd.s32 s0, s25;
	[dreg:$0x12] =	wrdreg s22;
	s25 =	simm.s32 $0xB80  }
0x2c: {  	s22 =	simm.s32 $0x700;
	[smem:$0x7F9] =	sst s6;
	s6 =	sadd.s32 s0, s10  }
0x2d: {  	[dreg:$0x14] =	wrdreg s25;
	s25 =	simm.s32 $0x1000;
	s10 =	simm.s32 $0xF80  }
0x2e: {  	[smem:$0x7FA] =	sst s6;
	s6 =	sadd.s32 s0, s16;
	s16 =	simm.s32 $0x580  }
0x2f: {  	[smem:$0x7FB] =	sst s6;
	s6 =	sadd.s32 s0, s19;
	s0 =	sadd.s32 s0, s5  }
0x30: {  	s5 =	simm.s32 $0xC00;
	s19 =	simm.s32 $0xD80;
	[smem:$0x7FC] =	sst s6  }
0x31: {  	v0 =	vimm.f32 $0.0e+00;
	[smem:$0x7FD] =	sst s0;
	s0 =	simm.s32 $0x4;
	s6 =	simm.s32 $0x500  }
.LBB2_1:
0x32: {  	[smem:$0x7F5] =	sst s13  }
0x33: {  	s11 =	rddreg [dreg:$0x15]  }
0x34: {  	[tilespmem:s2], [sflag:$0x1] =	stream.linear.gather [hbm4b:s11+s2], $0x800, $0x38;
	[tilespmem:$0x1A000] =	vst v63  }
0x35: {  	s13 =	rddreg [dreg:$0x16]  }
0x36: {  	[tilespmem:s24], [sflag:$0x2] =	stream.linear.gather [hbm4b:s13+s2], $0x800, $0x38;
	[tilespmem:$0x1A000] =	vst v63  }
0x37: {  	s12 =	simm.s32 $0x70;
	s13 =	simm.s32 $0x3C0  }
.LBB2_2:
0x38: {  	p0 =	sne.s32 s13, $0x9FC0;
	[tilespmem:s12+$0x1000] =	vst v0  }
0x39: {  	[tilespmem:s12+$0xF90] =	vst v0  }
0x3a: {  	[tilespmem:s12+$0xFA0] =	vst v0  }
.Ltmp0:
0x3b: {  	[tilespmem:s12+$0xFB0] =	vst v0;
	(pc) =	sbr.rel @p0 .LBB2_2-.Ltmp0, $4  }
0x3c: {  	[tilespmem:s12+$0xFC0] =	vst v0  }
0x3d: {  	[tilespmem:s12+$0xFD0] =	vst v0  }
0x3e: {  	[tilespmem:s12+$0xFE0] =	vst v0  }
0x3f: {  	[tilespmem:s12+$0xFF0] =	vst v0;
	s12 =	sshra.s32 s13, $0x2;
	s13 =	sadd.s32 $0x200, s13  }
0x40: {  	[tilespmem:s12+$0x1000] =	vst v0  }
0x41: {  	[tilespmem:s12+$0xF90] =	vst v0  }
0x42: {  	[tilespmem:s12+$0xFA0] =	vst v0  }
0x43: {  	[tilespmem:s12+$0xFB0] =	vst v0  }
0x44: {  	[tilespmem:s12+$0xFC0] =	vst v0  }
0x45: {  	[tilespmem:s12+$0xFD0] =	vst v0  }
0x46: {  	[tilespmem:s12+$0xFE0] =	vst v0  }
0x47: {  	[tilespmem:s12+$0xFF0] =	vst v0  }
0x48: {  	[spmem:s15] =	stream.linear.scatter [tilespmem:s25], [sflag:$0x3], $0x2800, $0x38;
	[tilespmem:$0x1A000] =	vst v63  }
0x49: {  	_ = 	snop  }
0x4a: {  	[spmem:s26] =	stream.linear.scatter [tilespmem:s25], [sflag:$0x3], $0x2800, $0x38;
	[tilespmem:$0x1A000] =	vst v63  }
0x4b: {  	s11 =	rddreg [dreg:$0x1a]  }
0x4c: {  	[spmem:s11] =	stream.linear.scatter [tilespmem:s25], [sflag:$0x3], $0x2800, $0x38;
	[tilespmem:$0x1A000] =	vst v63  }
0x4d: {  	s26 =	rddreg [dreg:$0x1b]  }
0x4e: {  	[spmem:s26] =	stream.linear.scatter [tilespmem:s25], [sflag:$0x3], $0x2800, $0x38;
	[tilespmem:$0x1A000] =	vst v63  }
0x4f: {  	s12 =	rddreg [dreg:$0x1c]  }
0x50: {  	[spmem:s12] =	stream.linear.scatter [tilespmem:s25], [sflag:$0x3], $0x2800, $0x38;
	[tilespmem:$0x1A000] =	vst v63  }
0x51: {  	s13 =	rddreg [dreg:$0x1d]  }
0x52: {  	[spmem:s13] =	stream.linear.scatter [tilespmem:s25], [sflag:$0x3], $0x2800, $0x38;
	[tilespmem:$0x1A000] =	vst v63  }
0x53: {  	s15 =	rddreg [dreg:$0x1e]  }
0x54: {  	[spmem:s15] =	stream.linear.scatter [tilespmem:s25], [sflag:$0x3], $0x2800, $0x38;
	[tilespmem:$0x1A000] =	vst v63  }
0x55: {  	s26 =	simm.s32 $0x3  }
0x56: {  	[spmem:s14] =	stream.linear.scatter [tilespmem:s25], [sflag:$0x3], $0x2800, $0x38;
	[tilespmem:$0x1A000] =	vst v63  }
0x57: {  	_ =	swait.ge [sflag:s26], $0x2800  }
0x58: {  	[sflag:s26] =	ssyncset.done $0x0  }
0x59: {  	[sflag:s26] =	ssyncadd.s32 $0xFFFFD800  }
0x5a: {  	_ =	swait.ge [sflag:s26], $0x2800  }
0x5b: {  	[sflag:s26] =	ssyncset.done $0x0  }
0x5c: {  	[sflag:s26] =	ssyncadd.s32 $0xFFFFD800  }
0x5d: {  	_ =	swait.ge [sflag:s26], $0x2800  }
0x5e: {  	[sflag:s26] =	ssyncset.done $0x0  }
0x5f: {  	[sflag:s26] =	ssyncadd.s32 $0xFFFFD800  }
0x60: {  	_ =	swait.ge [sflag:s26], $0x2800  }
0x61: {  	[sflag:s26] =	ssyncset.done $0x0  }
0x62: {  	[sflag:s26] =	ssyncadd.s32 $0xFFFFD800  }
0x63: {  	_ =	swait.ge [sflag:s26], $0x2800  }
0x64: {  	[sflag:s26] =	ssyncset.done $0x0  }
0x65: {  	[sflag:s26] =	ssyncadd.s32 $0xFFFFD800  }
0x66: {  	_ =	swait.ge [sflag:s26], $0x2800  }
0x67: {  	[sflag:s26] =	ssyncset.done $0x0  }
0x68: {  	[sflag:s26] =	ssyncadd.s32 $0xFFFFD800  }
0x69: {  	_ =	swait.ge [sflag:s26], $0x2800  }
0x6a: {  	[sflag:s26] =	ssyncset.done $0x0  }
0x6b: {  	[sflag:s26] =	ssyncadd.s32 $0xFFFFD800  }
0x6c: {  	_ =	swait.ge [sflag:s26], $0x2800  }
0x6d: {  	[sflag:s26] =	ssyncset.done $0x0  }
0x6e: {  	[sflag:s26] =	ssyncadd.s32 $0xFFFFD800  }
0x6f: {  	[bflag:$0x0] =	sbarrier.arrive $0xFFFF  }
0x70: {  	p0 =	por $0x1, $0x1;
	s12 =	rddreg [dreg:$0x5]  }
0x71: {  	s14 =	simm.s32 @!p0 $0x0;
	s13 =	rddreg [dreg:$0x4];
	s12 =	sadd.s32 @!p0 $0x0, s12  }
0x72: {  	[tilespmem:s14], [sflag:$0x1] =	stream.linear.gather @!p0 [hbm4b:s12+s14], $0x800, $0x38;
	[tilespmem:$0x1A000] =	vst v63  }
0x73: {  	s12 =	sadd.s32 @!p0 $0x0, s13;
	s13 =	simm.s32 @!p0 $0x800  }
0x74: {  	[tilespmem:s13], [sflag:$0x2] =	stream.linear.gather @!p0 [hbm4b:s12+s14], $0x800, $0x38;
	[tilespmem:$0x1A000] =	vst v63  }
0x75: {  	_ =	swait.ge [sflag:s28], $0x800  }
0x76: {  	[sflag:s28] =	ssyncset.done $0x0  }
0x77: {  	[sflag:s28] =	ssyncadd.s32 $0xFFFFF800  }
0x78: {  	_ =	swait.ge [sflag:s29], $0x800  }
0x79: {  	[sflag:s29] =	ssyncset.done $0x0  }
0x7a: {  	[sflag:s29] =	ssyncadd.s32 $0xFFFFF800  }
0x7b: {  	[tilespmem:s25], [sflag:$0x1] =	stream.indirect.gather [hbm4b:s4+s30], $0x80, s2, s30, $0xb8;
	[tilespmem:$0x1A000] =	vst v63  }
0x7c: {  	s11 =	rddreg [dreg:$0x6]  }
0x7d: {  	[tilespmem:s31], [sflag:$0x2] =	stream.indirect.gather [hbm4b:s4+s30], $0x80, s11, s30, $0xb8;
	[tilespmem:$0x1A000] =	vst v63  }
0x7e: {  	_ =	swait.ge [sflag:s28], $0x2800  }
0x7f: {  	[sflag:s28] =	ssyncset.done $0x0  }
0x80: {  	[sflag:s28] =	ssyncadd.s32 $0xFFFFD800  }
0x81: {  	[spmem:s1] =	stream.indirect.scatter.add.f32 [tilespmem:s25], [sflag:$0x4], $0x80, s24, s30, $0xb8;
	[tilespmem:$0x1A000] =	vst v63  }
0x82: {  	_ =	swait.ge [sflag:s0], $0x2800  }
0x83: {  	[sflag:s0] =	ssyncset.done $0x0  }
0x84: {  	s13 =	rddreg [dreg:$0x7];
	[sflag:s0] =	ssyncadd.s32 $0xFFFFD800  }
0x85: {  	[tilespmem:s25], [sflag:$0x1] =	stream.indirect.gather [hbm4b:s4+s30], $0x80, s13, s30, $0xb8;
	[tilespmem:$0x1A000] =	vst v63  }
0x86: {  	_ =	swait.ge [sflag:s29], $0x2800  }
0x87: {  	[sflag:s29] =	ssyncset.done $0x0  }
0x88: {  	s14 =	rddreg [dreg:$0x8];
	[sflag:s29] =	ssyncadd.s32 $0xFFFFD800  }
0x89: {  	[spmem:s1] =	stream.indirect.scatter.add.f32 [tilespmem:s31], [sflag:$0x4], $0x80, s14, s30, $0xb8;
	[tilespmem:$0x1A000] =	vst v63  }
0x8a: {  	_ =	swait.ge [sflag:s0], $0x2800  }
0x8b: {  	[sflag:s0] =	ssyncset.done $0x0  }
0x8c: {  	s15 =	rddreg [dreg:$0x9];
	[sflag:s0] =	ssyncadd.s32 $0xFFFFD800  }
0x8d: {  	[tilespmem:s31], [sflag:$0x2] =	stream.indirect.gather [hbm4b:s4+s30], $0x80, s15, s30, $0xb8;
	[tilespmem:$0x1A000] =	vst v63  }
0x8e: {  	_ =	swait.ge [sflag:s28], $0x2800  }
0x8f: {  	[sflag:s28] =	ssyncset.done $0x0  }
0x90: {  	s26 =	rddreg [dreg:$0xa];
	[sflag:s28] =	ssyncadd.s32 $0xFFFFD800  }
0x91: {  	[spmem:s1] =	stream.indirect.scatter.add.f32 [tilespmem:s25], [sflag:$0x4], $0x80, s26, s30, $0xb8;
	[tilespmem:$0x1A000] =	vst v63  }
0x92: {  	_ =	swait.ge [sflag:s0], $0x2800  }
0x93: {  	[sflag:s0] =	ssyncset.done $0x0  }
0x94: {  	s11 =	rddreg [dreg:$0xb];
	[sflag:s0] =	ssyncadd.s32 $0xFFFFD800  }
0x95: {  	[tilespmem:s25], [sflag:$0x1] =	stream.indirect.gather [hbm4b:s4+s30], $0x80, s11, s30, $0xb8;
	[tilespmem:$0x1A000] =	vst v63  }
0x96: {  	_ =	swait.ge [sflag:s29], $0x2800  }
0x97: {  	[sflag:s29] =	ssyncset.done $0x0  }
0x98: {  	s13 =	rddreg [dreg:$0xc];
	[sflag:s29] =	ssyncadd.s32 $0xFFFFD800  }
0x99: {  	[spmem:s1] =	stream.indirect.scatter.add.f32 [tilespmem:s31], [sflag:$0x4], $0x80, s13, s30, $0xb8;
	[tilespmem:$0x1A000] =	vst v63  }
0x9a: {  	_ =	swait.ge [sflag:s0], $0x2800  }
0x9b: {  	[sflag:s0] =	ssyncset.done $0x0  }
0x9c: {  	s14 =	rddreg [dreg:$0xd];
	[sflag:s0] =	ssyncadd.s32 $0xFFFFD800  }
0x9d: {  	[tilespmem:s31], [sflag:$0x2] =	stream.indirect.gather [hbm4b:s4+s30], $0x80, s14, s30, $0xb8;
	[tilespmem:$0x1A000] =	vst v63  }
0x9e: {  	_ =	swait.ge [sflag:s28], $0x2800  }
0x9f: {  	[sflag:s28] =	ssyncset.done $0x0  }
0xa0: {  	s15 =	rddreg [dreg:$0xe];
	[sflag:s28] =	ssyncadd.s32 $0xFFFFD800  }
0xa1: {  	[spmem:s1] =	stream.indirect.scatter.add.f32 [tilespmem:s25], [sflag:$0x4], $0x80, s15, s30, $0xb8;
	[tilespmem:$0x1A000] =	vst v63  }
0xa2: {  	_ =	swait.ge [sflag:s0], $0x2800  }
0xa3: {  	[sflag:s0] =	ssyncset.done $0x0  }
0xa4: {  	s26 =	rddreg [dreg:$0xf];
	[sflag:s0] =	ssyncadd.s32 $0xFFFFD800  }
0xa5: {  	[tilespmem:s25], [sflag:$0x1] =	stream.indirect.gather [hbm4b:s4+s30], $0x80, s26, s30, $0xb8;
	[tilespmem:$0x1A000] =	vst v63  }
0xa6: {  	_ =	swait.ge [sflag:s29], $0x2800  }
0xa7: {  	[sflag:s29] =	ssyncset.done $0x0  }
0xa8: {  	s11 =	rddreg [dreg:$0x10];
	[sflag:s29] =	ssyncadd.s32 $0xFFFFD800  }
0xa9: {  	[spmem:s1] =	stream.indirect.scatter.add.f32 [tilespmem:s31], [sflag:$0x4], $0x80, s11, s30, $0xb8;
	[tilespmem:$0x1A000] =	vst v63  }
0xaa: {  	_ =	swait.ge [sflag:s0], $0x2800  }
0xab: {  	[sflag:s0] =	ssyncset.done $0x0  }
0xac: {  	s13 =	rddreg [dreg:$0x11];
	[sflag:s0] =	ssyncadd.s32 $0xFFFFD800  }
0xad: {  	[tilespmem:s31], [sflag:$0x2] =	stream.indirect.gather [hbm4b:s4+s30], $0x80, s13, s30, $0xb8;
	[tilespmem:$0x1A000] =	vst v63  }
0xae: {  	_ =	swait.ge [sflag:s28], $0x2800  }
0xaf: {  	[sflag:s28] =	ssyncset.done $0x0  }
0xb0: {  	s14 =	rddreg [dreg:$0x12];
	[sflag:s28] =	ssyncadd.s32 $0xFFFFD800  }
0xb1: {  	[spmem:s1] =	stream.indirect.scatter.add.f32 [tilespmem:s25], [sflag:$0x4], $0x80, s14, s30, $0xb8;
	[tilespmem:$0x1A000] =	vst v63  }
0xb2: {  	_ =	swait.ge [sflag:s0], $0x2800  }
0xb3: {  	[sflag:s0] =	ssyncset.done $0x0  }
0xb4: {  	s15 =	rddreg [dreg:$0x13];
	[sflag:s0] =	ssyncadd.s32 $0xFFFFD800  }
0xb5: {  	[tilespmem:s25], [sflag:$0x1] =	stream.indirect.gather [hbm4b:s4+s30], $0x80, s15, s30, $0xb8;
	[tilespmem:$0x1A000] =	vst v63  }
0xb6: {  	_ =	swait.ge [sflag:s29], $0x2800  }
0xb7: {  	[sflag:s29] =	ssyncset.done $0x0  }
0xb8: {  	s26 =	rddreg [dreg:$0x14];
	[sflag:s29] =	ssyncadd.s32 $0xFFFFD800  }
0xb9: {  	[spmem:s1] =	stream.indirect.scatter.add.f32 [tilespmem:s31], [sflag:$0x4], $0x80, s26, s30, $0xb8;
	[tilespmem:$0x1A000] =	vst v63  }
0xba: {  	_ =	swait.ge [sflag:s0], $0x2800  }
0xbb: {  	[sflag:s0] =	ssyncset.done $0x0  }
0xbc: {  	[sflag:s0] =	ssyncadd.s32 $0xFFFFD800  }
0xbd: {  	[tilespmem:s31], [sflag:$0x2] =	stream.indirect.gather [hbm4b:s4+s30], $0x80, s3, s30, $0xb8;
	[tilespmem:$0x1A000] =	vst v63  }
0xbe: {  	_ =	swait.ge [sflag:s28], $0x2800  }
0xbf: {  	[sflag:s28] =	ssyncset.done $0x0  }
0xc0: {  	[sflag:s28] =	ssyncadd.s32 $0xFFFFD800  }
0xc1: {  	[spmem:s1] =	stream.indirect.scatter.add.f32 [tilespmem:s25], [sflag:$0x4], $0x80, s5, s30, $0xb8;
	[tilespmem:$0x1A000] =	vst v63  }
0xc2: {  	_ =	swait.ge [sflag:s0], $0x2800  }
0xc3: {  	[sflag:s0] =	ssyncset.done $0x0  }
0xc4: {  	[sflag:s0] =	ssyncadd.s32 $0xFFFFD800  }
0xc5: {  	[tilespmem:s25], [sflag:$0x1] =	stream.indirect.gather [hbm4b:s4+s30], $0x80, s6, s30, $0xb8;
	[tilespmem:$0x1A000] =	vst v63  }
0xc6: {  	_ =	swait.ge [sflag:s29], $0x2800  }
0xc7: {  	[sflag:s29] =	ssyncset.done $0x0  }
0xc8: {  	[sflag:s29] =	ssyncadd.s32 $0xFFFFD800  }
0xc9: {  	[spmem:s1] =	stream.indirect.scatter.add.f32 [tilespmem:s31], [sflag:$0x4], $0x80, s7, s30, $0xb8;
	[tilespmem:$0x1A000] =	vst v63  }
0xca: {  	_ =	swait.ge [sflag:s0], $0x2800  }
0xcb: {  	[sflag:s0] =	ssyncset.done $0x0  }
0xcc: {  	[sflag:s0] =	ssyncadd.s32 $0xFFFFD800  }
0xcd: {  	[tilespmem:s31], [sflag:$0x2] =	stream.indirect.gather [hbm4b:s4+s30], $0x80, s16, s30, $0xb8;
	[tilespmem:$0x1A000] =	vst v63  }
0xce: {  	_ =	swait.ge [sflag:s28], $0x2800  }
0xcf: {  	[sflag:s28] =	ssyncset.done $0x0  }
0xd0: {  	[sflag:s28] =	ssyncadd.s32 $0xFFFFD800  }
0xd1: {  	[spmem:s1] =	stream.indirect.scatter.add.f32 [tilespmem:s25], [sflag:$0x4], $0x80, s17, s30, $0xb8;
	[tilespmem:$0x1A000] =	vst v63  }
0xd2: {  	_ =	swait.ge [sflag:s0], $0x2800  }
0xd3: {  	[sflag:s0] =	ssyncset.done $0x0  }
0xd4: {  	[sflag:s0] =	ssyncadd.s32 $0xFFFFD800  }
0xd5: {  	[tilespmem:s25], [sflag:$0x1] =	stream.indirect.gather [hbm4b:s4+s30], $0x80, s18, s30, $0xb8;
	[tilespmem:$0x1A000] =	vst v63  }
0xd6: {  	_ =	swait.ge [sflag:s29], $0x2800  }
0xd7: {  	[sflag:s29] =	ssyncset.done $0x0  }
0xd8: {  	[sflag:s29] =	ssyncadd.s32 $0xFFFFD800  }
0xd9: {  	[spmem:s1] =	stream.indirect.scatter.add.f32 [tilespmem:s31], [sflag:$0x4], $0x80, s19, s30, $0xb8;
	[tilespmem:$0x1A000] =	vst v63  }
0xda: {  	_ =	swait.ge [sflag:s0], $0x2800  }
0xdb: {  	[sflag:s0] =	ssyncset.done $0x0  }
0xdc: {  	[sflag:s0] =	ssyncadd.s32 $0xFFFFD800  }
0xdd: {  	[tilespmem:s31], [sflag:$0x2] =	stream.indirect.gather [hbm4b:s4+s30], $0x80, s20, s30, $0xb8;
	[tilespmem:$0x1A000] =	vst v63  }
0xde: {  	_ =	swait.ge [sflag:s28], $0x2800  }
0xdf: {  	[sflag:s28] =	ssyncset.done $0x0  }
0xe0: {  	[sflag:s28] =	ssyncadd.s32 $0xFFFFD800  }
0xe1: {  	[spmem:s1] =	stream.indirect.scatter.add.f32 [tilespmem:s25], [sflag:$0x4], $0x80, s21, s30, $0xb8;
	[tilespmem:$0x1A000] =	vst v63  }
0xe2: {  	_ =	swait.ge [sflag:s0], $0x2800  }
0xe3: {  	[sflag:s0] =	ssyncset.done $0x0  }
0xe4: {  	[sflag:s0] =	ssyncadd.s32 $0xFFFFD800  }
0xe5: {  	[tilespmem:s25], [sflag:$0x1] =	stream.indirect.gather [hbm4b:s4+s30], $0x80, s22, s30, $0xb8;
	[tilespmem:$0x1A000] =	vst v63  }
0xe6: {  	_ =	swait.ge [sflag:s29], $0x2800  }
0xe7: {  	[sflag:s29] =	ssyncset.done $0x0  }
0xe8: {  	[sflag:s29] =	ssyncadd.s32 $0xFFFFD800  }
0xe9: {  	[spmem:s1] =	stream.indirect.scatter.add.f32 [tilespmem:s31], [sflag:$0x4], $0x80, s23, s30, $0xb8;
	[tilespmem:$0x1A000] =	vst v63  }
0xea: {  	_ =	swait.ge [sflag:s0], $0x2800  }
0xeb: {  	[sflag:s0] =	ssyncset.done $0x0  }
0xec: {  	[sflag:s0] =	ssyncadd.s32 $0xFFFFD800  }
0xed: {  	[tilespmem:s31], [sflag:$0x2] =	stream.indirect.gather [hbm4b:s4+s30], $0x80, s8, s30, $0xb8;
	[tilespmem:$0x1A000] =	vst v63  }
0xee: {  	_ =	swait.ge [sflag:s28], $0x2800  }
0xef: {  	[sflag:s28] =	ssyncset.done $0x0  }
0xf0: {  	[sflag:s28] =	ssyncadd.s32 $0xFFFFD800  }
0xf1: {  	[spmem:s1] =	stream.indirect.scatter.add.f32 [tilespmem:s25], [sflag:$0x4], $0x80, s9, s30, $0xb8;
	[tilespmem:$0x1A000] =	vst v63  }
0xf2: {  	_ =	swait.ge [sflag:s0], $0x2800  }
0xf3: {  	[sflag:s0] =	ssyncset.done $0x0  }
0xf4: {  	[sflag:s0] =	ssyncadd.s32 $0xFFFFD800  }
0xf5: {  	_ =	swait.ge [sflag:s29], $0x2800  }
0xf6: {  	[sflag:s29] =	ssyncset.done $0x0  }
0xf7: {  	[sflag:s29] =	ssyncadd.s32 $0xFFFFD800  }
0xf8: {  	[spmem:s1] =	stream.indirect.scatter.add.f32 [tilespmem:s31], [sflag:$0x4], $0x80, s10, s30, $0xb8;
	[tilespmem:$0x1A000] =	vst v63  }
0xf9: {  	s12 =	simm.s32 $0x100;
	_ =	swait.ge [sflag:s0], $0x2800  }
0xfa: {  	s13 =	simm.s32 $0x200;
	s14 =	rddreg [dreg:$0x5];
	[sflag:s0] =	ssyncset.done $0x0  }
.LBB2_4:
0xfb: {  	[sflag:s0] =	ssyncadd.s32 $0xFFFFD800;
	p1 =	seq.s32 s12, $0x0  }
0xfc: {  	s11 =	rddreg [dreg:$0x4];
	s14 =	sadd.s32 @!p1 s12, s14;
	s26 =	simm.s32 @!p1 $0x0  }
0xfd: {  	[tilespmem:s26], [sflag:$0x1] =	stream.linear.gather @!p1 [hbm4b:s14+s26], $0x800, $0x38;
	[tilespmem:$0x1A000] =	vst v63  }
0xfe: {  	s11 =	sadd.s32 @!p1 s12, s11;
	s14 =	simm.s32 @!p1 $0x800  }
0xff: {  	[tilespmem:s14], [sflag:$0x2] =	stream.linear.gather @!p1 [hbm4b:s11+s26], $0x800, $0x38;
	[tilespmem:$0x1A000] =	vst v63  }
0x100: {  	_ =	swait.ge [sflag:s28], $0x800  }
0x101: {  	[sflag:s28] =	ssyncset.done $0x0  }
0x102: {  	[sflag:s28] =	ssyncadd.s32 $0xFFFFF800  }
0x103: {  	_ =	swait.ge [sflag:s29], $0x800  }
0x104: {  	[sflag:s29] =	ssyncset.done $0x0  }
0x105: {  	[sflag:s29] =	ssyncadd.s32 $0xFFFFF800  }
0x106: {  	[tilespmem:s25], [sflag:$0x1] =	stream.indirect.gather [hbm4b:s4+s30], $0x80, s2, s30, $0xb8;
	[tilespmem:$0x1A000] =	vst v63  }
0x107: {  	s14 =	rddreg [dreg:$0x6]  }
0x108: {  	[tilespmem:s31], [sflag:$0x2] =	stream.indirect.gather [hbm4b:s4+s30], $0x80, s14, s30, $0xb8;
	[tilespmem:$0x1A000] =	vst v63  }
0x109: {  	_ =	swait.ge [sflag:s28], $0x2800  }
0x10a: {  	[sflag:s28] =	ssyncset.done $0x0  }
0x10b: {  	[sflag:s28] =	ssyncadd.s32 $0xFFFFD800  }
0x10c: {  	[spmem:s1] =	stream.indirect.scatter.add.f32 [tilespmem:s25], [sflag:$0x4], $0x80, s24, s30, $0xb8;
	[tilespmem:$0x1A000] =	vst v63  }
0x10d: {  	_ =	swait.ge [sflag:s0], $0x2800  }
0x10e: {  	s15 =	smov.u32 s13;
	[sflag:s0] =	ssyncset.done $0x0  }
0x10f: {  	s12 =	smov.u32 s15;
	s15 =	rddreg [dreg:$0x7];
	[sflag:s0] =	ssyncadd.s32 $0xFFFFD800  }
0x110: {  	[tilespmem:s25], [sflag:$0x1] =	stream.indirect.gather [hbm4b:s4+s30], $0x80, s15, s30, $0xb8;
	[tilespmem:$0x1A000] =	vst v63  }
0x111: {  	_ =	swait.ge [sflag:s29], $0x2800  }
0x112: {  	[sflag:s29] =	ssyncset.done $0x0  }
0x113: {  	s26 =	rddreg [dreg:$0x8];
	[sflag:s29] =	ssyncadd.s32 $0xFFFFD800  }
0x114: {  	[spmem:s1] =	stream.indirect.scatter.add.f32 [tilespmem:s31], [sflag:$0x4], $0x80, s26, s30, $0xb8;
	[tilespmem:$0x1A000] =	vst v63  }
0x115: {  	_ =	swait.ge [sflag:s0], $0x2800  }
0x116: {  	[sflag:s0] =	ssyncset.done $0x0  }
0x117: {  	s14 =	rddreg [dreg:$0x9];
	[sflag:s0] =	ssyncadd.s32 $0xFFFFD800  }
0x118: {  	[tilespmem:s31], [sflag:$0x2] =	stream.indirect.gather [hbm4b:s4+s30], $0x80, s14, s30, $0xb8;
	[tilespmem:$0x1A000] =	vst v63  }
0x119: {  	_ =	swait.ge [sflag:s28], $0x2800  }
0x11a: {  	[sflag:s28] =	ssyncset.done $0x0  }
0x11b: {  	s15 =	rddreg [dreg:$0xa];
	[sflag:s28] =	ssyncadd.s32 $0xFFFFD800  }
0x11c: {  	[spmem:s1] =	stream.indirect.scatter.add.f32 [tilespmem:s25], [sflag:$0x4], $0x80, s15, s30, $0xb8;
	[tilespmem:$0x1A000] =	vst v63  }
0x11d: {  	_ =	swait.ge [sflag:s0], $0x2800  }
0x11e: {  	[sflag:s0] =	ssyncset.done $0x0  }
0x11f: {  	s26 =	rddreg [dreg:$0xb];
	[sflag:s0] =	ssyncadd.s32 $0xFFFFD800  }
0x120: {  	[tilespmem:s25], [sflag:$0x1] =	stream.indirect.gather [hbm4b:s4+s30], $0x80, s26, s30, $0xb8;
	[tilespmem:$0x1A000] =	vst v63  }
0x121: {  	_ =	swait.ge [sflag:s29], $0x2800  }
0x122: {  	[sflag:s29] =	ssyncset.done $0x0  }
0x123: {  	s14 =	rddreg [dreg:$0xc];
	[sflag:s29] =	ssyncadd.s32 $0xFFFFD800  }
0x124: {  	[spmem:s1] =	stream.indirect.scatter.add.f32 [tilespmem:s31], [sflag:$0x4], $0x80, s14, s30, $0xb8;
	[tilespmem:$0x1A000] =	vst v63  }
0x125: {  	_ =	swait.ge [sflag:s0], $0x2800  }
0x126: {  	[sflag:s0] =	ssyncset.done $0x0  }
0x127: {  	s15 =	rddreg [dreg:$0xd];
	[sflag:s0] =	ssyncadd.s32 $0xFFFFD800  }
0x128: {  	[tilespmem:s31], [sflag:$0x2] =	stream.indirect.gather [hbm4b:s4+s30], $0x80, s15, s30, $0xb8;
	[tilespmem:$0x1A000] =	vst v63  }
0x129: {  	_ =	swait.ge [sflag:s28], $0x2800  }
0x12a: {  	[sflag:s28] =	ssyncset.done $0x0  }
0x12b: {  	s26 =	rddreg [dreg:$0xe];
	[sflag:s28] =	ssyncadd.s32 $0xFFFFD800  }
0x12c: {  	[spmem:s1] =	stream.indirect.scatter.add.f32 [tilespmem:s25], [sflag:$0x4], $0x80, s26, s30, $0xb8;
	[tilespmem:$0x1A000] =	vst v63  }
0x12d: {  	_ =	swait.ge [sflag:s0], $0x2800  }
0x12e: {  	[sflag:s0] =	ssyncset.done $0x0  }
0x12f: {  	s14 =	rddreg [dreg:$0xf];
	[sflag:s0] =	ssyncadd.s32 $0xFFFFD800  }
0x130: {  	[tilespmem:s25], [sflag:$0x1] =	stream.indirect.gather [hbm4b:s4+s30], $0x80, s14, s30, $0xb8;
	[tilespmem:$0x1A000] =	vst v63  }
0x131: {  	_ =	swait.ge [sflag:s29], $0x2800  }
0x132: {  	[sflag:s29] =	ssyncset.done $0x0  }
0x133: {  	s15 =	rddreg [dreg:$0x10];
	[sflag:s29] =	ssyncadd.s32 $0xFFFFD800  }
0x134: {  	[spmem:s1] =	stream.indirect.scatter.add.f32 [tilespmem:s31], [sflag:$0x4], $0x80, s15, s30, $0xb8;
	[tilespmem:$0x1A000] =	vst v63  }
0x135: {  	_ =	swait.ge [sflag:s0], $0x2800  }
0x136: {  	[sflag:s0] =	ssyncset.done $0x0  }
0x137: {  	s26 =	rddreg [dreg:$0x11];
	[sflag:s0] =	ssyncadd.s32 $0xFFFFD800  }
0x138: {  	[tilespmem:s31], [sflag:$0x2] =	stream.indirect.gather [hbm4b:s4+s30], $0x80, s26, s30, $0xb8;
	[tilespmem:$0x1A000] =	vst v63  }
0x139: {  	_ =	swait.ge [sflag:s28], $0x2800  }
0x13a: {  	[sflag:s28] =	ssyncset.done $0x0  }
0x13b: {  	s14 =	rddreg [dreg:$0x12];
	[sflag:s28] =	ssyncadd.s32 $0xFFFFD800  }
0x13c: {  	[spmem:s1] =	stream.indirect.scatter.add.f32 [tilespmem:s25], [sflag:$0x4], $0x80, s14, s30, $0xb8;
	[tilespmem:$0x1A000] =	vst v63  }
0x13d: {  	_ =	swait.ge [sflag:s0], $0x2800  }
0x13e: {  	[sflag:s0] =	ssyncset.done $0x0  }
0x13f: {  	s15 =	rddreg [dreg:$0x13];
	[sflag:s0] =	ssyncadd.s32 $0xFFFFD800  }
0x140: {  	[tilespmem:s25], [sflag:$0x1] =	stream.indirect.gather [hbm4b:s4+s30], $0x80, s15, s30, $0xb8;
	[tilespmem:$0x1A000] =	vst v63  }
0x141: {  	_ =	swait.ge [sflag:s29], $0x2800  }
0x142: {  	[sflag:s29] =	ssyncset.done $0x0  }
0x143: {  	s26 =	rddreg [dreg:$0x14];
	[sflag:s29] =	ssyncadd.s32 $0xFFFFD800  }
0x144: {  	[spmem:s1] =	stream.indirect.scatter.add.f32 [tilespmem:s31], [sflag:$0x4], $0x80, s26, s30, $0xb8;
	[tilespmem:$0x1A000] =	vst v63  }
0x145: {  	_ =	swait.ge [sflag:s0], $0x2800  }
0x146: {  	[sflag:s0] =	ssyncset.done $0x0  }
0x147: {  	[sflag:s0] =	ssyncadd.s32 $0xFFFFD800  }
0x148: {  	[tilespmem:s31], [sflag:$0x2] =	stream.indirect.gather [hbm4b:s4+s30], $0x80, s3, s30, $0xb8;
	[tilespmem:$0x1A000] =	vst v63  }
0x149: {  	_ =	swait.ge [sflag:s28], $0x2800  }
0x14a: {  	[sflag:s28] =	ssyncset.done $0x0  }
0x14b: {  	[sflag:s28] =	ssyncadd.s32 $0xFFFFD800  }
0x14c: {  	[spmem:s1] =	stream.indirect.scatter.add.f32 [tilespmem:s25], [sflag:$0x4], $0x80, s5, s30, $0xb8;
	[tilespmem:$0x1A000] =	vst v63  }
0x14d: {  	_ =	swait.ge [sflag:s0], $0x2800  }
0x14e: {  	[sflag:s0] =	ssyncset.done $0x0  }
0x14f: {  	[sflag:s0] =	ssyncadd.s32 $0xFFFFD800  }
0x150: {  	[tilespmem:s25], [sflag:$0x1] =	stream.indirect.gather [hbm4b:s4+s30], $0x80, s6, s30, $0xb8;
	[tilespmem:$0x1A000] =	vst v63  }
0x151: {  	_ =	swait.ge [sflag:s29], $0x2800  }
0x152: {  	[sflag:s29] =	ssyncset.done $0x0  }
0x153: {  	[sflag:s29] =	ssyncadd.s32 $0xFFFFD800  }
0x154: {  	[spmem:s1] =	stream.indirect.scatter.add.f32 [tilespmem:s31], [sflag:$0x4], $0x80, s7, s30, $0xb8;
	[tilespmem:$0x1A000] =	vst v63  }
0x155: {  	_ =	swait.ge [sflag:s0], $0x2800  }
0x156: {  	[sflag:s0] =	ssyncset.done $0x0  }
0x157: {  	[sflag:s0] =	ssyncadd.s32 $0xFFFFD800  }
0x158: {  	[tilespmem:s31], [sflag:$0x2] =	stream.indirect.gather [hbm4b:s4+s30], $0x80, s16, s30, $0xb8;
	[tilespmem:$0x1A000] =	vst v63  }
0x159: {  	_ =	swait.ge [sflag:s28], $0x2800  }
0x15a: {  	[sflag:s28] =	ssyncset.done $0x0  }
0x15b: {  	[sflag:s28] =	ssyncadd.s32 $0xFFFFD800  }
0x15c: {  	[spmem:s1] =	stream.indirect.scatter.add.f32 [tilespmem:s25], [sflag:$0x4], $0x80, s17, s30, $0xb8;
	[tilespmem:$0x1A000] =	vst v63  }
0x15d: {  	_ =	swait.ge [sflag:s0], $0x2800  }
0x15e: {  	[sflag:s0] =	ssyncset.done $0x0  }
0x15f: {  	[sflag:s0] =	ssyncadd.s32 $0xFFFFD800  }
0x160: {  	[tilespmem:s25], [sflag:$0x1] =	stream.indirect.gather [hbm4b:s4+s30], $0x80, s18, s30, $0xb8;
	[tilespmem:$0x1A000] =	vst v63  }
0x161: {  	_ =	swait.ge [sflag:s29], $0x2800  }
0x162: {  	[sflag:s29] =	ssyncset.done $0x0  }
0x163: {  	[sflag:s29] =	ssyncadd.s32 $0xFFFFD800  }
0x164: {  	[spmem:s1] =	stream.indirect.scatter.add.f32 [tilespmem:s31], [sflag:$0x4], $0x80, s19, s30, $0xb8;
	[tilespmem:$0x1A000] =	vst v63  }
0x165: {  	_ =	swait.ge [sflag:s0], $0x2800  }
0x166: {  	[sflag:s0] =	ssyncset.done $0x0  }
0x167: {  	[sflag:s0] =	ssyncadd.s32 $0xFFFFD800  }
0x168: {  	[tilespmem:s31], [sflag:$0x2] =	stream.indirect.gather [hbm4b:s4+s30], $0x80, s20, s30, $0xb8;
	[tilespmem:$0x1A000] =	vst v63  }
0x169: {  	_ =	swait.ge [sflag:s28], $0x2800  }
0x16a: {  	[sflag:s28] =	ssyncset.done $0x0  }
0x16b: {  	[sflag:s28] =	ssyncadd.s32 $0xFFFFD800  }
0x16c: {  	[spmem:s1] =	stream.indirect.scatter.add.f32 [tilespmem:s25], [sflag:$0x4], $0x80, s21, s30, $0xb8;
	[tilespmem:$0x1A000] =	vst v63  }
0x16d: {  	_ =	swait.ge [sflag:s0], $0x2800  }
0x16e: {  	[sflag:s0] =	ssyncset.done $0x0  }
0x16f: {  	[sflag:s0] =	ssyncadd.s32 $0xFFFFD800  }
0x170: {  	[tilespmem:s25], [sflag:$0x1] =	stream.indirect.gather [hbm4b:s4+s30], $0x80, s22, s30, $0xb8;
	[tilespmem:$0x1A000] =	vst v63  }
0x171: {  	_ =	swait.ge [sflag:s29], $0x2800  }
0x172: {  	[sflag:s29] =	ssyncset.done $0x0  }
0x173: {  	[sflag:s29] =	ssyncadd.s32 $0xFFFFD800  }
0x174: {  	[spmem:s1] =	stream.indirect.scatter.add.f32 [tilespmem:s31], [sflag:$0x4], $0x80, s23, s30, $0xb8;
	[tilespmem:$0x1A000] =	vst v63  }
0x175: {  	_ =	swait.ge [sflag:s0], $0x2800  }
0x176: {  	[sflag:s0] =	ssyncset.done $0x0  }
0x177: {  	[sflag:s0] =	ssyncadd.s32 $0xFFFFD800  }
0x178: {  	[tilespmem:s31], [sflag:$0x2] =	stream.indirect.gather [hbm4b:s4+s30], $0x80, s8, s30, $0xb8;
	[tilespmem:$0x1A000] =	vst v63  }
0x179: {  	_ =	swait.ge [sflag:s28], $0x2800  }
0x17a: {  	[sflag:s28] =	ssyncset.done $0x0  }
0x17b: {  	[sflag:s28] =	ssyncadd.s32 $0xFFFFD800  }
0x17c: {  	[spmem:s1] =	stream.indirect.scatter.add.f32 [tilespmem:s25], [sflag:$0x4], $0x80, s9, s30, $0xb8;
	[tilespmem:$0x1A000] =	vst v63  }
0x17d: {  	_ =	swait.ge [sflag:s0], $0x2800  }
0x17e: {  	[sflag:s0] =	ssyncset.done $0x0  }
0x17f: {  	s13 =	sadd.s32 $0x100, s13;
	[sflag:s0] =	ssyncadd.s32 $0xFFFFD800  }
0x180: {  	p0 =	sne.s32 s13, $0x800;
	_ =	swait.ge [sflag:s29], $0x2800  }
.Ltmp1:
0x181: {  	[sflag:s29] =	ssyncset.done $0x0;
	(pc) =	sbr.rel @p0 .LBB2_4-.Ltmp1, $4  }
0x182: {  	[sflag:s29] =	ssyncadd.s32 $0xFFFFD800  }
0x183: {  	[spmem:s1] =	stream.indirect.scatter.add.f32 [tilespmem:s31], [sflag:$0x4], $0x80, s10, s30, $0xb8;
	[tilespmem:$0x1A000] =	vst v63  }
0x184: {  	_ =	swait.ge [sflag:s0], $0x2800  }
0x185: {  	s14 =	rddreg [dreg:$0x5];
	[sflag:s0] =	ssyncset.done $0x0  }
0x186: {  	p0 =	seq.s32 s12, $0x0;
	s11 =	rddreg [dreg:$0x4]  }
0x187: {  	[sflag:s0] =	ssyncadd.s32 $0xFFFFD800;
	s13 =	sadd.s32 @!p0 s12, s14;
	s14 =	simm.s32 @!p0 $0x0  }
0x188: {  	[tilespmem:s14], [sflag:$0x1] =	stream.linear.gather @!p0 [hbm4b:s13+s14], $0x800, $0x38;
	[tilespmem:$0x1A000] =	vst v63  }
0x189: {  	s11 =	sadd.s32 @!p0 s12, s11;
	s12 =	simm.s32 @!p0 $0x800  }
0x18a: {  	[tilespmem:s12], [sflag:$0x2] =	stream.linear.gather @!p0 [hbm4b:s11+s14], $0x800, $0x38;
	[tilespmem:$0x1A000] =	vst v63  }
0x18b: {  	_ =	swait.ge [sflag:s28], $0x800  }
0x18c: {  	[sflag:s28] =	ssyncset.done $0x0  }
0x18d: {  	[sflag:s28] =	ssyncadd.s32 $0xFFFFF800  }
0x18e: {  	_ =	swait.ge [sflag:s29], $0x800  }
0x18f: {  	[sflag:s29] =	ssyncset.done $0x0  }
0x190: {  	[sflag:s29] =	ssyncadd.s32 $0xFFFFF800  }
0x191: {  	[tilespmem:s25], [sflag:$0x1] =	stream.indirect.gather [hbm4b:s4+s30], $0x80, s2, s30, $0xb8;
	[tilespmem:$0x1A000] =	vst v63  }
0x192: {  	s13 =	rddreg [dreg:$0x6]  }
0x193: {  	[tilespmem:s31], [sflag:$0x2] =	stream.indirect.gather [hbm4b:s4+s30], $0x80, s13, s30, $0xb8;
	[tilespmem:$0x1A000] =	vst v63  }
0x194: {  	_ =	swait.ge [sflag:s28], $0x2800  }
0x195: {  	[sflag:s28] =	ssyncset.done $0x0  }
0x196: {  	[sflag:s28] =	ssyncadd.s32 $0xFFFFD800  }
0x197: {  	[spmem:s1] =	stream.indirect.scatter.add.f32 [tilespmem:s25], [sflag:$0x4], $0x80, s24, s30, $0xb8;
	[tilespmem:$0x1A000] =	vst v63  }
0x198: {  	_ =	swait.ge [sflag:s0], $0x2800  }
0x199: {  	[sflag:s0] =	ssyncset.done $0x0  }
0x19a: {  	s14 =	rddreg [dreg:$0x7];
	[sflag:s0] =	ssyncadd.s32 $0xFFFFD800  }
0x19b: {  	[tilespmem:s25], [sflag:$0x1] =	stream.indirect.gather [hbm4b:s4+s30], $0x80, s14, s30, $0xb8;
	[tilespmem:$0x1A000] =	vst v63  }
0x19c: {  	_ =	swait.ge [sflag:s29], $0x2800  }
0x19d: {  	[sflag:s29] =	ssyncset.done $0x0  }
0x19e: {  	s15 =	rddreg [dreg:$0x8];
	[sflag:s29] =	ssyncadd.s32 $0xFFFFD800  }
0x19f: {  	[spmem:s1] =	stream.indirect.scatter.add.f32 [tilespmem:s31], [sflag:$0x4], $0x80, s15, s30, $0xb8;
	[tilespmem:$0x1A000] =	vst v63  }
0x1a0: {  	_ =	swait.ge [sflag:s0], $0x2800  }
0x1a1: {  	[sflag:s0] =	ssyncset.done $0x0  }
0x1a2: {  	s26 =	rddreg [dreg:$0x9];
	[sflag:s0] =	ssyncadd.s32 $0xFFFFD800  }
0x1a3: {  	[tilespmem:s31], [sflag:$0x2] =	stream.indirect.gather [hbm4b:s4+s30], $0x80, s26, s30, $0xb8;
	[tilespmem:$0x1A000] =	vst v63  }
0x1a4: {  	_ =	swait.ge [sflag:s28], $0x2800  }
0x1a5: {  	[sflag:s28] =	ssyncset.done $0x0  }
0x1a6: {  	s12 =	rddreg [dreg:$0xa];
	[sflag:s28] =	ssyncadd.s32 $0xFFFFD800  }
0x1a7: {  	[spmem:s1] =	stream.indirect.scatter.add.f32 [tilespmem:s25], [sflag:$0x4], $0x80, s12, s30, $0xb8;
	[tilespmem:$0x1A000] =	vst v63  }
0x1a8: {  	_ =	swait.ge [sflag:s0], $0x2800  }
0x1a9: {  	[sflag:s0] =	ssyncset.done $0x0  }
0x1aa: {  	s13 =	rddreg [dreg:$0xb];
	[sflag:s0] =	ssyncadd.s32 $0xFFFFD800  }
0x1ab: {  	[tilespmem:s25], [sflag:$0x1] =	stream.indirect.gather [hbm4b:s4+s30], $0x80, s13, s30, $0xb8;
	[tilespmem:$0x1A000] =	vst v63  }
0x1ac: {  	_ =	swait.ge [sflag:s29], $0x2800  }
0x1ad: {  	[sflag:s29] =	ssyncset.done $0x0  }
0x1ae: {  	s14 =	rddreg [dreg:$0xc];
	[sflag:s29] =	ssyncadd.s32 $0xFFFFD800  }
0x1af: {  	[spmem:s1] =	stream.indirect.scatter.add.f32 [tilespmem:s31], [sflag:$0x4], $0x80, s14, s30, $0xb8;
	[tilespmem:$0x1A000] =	vst v63  }
0x1b0: {  	_ =	swait.ge [sflag:s0], $0x2800  }
0x1b1: {  	[sflag:s0] =	ssyncset.done $0x0  }
0x1b2: {  	s15 =	rddreg [dreg:$0xd];
	[sflag:s0] =	ssyncadd.s32 $0xFFFFD800  }
0x1b3: {  	[tilespmem:s31], [sflag:$0x2] =	stream.indirect.gather [hbm4b:s4+s30], $0x80, s15, s30, $0xb8;
	[tilespmem:$0x1A000] =	vst v63  }
0x1b4: {  	_ =	swait.ge [sflag:s28], $0x2800  }
0x1b5: {  	[sflag:s28] =	ssyncset.done $0x0  }
0x1b6: {  	s26 =	rddreg [dreg:$0xe];
	[sflag:s28] =	ssyncadd.s32 $0xFFFFD800  }
0x1b7: {  	[spmem:s1] =	stream.indirect.scatter.add.f32 [tilespmem:s25], [sflag:$0x4], $0x80, s26, s30, $0xb8;
	[tilespmem:$0x1A000] =	vst v63  }
0x1b8: {  	_ =	swait.ge [sflag:s0], $0x2800  }
0x1b9: {  	[sflag:s0] =	ssyncset.done $0x0  }
0x1ba: {  	s12 =	rddreg [dreg:$0xf];
	[sflag:s0] =	ssyncadd.s32 $0xFFFFD800  }
0x1bb: {  	[tilespmem:s25], [sflag:$0x1] =	stream.indirect.gather [hbm4b:s4+s30], $0x80, s12, s30, $0xb8;
	[tilespmem:$0x1A000] =	vst v63  }
0x1bc: {  	_ =	swait.ge [sflag:s29], $0x2800  }
0x1bd: {  	[sflag:s29] =	ssyncset.done $0x0  }
0x1be: {  	s13 =	rddreg [dreg:$0x10];
	[sflag:s29] =	ssyncadd.s32 $0xFFFFD800  }
0x1bf: {  	[spmem:s1] =	stream.indirect.scatter.add.f32 [tilespmem:s31], [sflag:$0x4], $0x80, s13, s30, $0xb8;
	[tilespmem:$0x1A000] =	vst v63  }
0x1c0: {  	_ =	swait.ge [sflag:s0], $0x2800  }
0x1c1: {  	[sflag:s0] =	ssyncset.done $0x0  }
0x1c2: {  	s14 =	rddreg [dreg:$0x11];
	[sflag:s0] =	ssyncadd.s32 $0xFFFFD800  }
0x1c3: {  	[tilespmem:s31], [sflag:$0x2] =	stream.indirect.gather [hbm4b:s4+s30], $0x80, s14, s30, $0xb8;
	[tilespmem:$0x1A000] =	vst v63  }
0x1c4: {  	_ =	swait.ge [sflag:s28], $0x2800  }
0x1c5: {  	[sflag:s28] =	ssyncset.done $0x0  }
0x1c6: {  	s15 =	rddreg [dreg:$0x12];
	[sflag:s28] =	ssyncadd.s32 $0xFFFFD800  }
0x1c7: {  	[spmem:s1] =	stream.indirect.scatter.add.f32 [tilespmem:s25], [sflag:$0x4], $0x80, s15, s30, $0xb8;
	[tilespmem:$0x1A000] =	vst v63  }
0x1c8: {  	_ =	swait.ge [sflag:s0], $0x2800  }
0x1c9: {  	[sflag:s0] =	ssyncset.done $0x0  }
0x1ca: {  	s26 =	rddreg [dreg:$0x13];
	[sflag:s0] =	ssyncadd.s32 $0xFFFFD800  }
0x1cb: {  	[tilespmem:s25], [sflag:$0x1] =	stream.indirect.gather [hbm4b:s4+s30], $0x80, s26, s30, $0xb8;
	[tilespmem:$0x1A000] =	vst v63  }
0x1cc: {  	_ =	swait.ge [sflag:s29], $0x2800  }
0x1cd: {  	[sflag:s29] =	ssyncset.done $0x0  }
0x1ce: {  	s12 =	rddreg [dreg:$0x14];
	[sflag:s29] =	ssyncadd.s32 $0xFFFFD800  }
0x1cf: {  	[spmem:s1] =	stream.indirect.scatter.add.f32 [tilespmem:s31], [sflag:$0x4], $0x80, s12, s30, $0xb8;
	[tilespmem:$0x1A000] =	vst v63  }
0x1d0: {  	_ =	swait.ge [sflag:s0], $0x2800  }
0x1d1: {  	[sflag:s0] =	ssyncset.done $0x0  }
0x1d2: {  	[sflag:s0] =	ssyncadd.s32 $0xFFFFD800  }
0x1d3: {  	[tilespmem:s31], [sflag:$0x2] =	stream.indirect.gather [hbm4b:s4+s30], $0x80, s3, s30, $0xb8;
	[tilespmem:$0x1A000] =	vst v63  }
0x1d4: {  	_ =	swait.ge [sflag:s28], $0x2800  }
0x1d5: {  	[sflag:s28] =	ssyncset.done $0x0  }
0x1d6: {  	[sflag:s28] =	ssyncadd.s32 $0xFFFFD800  }
0x1d7: {  	[spmem:s1] =	stream.indirect.scatter.add.f32 [tilespmem:s25], [sflag:$0x4], $0x80, s5, s30, $0xb8;
	[tilespmem:$0x1A000] =	vst v63  }
0x1d8: {  	_ =	swait.ge [sflag:s0], $0x2800  }
0x1d9: {  	[sflag:s0] =	ssyncset.done $0x0  }
0x1da: {  	[sflag:s0] =	ssyncadd.s32 $0xFFFFD800  }
0x1db: {  	[tilespmem:s25], [sflag:$0x1] =	stream.indirect.gather [hbm4b:s4+s30], $0x80, s6, s30, $0xb8;
	[tilespmem:$0x1A000] =	vst v63  }
0x1dc: {  	_ =	swait.ge [sflag:s29], $0x2800  }
0x1dd: {  	[sflag:s29] =	ssyncset.done $0x0  }
0x1de: {  	[sflag:s29] =	ssyncadd.s32 $0xFFFFD800  }
0x1df: {  	[spmem:s1] =	stream.indirect.scatter.add.f32 [tilespmem:s31], [sflag:$0x4], $0x80, s7, s30, $0xb8;
	[tilespmem:$0x1A000] =	vst v63  }
0x1e0: {  	_ =	swait.ge [sflag:s0], $0x2800  }
0x1e1: {  	[sflag:s0] =	ssyncset.done $0x0  }
0x1e2: {  	[sflag:s0] =	ssyncadd.s32 $0xFFFFD800  }
0x1e3: {  	[tilespmem:s31], [sflag:$0x2] =	stream.indirect.gather [hbm4b:s4+s30], $0x80, s16, s30, $0xb8;
	[tilespmem:$0x1A000] =	vst v63  }
0x1e4: {  	_ =	swait.ge [sflag:s28], $0x2800  }
0x1e5: {  	[sflag:s28] =	ssyncset.done $0x0  }
0x1e6: {  	[sflag:s28] =	ssyncadd.s32 $0xFFFFD800  }
0x1e7: {  	[spmem:s1] =	stream.indirect.scatter.add.f32 [tilespmem:s25], [sflag:$0x4], $0x80, s17, s30, $0xb8;
	[tilespmem:$0x1A000] =	vst v63  }
0x1e8: {  	_ =	swait.ge [sflag:s0], $0x2800  }
0x1e9: {  	[sflag:s0] =	ssyncset.done $0x0  }
0x1ea: {  	[sflag:s0] =	ssyncadd.s32 $0xFFFFD800  }
0x1eb: {  	[tilespmem:s25], [sflag:$0x1] =	stream.indirect.gather [hbm4b:s4+s30], $0x80, s18, s30, $0xb8;
	[tilespmem:$0x1A000] =	vst v63  }
0x1ec: {  	_ =	swait.ge [sflag:s29], $0x2800  }
0x1ed: {  	[sflag:s29] =	ssyncset.done $0x0  }
0x1ee: {  	[sflag:s29] =	ssyncadd.s32 $0xFFFFD800  }
0x1ef: {  	[spmem:s1] =	stream.indirect.scatter.add.f32 [tilespmem:s31], [sflag:$0x4], $0x80, s19, s30, $0xb8;
	[tilespmem:$0x1A000] =	vst v63  }
0x1f0: {  	_ =	swait.ge [sflag:s0], $0x2800  }
0x1f1: {  	[sflag:s0] =	ssyncset.done $0x0  }
0x1f2: {  	[sflag:s0] =	ssyncadd.s32 $0xFFFFD800  }
0x1f3: {  	[tilespmem:s31], [sflag:$0x2] =	stream.indirect.gather [hbm4b:s4+s30], $0x80, s20, s30, $0xb8;
	[tilespmem:$0x1A000] =	vst v63  }
0x1f4: {  	_ =	swait.ge [sflag:s28], $0x2800  }
0x1f5: {  	[sflag:s28] =	ssyncset.done $0x0  }
0x1f6: {  	[sflag:s28] =	ssyncadd.s32 $0xFFFFD800  }
0x1f7: {  	[spmem:s1] =	stream.indirect.scatter.add.f32 [tilespmem:s25], [sflag:$0x4], $0x80, s21, s30, $0xb8;
	[tilespmem:$0x1A000] =	vst v63  }
0x1f8: {  	_ =	swait.ge [sflag:s0], $0x2800  }
0x1f9: {  	[sflag:s0] =	ssyncset.done $0x0  }
0x1fa: {  	[sflag:s0] =	ssyncadd.s32 $0xFFFFD800  }
0x1fb: {  	[tilespmem:s25], [sflag:$0x1] =	stream.indirect.gather [hbm4b:s4+s30], $0x80, s22, s30, $0xb8;
	[tilespmem:$0x1A000] =	vst v63  }
0x1fc: {  	_ =	swait.ge [sflag:s29], $0x2800  }
0x1fd: {  	[sflag:s29] =	ssyncset.done $0x0  }
0x1fe: {  	[sflag:s29] =	ssyncadd.s32 $0xFFFFD800  }
0x1ff: {  	[spmem:s1] =	stream.indirect.scatter.add.f32 [tilespmem:s31], [sflag:$0x4], $0x80, s23, s30, $0xb8;
	[tilespmem:$0x1A000] =	vst v63  }
0x200: {  	_ =	swait.ge [sflag:s0], $0x2800  }
0x201: {  	[sflag:s0] =	ssyncset.done $0x0  }
0x202: {  	[sflag:s0] =	ssyncadd.s32 $0xFFFFD800  }
0x203: {  	[tilespmem:s31], [sflag:$0x2] =	stream.indirect.gather [hbm4b:s4+s30], $0x80, s8, s30, $0xb8;
	[tilespmem:$0x1A000] =	vst v63  }
0x204: {  	_ =	swait.ge [sflag:s28], $0x2800  }
0x205: {  	[sflag:s28] =	ssyncset.done $0x0  }
0x206: {  	[sflag:s28] =	ssyncadd.s32 $0xFFFFD800  }
0x207: {  	[spmem:s1] =	stream.indirect.scatter.add.f32 [tilespmem:s25], [sflag:$0x4], $0x80, s9, s30, $0xb8;
	[tilespmem:$0x1A000] =	vst v63  }
0x208: {  	_ =	swait.ge [sflag:s0], $0x2800  }
0x209: {  	[sflag:s0] =	ssyncset.done $0x0  }
0x20a: {  	[sflag:s0] =	ssyncadd.s32 $0xFFFFD800  }
0x20b: {  	_ =	swait.ge [sflag:s29], $0x2800  }
0x20c: {  	[sflag:s29] =	ssyncset.done $0x0  }
0x20d: {  	[sflag:s29] =	ssyncadd.s32 $0xFFFFD800  }
0x20e: {  	[spmem:s1] =	stream.indirect.scatter.add.f32 [tilespmem:s31], [sflag:$0x4], $0x80, s10, s30, $0xb8;
	[tilespmem:$0x1A000] =	vst v63  }
0x20f: {  	_ =	swait.ge [sflag:s0], $0x2800  }
0x210: {  	[sflag:s0] =	ssyncset.done $0x0  }
0x211: {  	[sflag:s0] =	ssyncadd.s32 $0xFFFFD800  }
0x212: {  	[bflag:$0x0] =	sbarrier.arrive $0xFFFF  }
0x213: {  	s13 =	stileid.u32;
	s26 =	sld [smem:$0x7F6]  }
0x214: {  	s11 =	sshll.u32 s13, $0x6;
	s15 =	rddreg [dreg:$0x18]  }
0x215: {  	s11 =	sor.u32 $0x1C03, s11;
	s14 =	sshrl.u32 s15, $0x3  }
0x216: {  	[hbm:s26], [sflag:s11] =	dma.local [spmem:s14], $0x500  }
0x217: {  	s13 =	sld [smem:$0x7F7]  }
0x218: {  	s26 =	rddreg [dreg:$0x19]  }
0x219: {  	s14 =	sshrl.u32 s26, $0x3  }
0x21a: {  	[hbm:s13], [sflag:s11] =	dma.local [spmem:s14], $0x500  }
0x21b: {  	s13 =	sld [smem:$0x7F8]  }
0x21c: {  	s12 =	rddreg [dreg:$0x1a]  }
0x21d: {  	s12 =	sshrl.u32 s12, $0x3  }
0x21e: {  	[hbm:s13], [sflag:s11] =	dma.local [spmem:s12], $0x500  }
0x21f: {  	s13 =	sld [smem:$0x7F9]  }
0x220: {  	s12 =	rddreg [dreg:$0x1b]  }
0x221: {  	s12 =	sshrl.u32 s12, $0x3  }
0x222: {  	[hbm:s13], [sflag:s11] =	dma.local [spmem:s12], $0x500  }
0x223: {  	s13 =	sld [smem:$0x7FA]  }
0x224: {  	s12 =	rddreg [dreg:$0x1c]  }
0x225: {  	s12 =	sshrl.u32 s12, $0x3  }
0x226: {  	[hbm:s13], [sflag:s11] =	dma.local [spmem:s12], $0x500  }
0x227: {  	s13 =	sld [smem:$0x7FB]  }
0x228: {  	s12 =	rddreg [dreg:$0x1d]  }
0x229: {  	s12 =	sshrl.u32 s12, $0x3  }
0x22a: {  	[hbm:s13], [sflag:s11] =	dma.local [spmem:s12], $0x500  }
0x22b: {  	s13 =	sld [smem:$0x7FC]  }
0x22c: {  	s12 =	rddreg [dreg:$0x1e]  }
0x22d: {  	s12 =	sshrl.u32 s12, $0x3  }
0x22e: {  	[hbm:s13], [sflag:s11] =	dma.local [spmem:s12], $0x500  }
0x22f: {  	s13 =	sld [smem:$0x7FD]  }
0x230: {  	s14 =	rddreg [dreg:$0x1f]  }
0x231: {  	s12 =	sshrl.u32 s14, $0x3  }
0x232: {  	[hbm:s13], [sflag:s11] =	dma.local [spmem:s12], $0x500  }
0x233: {  	s12 =	simm.s32 $0x3  }
0x234: {  	_ =	swait.ge [sflag:s12], $0x500  }
0x235: {  	[sflag:s12] =	ssyncset.done $0x0  }
0x236: {  	[sflag:s12] =	ssyncadd.s32 $0xFFFFFB00  }
0x237: {  	_ =	swait.ge [sflag:s12], $0x500  }
0x238: {  	[sflag:s12] =	ssyncset.done $0x0  }
0x239: {  	[sflag:s12] =	ssyncadd.s32 $0xFFFFFB00  }
0x23a: {  	_ =	swait.ge [sflag:s12], $0x500  }
0x23b: {  	[sflag:s12] =	ssyncset.done $0x0  }
0x23c: {  	[sflag:s12] =	ssyncadd.s32 $0xFFFFFB00  }
0x23d: {  	_ =	swait.ge [sflag:s12], $0x500  }
0x23e: {  	[sflag:s12] =	ssyncset.done $0x0  }
0x23f: {  	[sflag:s12] =	ssyncadd.s32 $0xFFFFFB00  }
0x240: {  	_ =	swait.ge [sflag:s12], $0x500  }
0x241: {  	[sflag:s12] =	ssyncset.done $0x0  }
0x242: {  	[sflag:s12] =	ssyncadd.s32 $0xFFFFFB00  }
0x243: {  	_ =	swait.ge [sflag:s12], $0x500  }
0x244: {  	[sflag:s12] =	ssyncset.done $0x0  }
0x245: {  	[sflag:s12] =	ssyncadd.s32 $0xFFFFFB00  }
0x246: {  	_ =	swait.ge [sflag:s12], $0x500  }
0x247: {  	[sflag:s12] =	ssyncset.done $0x0  }
0x248: {  	[sflag:s12] =	ssyncadd.s32 $0xFFFFFB00  }
0x249: {  	_ =	swait.ge [sflag:s12], $0x500  }
0x24a: {  	s11 =	sld [smem:$0x7F5];
	_ =	sdelay $0x2  }
0x24b: {  	s13 =	sadd.s32 $0x1, s11;
	s11 =	rddreg [dreg:$0x17]  }
0x24c: {  	p0 =	sne.s32 s13, s11  }
.Ltmp2:
0x24d: {  	_ = 	snop;
	(pc) =	sbr.rel @p0 .LBB2_1-.Ltmp2, $3  }
0x24e: {  	_ =	sdelay $0x1  }
0x24f: {  	[sflag:s12] =	ssyncset.done $0x0  }
0x250: {  	[sflag:s12] =	ssyncadd.s32 $0xFFFFFB00  }
0x251: {  	_ =	sfence.sel $0x180000  }
0x252: {  	[bflag:$0x0] =	sbarrier.arrive $0xFFFF  }
0x253: {  	_ =	strace $0x9000004A  }
0x254: {  	s0 =	stileid.u32;
	[bflag:$0x2] =	sbarrier.arrive $0xFFFF  }
0x255: {  	p0 =	sne.s32 s0, $0x0;
	s0 =	rddreg [dreg:$0x3]  }
0x256: {  	s0 =	sadd.s32 @!p0 $0x100000, s0  }
0x257: {  	[sflag:s0] =	ssyncadd.tile.s32 @!p0 $0x1;
	_ =	shalt  }
.Lfunc_end2:
_tile_overlayer_lowered:
.L_overlay_start_2:
0x258: {  	(tag) =	ssettag $0x2  }
0x259: {  	s0 =	rddreg [dreg:$0x0];
	s2 =	stileid.u32  }
0x25a: {  	s1 =	rddreg [dreg:$0x1];
	p0 =	sne.s32 s2, $0x0  }
0x25b: {  	s3 =	rddreg [dreg:$0x2];
	[bflag:$0x3] =	sbarrier.arrive $0xFFFF;
	s2 =	simm.s32 @!p0 $0x1C04  }
0x25c: {  	[timem:s3], [sflag:s2] =	dma.local @!p0 [hbm:s0], s1  }
0x25d: {  	s0 =	simm.s32 @!p0 $0x4  }
0x25e: {  	_ =	swait.ge @!p0 [sflag:s0], s1  }
0x25f: {  	s1 =	ssub.s32 @!p0 $0x0, s1;
	[sflag:s0] =	ssyncset.done @!p0 $0x0  }
0x260: {  	[sflag:s0] =	ssyncadd.s32 @!p0 s1  }
0x261: {  	[bflag:$0x3] =	sbarrier.arrive $0xFFFF  }
0x262: {  	_ =	shalt  }

// kernel: kernel.15.cloned.1.call-start
scs
__scs_entry_jumppad:
0x0: {  	(pc) =	sbr.rel $0x88, $3  }
0x1: {  	(tag) =	ssettag $0x0;
	lr =	simm.s32 $0x1  }
0x2: {  	[smem:$0x3F9B] =	sst lr;
	_ =	strace $0xD0000000  }
0x3: {  	_ = 	snop  }
0x4: {  	_ = 	snop  }
0x5: {  	_ = 	snop  }
0x6: {  	_ = 	snop  }
0x7: {  	_ = 	snop  }
__scs_overlays_trampoline_lowered:
0x8: {  	[smem:$0x3FAA] =	sst s0  }
0x9: {  	[smem:$0x3FAB] =	sst s1  }
0xa: {  	[smem:$0x3FAC] =	sst s2  }
0xb: {  	[smem:$0x3FAD] =	sst s3  }
0xc: {  	[smem:$0x3FAE] =	sst s4  }
0xd: {  	[smem:$0x3FAF] =	sst s5  }
0xe: {  	[smem:$0x3FB0] =	sst s6  }
0xf: {  	[smem:$0x3FB1] =	sst s7  }
0x10: {  	[smem:$0x3FB2] =	sst s8  }
0x11: {  	[smem:$0x3FB3] =	sst s9;
	s0 =	simm.s32 @!p0 $0x0  }
0x12: {  	s1 =	sld [smem:$0x3F99];
	s0 =	simm.s32 @p0 $0x1  }
0x13: {  	[smem:$0x3FB4] =	sst s0;
	s0 =	simm.s32 @!p1 $0x0  }
0x14: {  	s2 =	sld [smem:$0x3F98];
	s0 =	simm.s32 @p1 $0x1  }
0x15: {  	[smem:$0x3FB5] =	sst s0;
	s0 =	simm.s32 @!p2 $0x0  }
0x16: {  	s3 =	sld [smem:$0x3FDB];
	s0 =	simm.s32 @p2 $0x1  }
0x17: {  	s4 =	simm.s32 $0x1BF5;
	[smem:$0x3FB7] =	sst s0  }
0x18: {  	s0 =	sld [smem:$0x3F9A];
	_ =	swait.ge [sflag:s4], $0x0  }
0x19: {  	s7 =	sld [smem:$0x3F9B]  }
0x1a: {  	s8 =	sadd.s32 $0xFFFFE003, lr  }
0x1b: {  	s9 =	sadd.s32 $0xFFFFFEF7, lr;
	s5 =	simm.s32 $0xFFFFFFFF;
	p2 =	slt.u32 s8, $0xFFFFF086  }
0x1c: {  	p1 =	slt.u32 s9, $0xF7A;
	s5 =	simm.s32 @!p2 $0x0  }
0x1d: {  	s5 =	simm.s32 @p1 $0x1;
	p0 =	seq.s32 s7, s2  }
0x1e: {  	s7 =	smul.u32 @!p0 $0xF7A, s2;
	p2 =	seq.s32 @!p0 s5, $0x0  }
0x1f: {  	s9 =	smul.u32 $0xF7A, s1;
	s8 =	simm.s32 @!p0 $0x1BF5;
	p2 =	por !p2, p0  }
0x20: {  	[sflag:s8] =	ssyncset.s32 @!p0 $0xFFFFF086;
	s6 =	sadd.s32 @!p0 s3, s7;
	s7 =	simm.s32 @!p0 $0x108  }
0x21: {  	s3 =	sadd.s32 s3, s9;
	s6 =	sadd.s32 @!p0 $0x88, s6;
	s7 =	simm.s32 @p2 $0x1082  }
0x22: {  	[simem:s7], [sflag:s8] =	dma.local @!p0 [hbm:s6], $0xF7A  }
0x23: {  	s9 =	sor.u32 $0xD0000000, s2;
	s6 =	simm.s32 $0x108;
	_ =	swait.ge @!p0 [sflag:s8], $0x0  }
0x24: {  	s3 =	sadd.s32 $0x88, s3;
	s6 =	simm.s32 @!p1 $0x1082;
	[sflag:s4] =	ssyncset.s32 $0xFFFFF086  }
0x25: {  	[simem:s6], [sflag:s4] =	dma.local [hbm:s3], $0xF7A  }
0x26: {  	[smem:$0x3F9B] =	sst s1;
	(tag) =	ssettag s2;
	_ =	strace s9  }
0x27: {  	s1 =	sld [smem:$0x3FAB]  }
0x28: {  	s2 =	sld [smem:$0x3FAC]  }
0x29: {  	s4 =	sld [smem:$0x3FAE]  }
0x2a: {  	p0 =	seq.s32 s5, $0x0;
	s5 =	sld [smem:$0x3FAF]  }
0x2b: {  	s6 =	sld [smem:$0x3FB0]  }
0x2c: {  	s7 =	sld [smem:$0x3FB1]  }
0x2d: {  	s3 =	simm.s32 $0x108;
	s8 =	sld [smem:$0x3FB2]  }
0x2e: {  	s3 =	simm.s32 @!p0 $0x1082;
	s9 =	sld [smem:$0x3FB3]  }
0x2f: {  	lr =	sadd.s32 s0, s3;
	s0 =	sld [smem:$0x3FAA]  }
0x30: {  	s3 =	sld [smem:$0x3FAD]  }
0x31: {  	[smem:$0x3FB6] =	sst s10  }
0x32: {  	s10 =	sld [smem:$0x3FB4];
	_ =	sdelay $0x3  }
0x33: {  	p0 =	seq.s32 s10, $0x1;
	s10 =	sld [smem:$0x3FB6];
	_ =	sdelay $0x3  }
0x34: {  	[smem:$0x3FB6] =	sst s10  }
0x35: {  	s10 =	sld [smem:$0x3FB5];
	_ =	sdelay $0x3  }
0x36: {  	p1 =	seq.s32 s10, $0x1;
	s10 =	sld [smem:$0x3FB6];
	_ =	sdelay $0x3  }
0x37: {  	[smem:$0x3FB6] =	sst s10  }
0x38: {  	s10 =	sld [smem:$0x3FB7]  }
0x39: {  	_ = 	snop;
	(pc) =	sbr.ind lr, $3  }
0x3a: {  	_ = 	snop  }
0x3b: {  	_ = 	snop  }
0x3c: {  	p2 =	seq.s32 s10, $0x1;
	s10 =	sld [smem:$0x3FB6]  }
0x3d: {  	_ =	shalt  }
0x3e: {  	_ =	shalt  }
0x3f: {  	_ =	shalt  }
0x40: {  	_ =	shalt  }
0x41: {  	_ =	shalt  }
0x42: {  	_ =	shalt  }
0x43: {  	_ =	shalt  }
0x44: {  	_ =	shalt  }
0x45: {  	_ =	shalt  }
0x46: {  	_ =	shalt  }
0x47: {  	_ =	shalt  }
0x48: {  	_ =	shalt  }
0x49: {  	_ =	shalt  }
0x4a: {  	_ =	shalt  }
0x4b: {  	_ =	shalt  }
0x4c: {  	_ =	shalt  }
0x4d: {  	_ =	shalt  }
0x4e: {  	_ =	shalt  }
0x4f: {  	_ =	shalt  }
0x50: {  	_ =	shalt  }
0x51: {  	_ =	shalt  }
0x52: {  	_ =	shalt  }
0x53: {  	_ =	shalt  }
0x54: {  	_ =	shalt  }
0x55: {  	_ =	shalt  }
0x56: {  	_ =	shalt  }
0x57: {  	_ =	shalt  }
0x58: {  	_ =	shalt  }
0x59: {  	_ =	shalt  }
0x5a: {  	_ =	shalt  }
0x5b: {  	_ =	shalt  }
0x5c: {  	_ =	shalt  }
0x5d: {  	_ =	shalt  }
0x5e: {  	_ =	shalt  }
0x5f: {  	_ =	shalt  }
0x60: {  	_ =	shalt  }
0x61: {  	_ =	shalt  }
0x62: {  	_ =	shalt  }
0x63: {  	_ =	shalt  }
0x64: {  	_ =	shalt  }
0x65: {  	_ =	shalt  }
0x66: {  	_ =	shalt  }
0x67: {  	_ =	shalt  }
0x68: {  	_ =	shalt  }
0x69: {  	_ =	shalt  }
0x6a: {  	_ =	shalt  }
0x6b: {  	_ =	shalt  }
0x6c: {  	_ =	shalt  }
0x6d: {  	_ =	shalt  }
0x6e: {  	_ =	shalt  }
0x6f: {  	_ =	shalt  }
0x70: {  	_ =	shalt  }
0x71: {  	_ =	shalt  }
0x72: {  	_ =	shalt  }
0x73: {  	_ =	shalt  }
0x74: {  	_ =	shalt  }
0x75: {  	_ =	shalt  }
0x76: {  	_ =	shalt  }
0x77: {  	_ =	shalt  }
0x78: {  	_ =	shalt  }
0x79: {  	_ =	shalt  }
0x7a: {  	_ =	shalt  }
0x7b: {  	_ =	shalt  }
0x7c: {  	_ =	shalt  }
0x7d: {  	_ =	shalt  }
0x7e: {  	_ =	shalt  }
0x7f: {  	_ =	shalt  }
0x80: {  	_ =	shalt  }
0x81: {  	_ =	shalt  }
0x82: {  	_ =	shalt  }
0x83: {  	_ =	shalt  }
0x84: {  	_ =	shalt  }
0x85: {  	_ =	shalt  }
0x86: {  	_ =	shalt  }
0x87: {  	_ =	shalt  }
.Lfunc_end0:
.L_simem_size_0:
called_computation.2_lowered:
.L_overlay_start_0:
0x88: {  	s2 =	sld [smem:$0x3FD9]  }
0x89: {  	s3 =	sld [smem:$0x3FFE];
	_ =	sdelay $0x1  }
0x8a: {  	s1 =	srdreg.scid  }
0x8b: {  	s0 =	sand.u32 $0x1, s1  }
0x8c: {  	s17 =	sshll.u32 s0, $0xA;
	s2 =	sadd.s32 s3, s2  }
0x8d: {  	s2 =	sadd.s32 s2, s17  }
0x8e: {  	[smem:$0x3FC2] =	sst s2  }
0x8f: {  	_ = 	snop  }
0x90: {  	s2 =	sld [smem:$0x3FD0];
	(tm) =	ssettm $0x1  }
0x91: {  	s18 =	sld [smem:$0x3FFB];
	_ =	sdelay $0x3  }
0x92: {  	_ =	strace s18  }
0x93: {  	s3 =	sld [smem:$0x3FFC];
	_ =	sdelay $0x3  }
0x94: {  	_ =	strace s3  }
0x95: {  	s3 =	sld [smem:$0x3FFD];
	_ =	sdelay $0x3  }
0x96: {  	_ =	strace s3  }
0x97: {  	_ =	strace $0x8FFFFFFF  }
0x98: {  	s19 =	sld [smem:$0x3FDB];
	_ =	sdelay $0x1  }
0x99: {  	s4 =	simm.s32 $_scs_section_size  }
0x9a: {  	s5 =	simm.s32 $_size__tile_overlayer_lowered;
	s6 =	simm.s32 $_tile_overlayer_lowered  }
0x9b: {  	s22 =	simm.s32 $0x1BFF;
	s21 =	sshll.u32 s6, $0x1;
	s3 =	sadd.s32 s4, s19  }
0x9c: {  	s7 =	simm.s32 $0x0;
	s20 =	sshll.u32 s5, $0x1;
	s5 =	sadd.s32 s21, s3  }
0x9d: {  	[timem:s7], [sflag:s22] =	dma.local [hbm:s5], s20  }
0x9e: {  	_ =	swait.ge [sflag:s22], s20  }
0x9f: {  	s4 =	ssub.s32 $0x0, s20;
	[sflag:s22] =	ssyncset.done $0x0  }
0xa0: {  	[sflag:s22] =	ssyncadd.s32 s4;
	_ =	sdelay $0x1  }
0xa1: {  	s23 =	simm.s32 $0x1B8B  }
0xa2: {  	_ =	swait.ge [sflag:s23], $0x1  }
0xa3: {  	[sflag:s23] =	ssyncset.done $0x0  }
0xa4: {  	s25 =	simm.s32 $0x1B8E;
	s24 =	sld [smem:$0x3FFE];
	[sflag:s23] =	ssyncadd.s32 $0xFFFFFFFF  }
0xa5: {  	s26 =	simm.s32 $execute0_lowered;
	[smem:$0x3FD2] =	sst s25  }
0xa6: {  	s5 =	sshll.u32 s26, $0x1;
	_ =	strace $0x8000004C;
	[dreg:$0x1] =	wrdreg $0xFFFFFFFF  }
0xa7: {  	s28 =	simm.s32 $_size_execute0_lowered;
	s3 =	sadd.s32 s3, s5;
	[dreg:$0x0] =	wrdreg $0x0  }
0xa8: {  	s5 =	sshll.u32 s28, $0x1;
	[dreg:$0x2] =	wrdreg s3  }
0xa9: {  	[dreg:$0x3] =	wrdreg s5  }
0xaa: {  	[dreg:$0x4] =	wrdreg $0xC0  }
0xab: {  	_ =	task [dreg:s7], $0x5FFFF  }
0xac: {  	[dreg:$0x1] =	wrdreg $0xFFFFFFFF  }
0xad: {  	[dreg:$0x0] =	wrdreg $0x60  }
0xae: {  	[dreg:$0x2] =	wrdreg s24  }
0xaf: {  	[dreg:$0x3] =	wrdreg s2  }
0xb0: {  	[dreg:$0x4] =	wrdreg $0x60000  }
0xb1: {  	[dreg:$0x5] =	wrdreg $0x9  }
0xb2: {  	_ =	task.clear_ibuf [dreg:s7], $0x6FFFF;
	_ =	strace $0x9000004C  }
0xb3: {  	s29 =	simm.s32 $0x9;
	_ =	strace $0x8000004E  }
0xb4: {  	_ =	swait.ge [sflag:s29], $0x1  }
0xb5: {  	[sflag:s29] =	ssyncadd.s32 $0xFFFFFFFF  }
0xb6: {  	_ =	strace $0x9000004E  }
0xb7: {  	_ =	sfence  }
0xb8: {  	s30 =	sld [smem:$0x0];
	_ =	sdelay $0x2  }
0xb9: {  	s31 =	sshll.u32 s1, $0xD;
	s1 =	sshrl.u32 s1, $0x2  }
0xba: {  	s3 =	sand.u32 $0x4000, s31;
	s1 =	sadd.s32 s1, s30  }
0xbb: {  	s0 =	sor.u32 s3, s0;
	s1 =	sshll.u32 s1, $0x11  }
0xbc: {  	s0 =	sor.u32 s1, s0  }
0xbd: {  	s0 =	sadd.s32 $0x8F2B, s0  }
0xbe: {  	[sflag:s0] =	ssyncadd.remote.s32 $0x1  }
0xbf: {  	_ =	sfence.sel $0xFFFF  }
0xc0: {  	[dreg:$0x0] =	wrdreg $0xFFFFFFFF;
	(pc) =	sbr.abs _section_cstart, $3  }
0xc1: {  	[dreg:$0x1] =	wrdreg $0xFFFFFFFF  }
0xc2: {  	_ =	task.clear_ibuf [dreg:s7], $0x2FFFF;
	_ =	strace $0x9FFFFFFF  }
0xc3: {  	(tm) =	ssettm $0x7FFFFFFF  }
tec
execute0_lowered:
.L_overlay_start_1:
0x0: {  	(tag) =	ssettag $0x1  }
0x1: {  	s0 =	rddreg [dreg:$0x0]  }
0x2: {  	s3 =	rddreg [dreg:$0x1]  }
0x3: {  	s1 =	rddreg [dreg:$0x2];
	s2 =	simm.s32 $0x0  }
0x4: {  	s5 =	srdreg.scid;
	s12 =	stileid.u32;
	s28 =	simm.s32 $0x1  }
0x5: {  	s29 =	simm.s32 $0x2;
	s30 =	simm.s32 $0x50;
	s31 =	simm.s32 $0x3800  }
0x6: {  	[smem:$0x7FF] =	sst s2;
	s6 =	sadd.s32 $0x16400, s0;
	s5 =	sand.u32 $0x1, s5  }
0x7: {  	s10 =	sshll.u32 s12, $0xB;
	s11 =	smul.u32 $0x50000, s12;
	s9 =	sshll.u32 s5, $0xF  }
0x8: {  	_ =	strace $0x8000004D;
	s7 =	ssub.s32 $0x2, s5;
	s25 =	sor.u32 s10, s9  }
0x9: {  	s8 =	sshrl.u32 s7, $0x1;
	s26 =	sshrl.u32 s11, $0x2;
	s13 =	sadd.s32 s3, s25  }
0xa: {  	s7 =	ssub.s32 s7, s8;
	s8 =	sadd.s32 s6, s25;
	[dreg:$0x15] =	wrdreg s13  }
0xb: {  	s4 =	sadd.s32 $0x26400, s0;
	s15 =	sadd.s32 s26, s1;
	[dreg:$0x16] =	wrdreg s8  }
0xc: {  	s6 =	sadd.s32 s9, s6;
	s7 =	smax.u32 s7, $0x1;
	[dreg:$0x18] =	wrdreg s15  }
0xd: {  	s3 =	sadd.s32 s9, s3;
	s6 =	sadd.s32 s10, s6;
	[dreg:$0x17] =	wrdreg s7  }
0xe: {  	s0 =	sadd.s32 $0x4E400, s0;
	s3 =	sadd.s32 s10, s3;
	[dreg:$0x4] =	wrdreg s6  }
0xf: {  	s8 =	smul.u32 $0x14000, s12;
	s12 =	simm.s32 $0x280;
	[dreg:$0x5] =	wrdreg s3  }
0x10: {  	s5 =	smul.u32 $0x140000, s5;
	s13 =	simm.s32 $0x0;
	[dreg:$0xd] =	wrdreg s12  }
0x11: {  	s3 =	simm.s32 $0x480;
	s11 =	sor.u32 $0x2800, s8;
	s17 =	sadd.s32 $0x5000, s8  }
0x12: {  	s19 =	sadd.s32 $0x7800, s8;
	s21 =	sadd.s32 $0xA000, s8;
	s14 =	sadd.s32 $0xC800, s8  }
0x13: {  	s23 =	sadd.s32 $0xF000, s8;
	s24 =	sadd.s32 s5, s8;
	s8 =	sadd.s32 $0x11800, s8  }
0x14: {  	s26 =	sadd.s32 s11, s1;
	s18 =	sadd.s32 s17, s1;
	s20 =	sadd.s32 s19, s1  }
0x15: {  	s16 =	sadd.s32 s21, s1;
	s22 =	sadd.s32 s14, s1;
	[dreg:$0x1a] =	wrdreg s18  }
0x16: {  	s25 =	sadd.s32 s23, s1;
	s6 =	sshrl.u32 s24, $0x3;
	[dreg:$0x1b] =	wrdreg s20  }
0x17: {  	s7 =	sadd.s32 s5, s11;
	s11 =	sadd.s32 s5, s17;
	[dreg:$0x1c] =	wrdreg s16  }
0x18: {  	s17 =	sadd.s32 s5, s21;
	s9 =	sadd.s32 s5, s23;
	[dreg:$0x1d] =	wrdreg s22  }
0x19: {  	s21 =	simm.s32 $0x100;
	s23 =	simm.s32 $0x880;
	[dreg:$0x1e] =	wrdreg s25  }
0x1a: {  	s24 =	simm.s32 $0x180;
	s16 =	sadd.s32 s5, s19;
	[dreg:$0x7] =	wrdreg s21  }
0x1b: {  	s18 =	sadd.s32 s5, s14;
	s5 =	sadd.s32 s5, s8;
	[dreg:$0x8] =	wrdreg s23  }
0x1c: {  	s14 =	sadd.s32 s8, s1;
	s6 =	sadd.s32 s0, s6;
	[dreg:$0x9] =	wrdreg s24  }
0x1d: {  	s19 =	sshrl.u32 s7, $0x3;
	s20 =	simm.s32 $0x80;
	[dreg:$0x19] =	wrdreg s26  }
0x1e: {  	s22 =	sshrl.u32 s11, $0x3;
	s7 =	simm.s32 $0x900;
	[smem:$0x7F6] =	sst s6  }
0x1f: {  	s8 =	simm.s32 $0x200;
	s10 =	sshrl.u32 s17, $0x3;
	[dreg:$0x6] =	wrdreg s20  }
0x20: {  	s11 =	simm.s32 $0x980;
	s17 =	simm.s32 $0xA00;
	[dreg:$0xa] =	wrdreg s7  }
0x21: {  	s21 =	simm.s32 $0x380;
	s23 =	simm.s32 $0x400;
	[dreg:$0xb] =	wrdreg s8  }
0x22: {  	s24 =	simm.s32 $0x800;
	s6 =	sadd.s32 s0, s19;
	[dreg:$0xc] =	wrdreg s11  }
0x23: {  	s25 =	sshrl.u32 s16, $0x3;
	s16 =	sshrl.u32 s18, $0x3;
	[dreg:$0xe] =	wrdreg s17  }
0x24: {  	s18 =	simm.s32 $0x300;
	s19 =	sshrl.u32 s9, $0x3;
	[dreg:$0x11] =	wrdreg s21  }
0x25: {  	s20 =	simm.s32 $0xA80;
	s5 =	sshrl.u32 s5, $0x3;
	[dreg:$0x13] =	wrdreg s23  }
0x26: {  	s7 =	simm.s32 $0xC80;
	s17 =	simm.s32 $0xD00;
	[dreg:$0x1f] =	wrdreg s14  }
0x27: {  	s21 =	simm.s32 $0xE00;
	s23 =	simm.s32 $0xE80;
	[smem:$0x7F7] =	sst s6  }
0x28: {  	s8 =	simm.s32 $0x780;
	s9 =	simm.s32 $0xF00;
	[dreg:$0xf] =	wrdreg s18  }
0x29: {  	s6 =	sadd.s32 s0, s22;
	[dreg:$0x10] =	wrdreg s20;
	s22 =	simm.s32 $0xB00  }
0x2a: {  	s18 =	simm.s32 $0x600;
	s20 =	simm.s32 $0x680;
	[smem:$0x7F8] =	sst s6  }
0x2b: {  	s6 =	sadd.s32 s0, s25;
	[dreg:$0x12] =	wrdreg s22;
	s25 =	simm.s32 $0xB80  }
0x2c: {  	s22 =	simm.s32 $0x700;
	[smem:$0x7F9] =	sst s6;
	s6 =	sadd.s32 s0, s10  }
0x2d: {  	[dreg:$0x14] =	wrdreg s25;
	s25 =	simm.s32 $0x1000;
	s10 =	simm.s32 $0xF80  }
0x2e: {  	[smem:$0x7FA] =	sst s6;
	s6 =	sadd.s32 s0, s16;
	s16 =	simm.s32 $0x580  }
0x2f: {  	[smem:$0x7FB] =	sst s6;
	s6 =	sadd.s32 s0, s19;
	s0 =	sadd.s32 s0, s5  }
0x30: {  	s5 =	simm.s32 $0xC00;
	s19 =	simm.s32 $0xD80;
	[smem:$0x7FC] =	sst s6  }
0x31: {  	v0 =	vimm.f32 $0.0e+00;
	[smem:$0x7FD] =	sst s0;
	s0 =	simm.s32 $0x4;
	s6 =	simm.s32 $0x500  }
.LBB2_1:
0x32: {  	[smem:$0x7F5] =	sst s13  }
0x33: {  	s11 =	rddreg [dreg:$0x15]  }
0x34: {  	[tilespmem:s2], [sflag:$0x1] =	stream.linear.gather [hbm4b:s11+s2], $0x800, $0x38;
	[tilespmem:$0x1A000] =	vst v63  }
0x35: {  	s13 =	rddreg [dreg:$0x16]  }
0x36: {  	[tilespmem:s24], [sflag:$0x2] =	stream.linear.gather [hbm4b:s13+s2], $0x800, $0x38;
	[tilespmem:$0x1A000] =	vst v63  }
0x37: {  	s12 =	simm.s32 $0x70;
	s13 =	simm.s32 $0x3C0  }
.LBB2_2:
0x38: {  	p0 =	sne.s32 s13, $0x9FC0;
	[tilespmem:s12+$0x1000] =	vst v0  }
0x39: {  	[tilespmem:s12+$0xF90] =	vst v0  }
0x3a: {  	[tilespmem:s12+$0xFA0] =	vst v0  }
.Ltmp0:
0x3b: {  	[tilespmem:s12+$0xFB0] =	vst v0;
	(pc) =	sbr.rel @p0 .LBB2_2-.Ltmp0, $4  }
0x3c: {  	[tilespmem:s12+$0xFC0] =	vst v0  }
0x3d: {  	[tilespmem:s12+$0xFD0] =	vst v0  }
0x3e: {  	[tilespmem:s12+$0xFE0] =	vst v0  }
0x3f: {  	[tilespmem:s12+$0xFF0] =	vst v0;
	s12 =	sshra.s32 s13, $0x2;
	s13 =	sadd.s32 $0x200, s13  }
0x40: {  	[tilespmem:s12+$0x1000] =	vst v0  }
0x41: {  	[tilespmem:s12+$0xF90] =	vst v0  }
0x42: {  	[tilespmem:s12+$0xFA0] =	vst v0  }
0x43: {  	[tilespmem:s12+$0xFB0] =	vst v0  }
0x44: {  	[tilespmem:s12+$0xFC0] =	vst v0  }
0x45: {  	[tilespmem:s12+$0xFD0] =	vst v0  }
0x46: {  	[tilespmem:s12+$0xFE0] =	vst v0  }
0x47: {  	[tilespmem:s12+$0xFF0] =	vst v0  }
0x48: {  	[spmem:s15] =	stream.linear.scatter [tilespmem:s25], [sflag:$0x3], $0x2800, $0x38;
	[tilespmem:$0x1A000] =	vst v63  }
0x49: {  	_ = 	snop  }
0x4a: {  	[spmem:s26] =	stream.linear.scatter [tilespmem:s25], [sflag:$0x3], $0x2800, $0x38;
	[tilespmem:$0x1A000] =	vst v63  }
0x4b: {  	s11 =	rddreg [dreg:$0x1a]  }
0x4c: {  	[spmem:s11] =	stream.linear.scatter [tilespmem:s25], [sflag:$0x3], $0x2800, $0x38;
	[tilespmem:$0x1A000] =	vst v63  }
0x4d: {  	s26 =	rddreg [dreg:$0x1b]  }
0x4e: {  	[spmem:s26] =	stream.linear.scatter [tilespmem:s25], [sflag:$0x3], $0x2800, $0x38;
	[tilespmem:$0x1A000] =	vst v63  }
0x4f: {  	s12 =	rddreg [dreg:$0x1c]  }
0x50: {  	[spmem:s12] =	stream.linear.scatter [tilespmem:s25], [sflag:$0x3], $0x2800, $0x38;
	[tilespmem:$0x1A000] =	vst v63  }
0x51: {  	s13 =	rddreg [dreg:$0x1d]  }
0x52: {  	[spmem:s13] =	stream.linear.scatter [tilespmem:s25], [sflag:$0x3], $0x2800, $0x38;
	[tilespmem:$0x1A000] =	vst v63  }
0x53: {  	s15 =	rddreg [dreg:$0x1e]  }
0x54: {  	[spmem:s15] =	stream.linear.scatter [tilespmem:s25], [sflag:$0x3], $0x2800, $0x38;
	[tilespmem:$0x1A000] =	vst v63  }
0x55: {  	s26 =	simm.s32 $0x3  }
0x56: {  	[spmem:s14] =	stream.linear.scatter [tilespmem:s25], [sflag:$0x3], $0x2800, $0x38;
	[tilespmem:$0x1A000] =	vst v63  }
0x57: {  	_ =	swait.ge [sflag:s26], $0x2800  }
0x58: {  	[sflag:s26] =	ssyncset.done $0x0  }
0x59: {  	[sflag:s26] =	ssyncadd.s32 $0xFFFFD800  }
0x5a: {  	_ =	swait.ge [sflag:s26], $0x2800  }
0x5b: {  	[sflag:s26] =	ssyncset.done $0x0  }
0x5c: {  	[sflag:s26] =	ssyncadd.s32 $0xFFFFD800  }
0x5d: {  	_ =	swait.ge [sflag:s26], $0x2800  }
0x5e: {  	[sflag:s26] =	ssyncset.done $0x0  }
0x5f: {  	[sflag:s26] =	ssyncadd.s32 $0xFFFFD800  }
0x60: {  	_ =	swait.ge [sflag:s26], $0x2800  }
0x61: {  	[sflag:s26] =	ssyncset.done $0x0  }
0x62: {  	[sflag:s26] =	ssyncadd.s32 $0xFFFFD800  }
0x63: {  	_ =	swait.ge [sflag:s26], $0x2800  }
0x64: {  	[sflag:s26] =	ssyncset.done $0x0  }
0x65: {  	[sflag:s26] =	ssyncadd.s32 $0xFFFFD800  }
0x66: {  	_ =	swait.ge [sflag:s26], $0x2800  }
0x67: {  	[sflag:s26] =	ssyncset.done $0x0  }
0x68: {  	[sflag:s26] =	ssyncadd.s32 $0xFFFFD800  }
0x69: {  	_ =	swait.ge [sflag:s26], $0x2800  }
0x6a: {  	[sflag:s26] =	ssyncset.done $0x0  }
0x6b: {  	[sflag:s26] =	ssyncadd.s32 $0xFFFFD800  }
0x6c: {  	_ =	swait.ge [sflag:s26], $0x2800  }
0x6d: {  	[sflag:s26] =	ssyncset.done $0x0  }
0x6e: {  	[sflag:s26] =	ssyncadd.s32 $0xFFFFD800  }
0x6f: {  	[bflag:$0x0] =	sbarrier.arrive $0xFFFF  }
0x70: {  	p0 =	por $0x1, $0x1;
	s12 =	rddreg [dreg:$0x5]  }
0x71: {  	s14 =	simm.s32 @!p0 $0x0;
	s13 =	rddreg [dreg:$0x4];
	s12 =	sadd.s32 @!p0 $0x0, s12  }
0x72: {  	[tilespmem:s14], [sflag:$0x1] =	stream.linear.gather @!p0 [hbm4b:s12+s14], $0x800, $0x38;
	[tilespmem:$0x1A000] =	vst v63  }
0x73: {  	s12 =	sadd.s32 @!p0 $0x0, s13;
	s13 =	simm.s32 @!p0 $0x800  }
0x74: {  	[tilespmem:s13], [sflag:$0x2] =	stream.linear.gather @!p0 [hbm4b:s12+s14], $0x800, $0x38;
	[tilespmem:$0x1A000] =	vst v63  }
0x75: {  	_ =	swait.ge [sflag:s28], $0x800  }
0x76: {  	[sflag:s28] =	ssyncset.done $0x0  }
0x77: {  	[sflag:s28] =	ssyncadd.s32 $0xFFFFF800  }
0x78: {  	_ =	swait.ge [sflag:s29], $0x800  }
0x79: {  	[sflag:s29] =	ssyncset.done $0x0  }
0x7a: {  	[sflag:s29] =	ssyncadd.s32 $0xFFFFF800  }
0x7b: {  	[tilespmem:s25], [sflag:$0x1] =	stream.indirect.gather [hbm4b:s4+s30], $0x80, s2, s30, $0xb8;
	[tilespmem:$0x1A000] =	vst v63  }
0x7c: {  	s11 =	rddreg [dreg:$0x6]  }
0x7d: {  	[tilespmem:s31], [sflag:$0x2] =	stream.indirect.gather [hbm4b:s4+s30], $0x80, s11, s30, $0xb8;
	[tilespmem:$0x1A000] =	vst v63  }
0x7e: {  	_ =	swait.ge [sflag:s28], $0x2800  }
0x7f: {  	[sflag:s28] =	ssyncset.done $0x0  }
0x80: {  	[sflag:s28] =	ssyncadd.s32 $0xFFFFD800  }
0x81: {  	[spmem:s1] =	stream.indirect.scatter.add.f32 [tilespmem:s25], [sflag:$0x4], $0x80, s24, s30, $0xb8;
	[tilespmem:$0x1A000] =	vst v63  }
0x82: {  	_ =	swait.ge [sflag:s0], $0x2800  }
0x83: {  	[sflag:s0] =	ssyncset.done $0x0  }
0x84: {  	s13 =	rddreg [dreg:$0x7];
	[sflag:s0] =	ssyncadd.s32 $0xFFFFD800  }
0x85: {  	[tilespmem:s25], [sflag:$0x1] =	stream.indirect.gather [hbm4b:s4+s30], $0x80, s13, s30, $0xb8;
	[tilespmem:$0x1A000] =	vst v63  }
0x86: {  	_ =	swait.ge [sflag:s29], $0x2800  }
0x87: {  	[sflag:s29] =	ssyncset.done $0x0  }
0x88: {  	s14 =	rddreg [dreg:$0x8];
	[sflag:s29] =	ssyncadd.s32 $0xFFFFD800  }
0x89: {  	[spmem:s1] =	stream.indirect.scatter.add.f32 [tilespmem:s31], [sflag:$0x4], $0x80, s14, s30, $0xb8;
	[tilespmem:$0x1A000] =	vst v63  }
0x8a: {  	_ =	swait.ge [sflag:s0], $0x2800  }
0x8b: {  	[sflag:s0] =	ssyncset.done $0x0  }
0x8c: {  	s15 =	rddreg [dreg:$0x9];
	[sflag:s0] =	ssyncadd.s32 $0xFFFFD800  }
0x8d: {  	[tilespmem:s31], [sflag:$0x2] =	stream.indirect.gather [hbm4b:s4+s30], $0x80, s15, s30, $0xb8;
	[tilespmem:$0x1A000] =	vst v63  }
0x8e: {  	_ =	swait.ge [sflag:s28], $0x2800  }
0x8f: {  	[sflag:s28] =	ssyncset.done $0x0  }
0x90: {  	s26 =	rddreg [dreg:$0xa];
	[sflag:s28] =	ssyncadd.s32 $0xFFFFD800  }
0x91: {  	[spmem:s1] =	stream.indirect.scatter.add.f32 [tilespmem:s25], [sflag:$0x4], $0x80, s26, s30, $0xb8;
	[tilespmem:$0x1A000] =	vst v63  }
0x92: {  	_ =	swait.ge [sflag:s0], $0x2800  }
0x93: {  	[sflag:s0] =	ssyncset.done $0x0  }
0x94: {  	s11 =	rddreg [dreg:$0xb];
	[sflag:s0] =	ssyncadd.s32 $0xFFFFD800  }
0x95: {  	[tilespmem:s25], [sflag:$0x1] =	stream.indirect.gather [hbm4b:s4+s30], $0x80, s11, s30, $0xb8;
	[tilespmem:$0x1A000] =	vst v63  }
0x96: {  	_ =	swait.ge [sflag:s29], $0x2800  }
0x97: {  	[sflag:s29] =	ssyncset.done $0x0  }
0x98: {  	s13 =	rddreg [dreg:$0xc];
	[sflag:s29] =	ssyncadd.s32 $0xFFFFD800  }
0x99: {  	[spmem:s1] =	stream.indirect.scatter.add.f32 [tilespmem:s31], [sflag:$0x4], $0x80, s13, s30, $0xb8;
	[tilespmem:$0x1A000] =	vst v63  }
0x9a: {  	_ =	swait.ge [sflag:s0], $0x2800  }
0x9b: {  	[sflag:s0] =	ssyncset.done $0x0  }
0x9c: {  	s14 =	rddreg [dreg:$0xd];
	[sflag:s0] =	ssyncadd.s32 $0xFFFFD800  }
0x9d: {  	[tilespmem:s31], [sflag:$0x2] =	stream.indirect.gather [hbm4b:s4+s30], $0x80, s14, s30, $0xb8;
	[tilespmem:$0x1A000] =	vst v63  }
0x9e: {  	_ =	swait.ge [sflag:s28], $0x2800  }
0x9f: {  	[sflag:s28] =	ssyncset.done $0x0  }
0xa0: {  	s15 =	rddreg [dreg:$0xe];
	[sflag:s28] =	ssyncadd.s32 $0xFFFFD800  }
0xa1: {  	[spmem:s1] =	stream.indirect.scatter.add.f32 [tilespmem:s25], [sflag:$0x4], $0x80, s15, s30, $0xb8;
	[tilespmem:$0x1A000] =	vst v63  }
0xa2: {  	_ =	swait.ge [sflag:s0], $0x2800  }
0xa3: {  	[sflag:s0] =	ssyncset.done $0x0  }
0xa4: {  	s26 =	rddreg [dreg:$0xf];
	[sflag:s0] =	ssyncadd.s32 $0xFFFFD800  }
0xa5: {  	[tilespmem:s25], [sflag:$0x1] =	stream.indirect.gather [hbm4b:s4+s30], $0x80, s26, s30, $0xb8;
	[tilespmem:$0x1A000] =	vst v63  }
0xa6: {  	_ =	swait.ge [sflag:s29], $0x2800  }
0xa7: {  	[sflag:s29] =	ssyncset.done $0x0  }
0xa8: {  	s11 =	rddreg [dreg:$0x10];
	[sflag:s29] =	ssyncadd.s32 $0xFFFFD800  }
0xa9: {  	[spmem:s1] =	stream.indirect.scatter.add.f32 [tilespmem:s31], [sflag:$0x4], $0x80, s11, s30, $0xb8;
	[tilespmem:$0x1A000] =	vst v63  }
0xaa: {  	_ =	swait.ge [sflag:s0], $0x2800  }
0xab: {  	[sflag:s0] =	ssyncset.done $0x0  }
0xac: {  	s13 =	rddreg [dreg:$0x11];
	[sflag:s0] =	ssyncadd.s32 $0xFFFFD800  }
0xad: {  	[tilespmem:s31], [sflag:$0x2] =	stream.indirect.gather [hbm4b:s4+s30], $0x80, s13, s30, $0xb8;
	[tilespmem:$0x1A000] =	vst v63  }
0xae: {  	_ =	swait.ge [sflag:s28], $0x2800  }
0xaf: {  	[sflag:s28] =	ssyncset.done $0x0  }
0xb0: {  	s14 =	rddreg [dreg:$0x12];
	[sflag:s28] =	ssyncadd.s32 $0xFFFFD800  }
0xb1: {  	[spmem:s1] =	stream.indirect.scatter.add.f32 [tilespmem:s25], [sflag:$0x4], $0x80, s14, s30, $0xb8;
	[tilespmem:$0x1A000] =	vst v63  }
0xb2: {  	_ =	swait.ge [sflag:s0], $0x2800  }
0xb3: {  	[sflag:s0] =	ssyncset.done $0x0  }
0xb4: {  	s15 =	rddreg [dreg:$0x13];
	[sflag:s0] =	ssyncadd.s32 $0xFFFFD800  }
0xb5: {  	[tilespmem:s25], [sflag:$0x1] =	stream.indirect.gather [hbm4b:s4+s30], $0x80, s15, s30, $0xb8;
	[tilespmem:$0x1A000] =	vst v63  }
0xb6: {  	_ =	swait.ge [sflag:s29], $0x2800  }
0xb7: {  	[sflag:s29] =	ssyncset.done $0x0  }
0xb8: {  	s26 =	rddreg [dreg:$0x14];
	[sflag:s29] =	ssyncadd.s32 $0xFFFFD800  }
0xb9: {  	[spmem:s1] =	stream.indirect.scatter.add.f32 [tilespmem:s31], [sflag:$0x4], $0x80, s26, s30, $0xb8;
	[tilespmem:$0x1A000] =	vst v63  }
0xba: {  	_ =	swait.ge [sflag:s0], $0x2800  }
0xbb: {  	[sflag:s0] =	ssyncset.done $0x0  }
0xbc: {  	[sflag:s0] =	ssyncadd.s32 $0xFFFFD800  }
0xbd: {  	[tilespmem:s31], [sflag:$0x2] =	stream.indirect.gather [hbm4b:s4+s30], $0x80, s3, s30, $0xb8;
	[tilespmem:$0x1A000] =	vst v63  }
0xbe: {  	_ =	swait.ge [sflag:s28], $0x2800  }
0xbf: {  	[sflag:s28] =	ssyncset.done $0x0  }
0xc0: {  	[sflag:s28] =	ssyncadd.s32 $0xFFFFD800  }
0xc1: {  	[spmem:s1] =	stream.indirect.scatter.add.f32 [tilespmem:s25], [sflag:$0x4], $0x80, s5, s30, $0xb8;
	[tilespmem:$0x1A000] =	vst v63  }
0xc2: {  	_ =	swait.ge [sflag:s0], $0x2800  }
0xc3: {  	[sflag:s0] =	ssyncset.done $0x0  }
0xc4: {  	[sflag:s0] =	ssyncadd.s32 $0xFFFFD800  }
0xc5: {  	[tilespmem:s25], [sflag:$0x1] =	stream.indirect.gather [hbm4b:s4+s30], $0x80, s6, s30, $0xb8;
	[tilespmem:$0x1A000] =	vst v63  }
0xc6: {  	_ =	swait.ge [sflag:s29], $0x2800  }
0xc7: {  	[sflag:s29] =	ssyncset.done $0x0  }
0xc8: {  	[sflag:s29] =	ssyncadd.s32 $0xFFFFD800  }
0xc9: {  	[spmem:s1] =	stream.indirect.scatter.add.f32 [tilespmem:s31], [sflag:$0x4], $0x80, s7, s30, $0xb8;
	[tilespmem:$0x1A000] =	vst v63  }
0xca: {  	_ =	swait.ge [sflag:s0], $0x2800  }
0xcb: {  	[sflag:s0] =	ssyncset.done $0x0  }
0xcc: {  	[sflag:s0] =	ssyncadd.s32 $0xFFFFD800  }
0xcd: {  	[tilespmem:s31], [sflag:$0x2] =	stream.indirect.gather [hbm4b:s4+s30], $0x80, s16, s30, $0xb8;
	[tilespmem:$0x1A000] =	vst v63  }
0xce: {  	_ =	swait.ge [sflag:s28], $0x2800  }
0xcf: {  	[sflag:s28] =	ssyncset.done $0x0  }
0xd0: {  	[sflag:s28] =	ssyncadd.s32 $0xFFFFD800  }
0xd1: {  	[spmem:s1] =	stream.indirect.scatter.add.f32 [tilespmem:s25], [sflag:$0x4], $0x80, s17, s30, $0xb8;
	[tilespmem:$0x1A000] =	vst v63  }
0xd2: {  	_ =	swait.ge [sflag:s0], $0x2800  }
0xd3: {  	[sflag:s0] =	ssyncset.done $0x0  }
0xd4: {  	[sflag:s0] =	ssyncadd.s32 $0xFFFFD800  }
0xd5: {  	[tilespmem:s25], [sflag:$0x1] =	stream.indirect.gather [hbm4b:s4+s30], $0x80, s18, s30, $0xb8;
	[tilespmem:$0x1A000] =	vst v63  }
0xd6: {  	_ =	swait.ge [sflag:s29], $0x2800  }
0xd7: {  	[sflag:s29] =	ssyncset.done $0x0  }
0xd8: {  	[sflag:s29] =	ssyncadd.s32 $0xFFFFD800  }
0xd9: {  	[spmem:s1] =	stream.indirect.scatter.add.f32 [tilespmem:s31], [sflag:$0x4], $0x80, s19, s30, $0xb8;
	[tilespmem:$0x1A000] =	vst v63  }
0xda: {  	_ =	swait.ge [sflag:s0], $0x2800  }
0xdb: {  	[sflag:s0] =	ssyncset.done $0x0  }
0xdc: {  	[sflag:s0] =	ssyncadd.s32 $0xFFFFD800  }
0xdd: {  	[tilespmem:s31], [sflag:$0x2] =	stream.indirect.gather [hbm4b:s4+s30], $0x80, s20, s30, $0xb8;
	[tilespmem:$0x1A000] =	vst v63  }
0xde: {  	_ =	swait.ge [sflag:s28], $0x2800  }
0xdf: {  	[sflag:s28] =	ssyncset.done $0x0  }
0xe0: {  	[sflag:s28] =	ssyncadd.s32 $0xFFFFD800  }
0xe1: {  	[spmem:s1] =	stream.indirect.scatter.add.f32 [tilespmem:s25], [sflag:$0x4], $0x80, s21, s30, $0xb8;
	[tilespmem:$0x1A000] =	vst v63  }
0xe2: {  	_ =	swait.ge [sflag:s0], $0x2800  }
0xe3: {  	[sflag:s0] =	ssyncset.done $0x0  }
0xe4: {  	[sflag:s0] =	ssyncadd.s32 $0xFFFFD800  }
0xe5: {  	[tilespmem:s25], [sflag:$0x1] =	stream.indirect.gather [hbm4b:s4+s30], $0x80, s22, s30, $0xb8;
	[tilespmem:$0x1A000] =	vst v63  }
0xe6: {  	_ =	swait.ge [sflag:s29], $0x2800  }
0xe7: {  	[sflag:s29] =	ssyncset.done $0x0  }
0xe8: {  	[sflag:s29] =	ssyncadd.s32 $0xFFFFD800  }
0xe9: {  	[spmem:s1] =	stream.indirect.scatter.add.f32 [tilespmem:s31], [sflag:$0x4], $0x80, s23, s30, $0xb8;
	[tilespmem:$0x1A000] =	vst v63  }
0xea: {  	_ =	swait.ge [sflag:s0], $0x2800  }
0xeb: {  	[sflag:s0] =	ssyncset.done $0x0  }
0xec: {  	[sflag:s0] =	ssyncadd.s32 $0xFFFFD800  }
0xed: {  	[tilespmem:s31], [sflag:$0x2] =	stream.indirect.gather [hbm4b:s4+s30], $0x80, s8, s30, $0xb8;
	[tilespmem:$0x1A000] =	vst v63  }
0xee: {  	_ =	swait.ge [sflag:s28], $0x2800  }
0xef: {  	[sflag:s28] =	ssyncset.done $0x0  }
0xf0: {  	[sflag:s28] =	ssyncadd.s32 $0xFFFFD800  }
0xf1: {  	[spmem:s1] =	stream.indirect.scatter.add.f32 [tilespmem:s25], [sflag:$0x4], $0x80, s9, s30, $0xb8;
	[tilespmem:$0x1A000] =	vst v63  }
0xf2: {  	_ =	swait.ge [sflag:s0], $0x2800  }
0xf3: {  	[sflag:s0] =	ssyncset.done $0x0  }
0xf4: {  	[sflag:s0] =	ssyncadd.s32 $0xFFFFD800  }
0xf5: {  	_ =	swait.ge [sflag:s29], $0x2800  }
0xf6: {  	[sflag:s29] =	ssyncset.done $0x0  }
0xf7: {  	[sflag:s29] =	ssyncadd.s32 $0xFFFFD800  }
0xf8: {  	[spmem:s1] =	stream.indirect.scatter.add.f32 [tilespmem:s31], [sflag:$0x4], $0x80, s10, s30, $0xb8;
	[tilespmem:$0x1A000] =	vst v63  }
0xf9: {  	s12 =	simm.s32 $0x100;
	_ =	swait.ge [sflag:s0], $0x2800  }
0xfa: {  	s13 =	simm.s32 $0x200;
	s14 =	rddreg [dreg:$0x5];
	[sflag:s0] =	ssyncset.done $0x0  }
.LBB2_4:
0xfb: {  	[sflag:s0] =	ssyncadd.s32 $0xFFFFD800;
	p1 =	seq.s32 s12, $0x0  }
0xfc: {  	s11 =	rddreg [dreg:$0x4];
	s14 =	sadd.s32 @!p1 s12, s14;
	s26 =	simm.s32 @!p1 $0x0  }
0xfd: {  	[tilespmem:s26], [sflag:$0x1] =	stream.linear.gather @!p1 [hbm4b:s14+s26], $0x800, $0x38;
	[tilespmem:$0x1A000] =	vst v63  }
0xfe: {  	s11 =	sadd.s32 @!p1 s12, s11;
	s14 =	simm.s32 @!p1 $0x800  }
0xff: {  	[tilespmem:s14], [sflag:$0x2] =	stream.linear.gather @!p1 [hbm4b:s11+s26], $0x800, $0x38;
	[tilespmem:$0x1A000] =	vst v63  }
0x100: {  	_ =	swait.ge [sflag:s28], $0x800  }
0x101: {  	[sflag:s28] =	ssyncset.done $0x0  }
0x102: {  	[sflag:s28] =	ssyncadd.s32 $0xFFFFF800  }
0x103: {  	_ =	swait.ge [sflag:s29], $0x800  }
0x104: {  	[sflag:s29] =	ssyncset.done $0x0  }
0x105: {  	[sflag:s29] =	ssyncadd.s32 $0xFFFFF800  }
0x106: {  	[tilespmem:s25], [sflag:$0x1] =	stream.indirect.gather [hbm4b:s4+s30], $0x80, s2, s30, $0xb8;
	[tilespmem:$0x1A000] =	vst v63  }
0x107: {  	s14 =	rddreg [dreg:$0x6]  }
0x108: {  	[tilespmem:s31], [sflag:$0x2] =	stream.indirect.gather [hbm4b:s4+s30], $0x80, s14, s30, $0xb8;
	[tilespmem:$0x1A000] =	vst v63  }
0x109: {  	_ =	swait.ge [sflag:s28], $0x2800  }
0x10a: {  	[sflag:s28] =	ssyncset.done $0x0  }
0x10b: {  	[sflag:s28] =	ssyncadd.s32 $0xFFFFD800  }
0x10c: {  	[spmem:s1] =	stream.indirect.scatter.add.f32 [tilespmem:s25], [sflag:$0x4], $0x80, s24, s30, $0xb8;
	[tilespmem:$0x1A000] =	vst v63  }
0x10d: {  	_ =	swait.ge [sflag:s0], $0x2800  }
0x10e: {  	s15 =	smov.u32 s13;
	[sflag:s0] =	ssyncset.done $0x0  }
0x10f: {  	s12 =	smov.u32 s15;
	s15 =	rddreg [dreg:$0x7];
	[sflag:s0] =	ssyncadd.s32 $0xFFFFD800  }
0x110: {  	[tilespmem:s25], [sflag:$0x1] =	stream.indirect.gather [hbm4b:s4+s30], $0x80, s15, s30, $0xb8;
	[tilespmem:$0x1A000] =	vst v63  }
0x111: {  	_ =	swait.ge [sflag:s29], $0x2800  }
0x112: {  	[sflag:s29] =	ssyncset.done $0x0  }
0x113: {  	s26 =	rddreg [dreg:$0x8];
	[sflag:s29] =	ssyncadd.s32 $0xFFFFD800  }
0x114: {  	[spmem:s1] =	stream.indirect.scatter.add.f32 [tilespmem:s31], [sflag:$0x4], $0x80, s26, s30, $0xb8;
	[tilespmem:$0x1A000] =	vst v63  }
0x115: {  	_ =	swait.ge [sflag:s0], $0x2800  }
0x116: {  	[sflag:s0] =	ssyncset.done $0x0  }
0x117: {  	s14 =	rddreg [dreg:$0x9];
	[sflag:s0] =	ssyncadd.s32 $0xFFFFD800  }
0x118: {  	[tilespmem:s31], [sflag:$0x2] =	stream.indirect.gather [hbm4b:s4+s30], $0x80, s14, s30, $0xb8;
	[tilespmem:$0x1A000] =	vst v63  }
0x119: {  	_ =	swait.ge [sflag:s28], $0x2800  }
0x11a: {  	[sflag:s28] =	ssyncset.done $0x0  }
0x11b: {  	s15 =	rddreg [dreg:$0xa];
	[sflag:s28] =	ssyncadd.s32 $0xFFFFD800  }
0x11c: {  	[spmem:s1] =	stream.indirect.scatter.add.f32 [tilespmem:s25], [sflag:$0x4], $0x80, s15, s30, $0xb8;
	[tilespmem:$0x1A000] =	vst v63  }
0x11d: {  	_ =	swait.ge [sflag:s0], $0x2800  }
0x11e: {  	[sflag:s0] =	ssyncset.done $0x0  }
0x11f: {  	s26 =	rddreg [dreg:$0xb];
	[sflag:s0] =	ssyncadd.s32 $0xFFFFD800  }
0x120: {  	[tilespmem:s25], [sflag:$0x1] =	stream.indirect.gather [hbm4b:s4+s30], $0x80, s26, s30, $0xb8;
	[tilespmem:$0x1A000] =	vst v63  }
0x121: {  	_ =	swait.ge [sflag:s29], $0x2800  }
0x122: {  	[sflag:s29] =	ssyncset.done $0x0  }
0x123: {  	s14 =	rddreg [dreg:$0xc];
	[sflag:s29] =	ssyncadd.s32 $0xFFFFD800  }
0x124: {  	[spmem:s1] =	stream.indirect.scatter.add.f32 [tilespmem:s31], [sflag:$0x4], $0x80, s14, s30, $0xb8;
	[tilespmem:$0x1A000] =	vst v63  }
0x125: {  	_ =	swait.ge [sflag:s0], $0x2800  }
0x126: {  	[sflag:s0] =	ssyncset.done $0x0  }
0x127: {  	s15 =	rddreg [dreg:$0xd];
	[sflag:s0] =	ssyncadd.s32 $0xFFFFD800  }
0x128: {  	[tilespmem:s31], [sflag:$0x2] =	stream.indirect.gather [hbm4b:s4+s30], $0x80, s15, s30, $0xb8;
	[tilespmem:$0x1A000] =	vst v63  }
0x129: {  	_ =	swait.ge [sflag:s28], $0x2800  }
0x12a: {  	[sflag:s28] =	ssyncset.done $0x0  }
0x12b: {  	s26 =	rddreg [dreg:$0xe];
	[sflag:s28] =	ssyncadd.s32 $0xFFFFD800  }
0x12c: {  	[spmem:s1] =	stream.indirect.scatter.add.f32 [tilespmem:s25], [sflag:$0x4], $0x80, s26, s30, $0xb8;
	[tilespmem:$0x1A000] =	vst v63  }
0x12d: {  	_ =	swait.ge [sflag:s0], $0x2800  }
0x12e: {  	[sflag:s0] =	ssyncset.done $0x0  }
0x12f: {  	s14 =	rddreg [dreg:$0xf];
	[sflag:s0] =	ssyncadd.s32 $0xFFFFD800  }
0x130: {  	[tilespmem:s25], [sflag:$0x1] =	stream.indirect.gather [hbm4b:s4+s30], $0x80, s14, s30, $0xb8;
	[tilespmem:$0x1A000] =	vst v63  }
0x131: {  	_ =	swait.ge [sflag:s29], $0x2800  }
0x132: {  	[sflag:s29] =	ssyncset.done $0x0  }
0x133: {  	s15 =	rddreg [dreg:$0x10];
	[sflag:s29] =	ssyncadd.s32 $0xFFFFD800  }
0x134: {  	[spmem:s1] =	stream.indirect.scatter.add.f32 [tilespmem:s31], [sflag:$0x4], $0x80, s15, s30, $0xb8;
	[tilespmem:$0x1A000] =	vst v63  }
0x135: {  	_ =	swait.ge [sflag:s0], $0x2800  }
0x136: {  	[sflag:s0] =	ssyncset.done $0x0  }
0x137: {  	s26 =	rddreg [dreg:$0x11];
	[sflag:s0] =	ssyncadd.s32 $0xFFFFD800  }
0x138: {  	[tilespmem:s31], [sflag:$0x2] =	stream.indirect.gather [hbm4b:s4+s30], $0x80, s26, s30, $0xb8;
	[tilespmem:$0x1A000] =	vst v63  }
0x139: {  	_ =	swait.ge [sflag:s28], $0x2800  }
0x13a: {  	[sflag:s28] =	ssyncset.done $0x0  }
0x13b: {  	s14 =	rddreg [dreg:$0x12];
	[sflag:s28] =	ssyncadd.s32 $0xFFFFD800  }
0x13c: {  	[spmem:s1] =	stream.indirect.scatter.add.f32 [tilespmem:s25], [sflag:$0x4], $0x80, s14, s30, $0xb8;
	[tilespmem:$0x1A000] =	vst v63  }
0x13d: {  	_ =	swait.ge [sflag:s0], $0x2800  }
0x13e: {  	[sflag:s0] =	ssyncset.done $0x0  }
0x13f: {  	s15 =	rddreg [dreg:$0x13];
	[sflag:s0] =	ssyncadd.s32 $0xFFFFD800  }
0x140: {  	[tilespmem:s25], [sflag:$0x1] =	stream.indirect.gather [hbm4b:s4+s30], $0x80, s15, s30, $0xb8;
	[tilespmem:$0x1A000] =	vst v63  }
0x141: {  	_ =	swait.ge [sflag:s29], $0x2800  }
0x142: {  	[sflag:s29] =	ssyncset.done $0x0  }
0x143: {  	s26 =	rddreg [dreg:$0x14];
	[sflag:s29] =	ssyncadd.s32 $0xFFFFD800  }
0x144: {  	[spmem:s1] =	stream.indirect.scatter.add.f32 [tilespmem:s31], [sflag:$0x4], $0x80, s26, s30, $0xb8;
	[tilespmem:$0x1A000] =	vst v63  }
0x145: {  	_ =	swait.ge [sflag:s0], $0x2800  }
0x146: {  	[sflag:s0] =	ssyncset.done $0x0  }
0x147: {  	[sflag:s0] =	ssyncadd.s32 $0xFFFFD800  }
0x148: {  	[tilespmem:s31], [sflag:$0x2] =	stream.indirect.gather [hbm4b:s4+s30], $0x80, s3, s30, $0xb8;
	[tilespmem:$0x1A000] =	vst v63  }
0x149: {  	_ =	swait.ge [sflag:s28], $0x2800  }
0x14a: {  	[sflag:s28] =	ssyncset.done $0x0  }
0x14b: {  	[sflag:s28] =	ssyncadd.s32 $0xFFFFD800  }
0x14c: {  	[spmem:s1] =	stream.indirect.scatter.add.f32 [tilespmem:s25], [sflag:$0x4], $0x80, s5, s30, $0xb8;
	[tilespmem:$0x1A000] =	vst v63  }
0x14d: {  	_ =	swait.ge [sflag:s0], $0x2800  }
0x14e: {  	[sflag:s0] =	ssyncset.done $0x0  }
0x14f: {  	[sflag:s0] =	ssyncadd.s32 $0xFFFFD800  }
0x150: {  	[tilespmem:s25], [sflag:$0x1] =	stream.indirect.gather [hbm4b:s4+s30], $0x80, s6, s30, $0xb8;
	[tilespmem:$0x1A000] =	vst v63  }
0x151: {  	_ =	swait.ge [sflag:s29], $0x2800  }
0x152: {  	[sflag:s29] =	ssyncset.done $0x0  }
0x153: {  	[sflag:s29] =	ssyncadd.s32 $0xFFFFD800  }
0x154: {  	[spmem:s1] =	stream.indirect.scatter.add.f32 [tilespmem:s31], [sflag:$0x4], $0x80, s7, s30, $0xb8;
	[tilespmem:$0x1A000] =	vst v63  }
0x155: {  	_ =	swait.ge [sflag:s0], $0x2800  }
0x156: {  	[sflag:s0] =	ssyncset.done $0x0  }
0x157: {  	[sflag:s0] =	ssyncadd.s32 $0xFFFFD800  }
0x158: {  	[tilespmem:s31], [sflag:$0x2] =	stream.indirect.gather [hbm4b:s4+s30], $0x80, s16, s30, $0xb8;
	[tilespmem:$0x1A000] =	vst v63  }
0x159: {  	_ =	swait.ge [sflag:s28], $0x2800  }
0x15a: {  	[sflag:s28] =	ssyncset.done $0x0  }
0x15b: {  	[sflag:s28] =	ssyncadd.s32 $0xFFFFD800  }
0x15c: {  	[spmem:s1] =	stream.indirect.scatter.add.f32 [tilespmem:s25], [sflag:$0x4], $0x80, s17, s30, $0xb8;
	[tilespmem:$0x1A000] =	vst v63  }
0x15d: {  	_ =	swait.ge [sflag:s0], $0x2800  }
0x15e: {  	[sflag:s0] =	ssyncset.done $0x0  }
0x15f: {  	[sflag:s0] =	ssyncadd.s32 $0xFFFFD800  }
0x160: {  	[tilespmem:s25], [sflag:$0x1] =	stream.indirect.gather [hbm4b:s4+s30], $0x80, s18, s30, $0xb8;
	[tilespmem:$0x1A000] =	vst v63  }
0x161: {  	_ =	swait.ge [sflag:s29], $0x2800  }
0x162: {  	[sflag:s29] =	ssyncset.done $0x0  }
0x163: {  	[sflag:s29] =	ssyncadd.s32 $0xFFFFD800  }
0x164: {  	[spmem:s1] =	stream.indirect.scatter.add.f32 [tilespmem:s31], [sflag:$0x4], $0x80, s19, s30, $0xb8;
	[tilespmem:$0x1A000] =	vst v63  }
0x165: {  	_ =	swait.ge [sflag:s0], $0x2800  }
0x166: {  	[sflag:s0] =	ssyncset.done $0x0  }
0x167: {  	[sflag:s0] =	ssyncadd.s32 $0xFFFFD800  }
0x168: {  	[tilespmem:s31], [sflag:$0x2] =	stream.indirect.gather [hbm4b:s4+s30], $0x80, s20, s30, $0xb8;
	[tilespmem:$0x1A000] =	vst v63  }
0x169: {  	_ =	swait.ge [sflag:s28], $0x2800  }
0x16a: {  	[sflag:s28] =	ssyncset.done $0x0  }
0x16b: {  	[sflag:s28] =	ssyncadd.s32 $0xFFFFD800  }
0x16c: {  	[spmem:s1] =	stream.indirect.scatter.add.f32 [tilespmem:s25], [sflag:$0x4], $0x80, s21, s30, $0xb8;
	[tilespmem:$0x1A000] =	vst v63  }
0x16d: {  	_ =	swait.ge [sflag:s0], $0x2800  }
0x16e: {  	[sflag:s0] =	ssyncset.done $0x0  }
0x16f: {  	[sflag:s0] =	ssyncadd.s32 $0xFFFFD800  }
0x170: {  	[tilespmem:s25], [sflag:$0x1] =	stream.indirect.gather [hbm4b:s4+s30], $0x80, s22, s30, $0xb8;
	[tilespmem:$0x1A000] =	vst v63  }
0x171: {  	_ =	swait.ge [sflag:s29], $0x2800  }
0x172: {  	[sflag:s29] =	ssyncset.done $0x0  }
0x173: {  	[sflag:s29] =	ssyncadd.s32 $0xFFFFD800  }
0x174: {  	[spmem:s1] =	stream.indirect.scatter.add.f32 [tilespmem:s31], [sflag:$0x4], $0x80, s23, s30, $0xb8;
	[tilespmem:$0x1A000] =	vst v63  }
0x175: {  	_ =	swait.ge [sflag:s0], $0x2800  }
0x176: {  	[sflag:s0] =	ssyncset.done $0x0  }
0x177: {  	[sflag:s0] =	ssyncadd.s32 $0xFFFFD800  }
0x178: {  	[tilespmem:s31], [sflag:$0x2] =	stream.indirect.gather [hbm4b:s4+s30], $0x80, s8, s30, $0xb8;
	[tilespmem:$0x1A000] =	vst v63  }
0x179: {  	_ =	swait.ge [sflag:s28], $0x2800  }
0x17a: {  	[sflag:s28] =	ssyncset.done $0x0  }
0x17b: {  	[sflag:s28] =	ssyncadd.s32 $0xFFFFD800  }
0x17c: {  	[spmem:s1] =	stream.indirect.scatter.add.f32 [tilespmem:s25], [sflag:$0x4], $0x80, s9, s30, $0xb8;
	[tilespmem:$0x1A000] =	vst v63  }
0x17d: {  	_ =	swait.ge [sflag:s0], $0x2800  }
0x17e: {  	[sflag:s0] =	ssyncset.done $0x0  }
0x17f: {  	s13 =	sadd.s32 $0x100, s13;
	[sflag:s0] =	ssyncadd.s32 $0xFFFFD800  }
0x180: {  	p0 =	sne.s32 s13, $0x800;
	_ =	swait.ge [sflag:s29], $0x2800  }
.Ltmp1:
0x181: {  	[sflag:s29] =	ssyncset.done $0x0;
	(pc) =	sbr.rel @p0 .LBB2_4-.Ltmp1, $4  }
0x182: {  	[sflag:s29] =	ssyncadd.s32 $0xFFFFD800  }
0x183: {  	[spmem:s1] =	stream.indirect.scatter.add.f32 [tilespmem:s31], [sflag:$0x4], $0x80, s10, s30, $0xb8;
	[tilespmem:$0x1A000] =	vst v63  }
0x184: {  	_ =	swait.ge [sflag:s0], $0x2800  }
0x185: {  	s14 =	rddreg [dreg:$0x5];
	[sflag:s0] =	ssyncset.done $0x0  }
0x186: {  	p0 =	seq.s32 s12, $0x0;
	s11 =	rddreg [dreg:$0x4]  }
0x187: {  	[sflag:s0] =	ssyncadd.s32 $0xFFFFD800;
	s13 =	sadd.s32 @!p0 s12, s14;
	s14 =	simm.s32 @!p0 $0x0  }
0x188: {  	[tilespmem:s14], [sflag:$0x1] =	stream.linear.gather @!p0 [hbm4b:s13+s14], $0x800, $0x38;
	[tilespmem:$0x1A000] =	vst v63  }
0x189: {  	s11 =	sadd.s32 @!p0 s12, s11;
	s12 =	simm.s32 @!p0 $0x800  }
0x18a: {  	[tilespmem:s12], [sflag:$0x2] =	stream.linear.gather @!p0 [hbm4b:s11+s14], $0x800, $0x38;
	[tilespmem:$0x1A000] =	vst v63  }
0x18b: {  	_ =	swait.ge [sflag:s28], $0x800  }
0x18c: {  	[sflag:s28] =	ssyncset.done $0x0  }
0x18d: {  	[sflag:s28] =	ssyncadd.s32 $0xFFFFF800  }
0x18e: {  	_ =	swait.ge [sflag:s29], $0x800  }
0x18f: {  	[sflag:s29] =	ssyncset.done $0x0  }
0x190: {  	[sflag:s29] =	ssyncadd.s32 $0xFFFFF800  }
0x191: {  	[tilespmem:s25], [sflag:$0x1] =	stream.indirect.gather [hbm4b:s4+s30], $0x80, s2, s30, $0xb8;
	[tilespmem:$0x1A000] =	vst v63  }
0x192: {  	s13 =	rddreg [dreg:$0x6]  }
0x193: {  	[tilespmem:s31], [sflag:$0x2] =	stream.indirect.gather [hbm4b:s4+s30], $0x80, s13, s30, $0xb8;
	[tilespmem:$0x1A000] =	vst v63  }
0x194: {  	_ =	swait.ge [sflag:s28], $0x2800  }
0x195: {  	[sflag:s28] =	ssyncset.done $0x0  }
0x196: {  	[sflag:s28] =	ssyncadd.s32 $0xFFFFD800  }
0x197: {  	[spmem:s1] =	stream.indirect.scatter.add.f32 [tilespmem:s25], [sflag:$0x4], $0x80, s24, s30, $0xb8;
	[tilespmem:$0x1A000] =	vst v63  }
0x198: {  	_ =	swait.ge [sflag:s0], $0x2800  }
0x199: {  	[sflag:s0] =	ssyncset.done $0x0  }
0x19a: {  	s14 =	rddreg [dreg:$0x7];
	[sflag:s0] =	ssyncadd.s32 $0xFFFFD800  }
0x19b: {  	[tilespmem:s25], [sflag:$0x1] =	stream.indirect.gather [hbm4b:s4+s30], $0x80, s14, s30, $0xb8;
	[tilespmem:$0x1A000] =	vst v63  }
0x19c: {  	_ =	swait.ge [sflag:s29], $0x2800  }
0x19d: {  	[sflag:s29] =	ssyncset.done $0x0  }
0x19e: {  	s15 =	rddreg [dreg:$0x8];
	[sflag:s29] =	ssyncadd.s32 $0xFFFFD800  }
0x19f: {  	[spmem:s1] =	stream.indirect.scatter.add.f32 [tilespmem:s31], [sflag:$0x4], $0x80, s15, s30, $0xb8;
	[tilespmem:$0x1A000] =	vst v63  }
0x1a0: {  	_ =	swait.ge [sflag:s0], $0x2800  }
0x1a1: {  	[sflag:s0] =	ssyncset.done $0x0  }
0x1a2: {  	s26 =	rddreg [dreg:$0x9];
	[sflag:s0] =	ssyncadd.s32 $0xFFFFD800  }
0x1a3: {  	[tilespmem:s31], [sflag:$0x2] =	stream.indirect.gather [hbm4b:s4+s30], $0x80, s26, s30, $0xb8;
	[tilespmem:$0x1A000] =	vst v63  }
0x1a4: {  	_ =	swait.ge [sflag:s28], $0x2800  }
0x1a5: {  	[sflag:s28] =	ssyncset.done $0x0  }
0x1a6: {  	s12 =	rddreg [dreg:$0xa];
	[sflag:s28] =	ssyncadd.s32 $0xFFFFD800  }
0x1a7: {  	[spmem:s1] =	stream.indirect.scatter.add.f32 [tilespmem:s25], [sflag:$0x4], $0x80, s12, s30, $0xb8;
	[tilespmem:$0x1A000] =	vst v63  }
0x1a8: {  	_ =	swait.ge [sflag:s0], $0x2800  }
0x1a9: {  	[sflag:s0] =	ssyncset.done $0x0  }
0x1aa: {  	s13 =	rddreg [dreg:$0xb];
	[sflag:s0] =	ssyncadd.s32 $0xFFFFD800  }
0x1ab: {  	[tilespmem:s25], [sflag:$0x1] =	stream.indirect.gather [hbm4b:s4+s30], $0x80, s13, s30, $0xb8;
	[tilespmem:$0x1A000] =	vst v63  }
0x1ac: {  	_ =	swait.ge [sflag:s29], $0x2800  }
0x1ad: {  	[sflag:s29] =	ssyncset.done $0x0  }
0x1ae: {  	s14 =	rddreg [dreg:$0xc];
	[sflag:s29] =	ssyncadd.s32 $0xFFFFD800  }
0x1af: {  	[spmem:s1] =	stream.indirect.scatter.add.f32 [tilespmem:s31], [sflag:$0x4], $0x80, s14, s30, $0xb8;
	[tilespmem:$0x1A000] =	vst v63  }
0x1b0: {  	_ =	swait.ge [sflag:s0], $0x2800  }
0x1b1: {  	[sflag:s0] =	ssyncset.done $0x0  }
0x1b2: {  	s15 =	rddreg [dreg:$0xd];
	[sflag:s0] =	ssyncadd.s32 $0xFFFFD800  }
0x1b3: {  	[tilespmem:s31], [sflag:$0x2] =	stream.indirect.gather [hbm4b:s4+s30], $0x80, s15, s30, $0xb8;
	[tilespmem:$0x1A000] =	vst v63  }
0x1b4: {  	_ =	swait.ge [sflag:s28], $0x2800  }
0x1b5: {  	[sflag:s28] =	ssyncset.done $0x0  }
0x1b6: {  	s26 =	rddreg [dreg:$0xe];
	[sflag:s28] =	ssyncadd.s32 $0xFFFFD800  }
0x1b7: {  	[spmem:s1] =	stream.indirect.scatter.add.f32 [tilespmem:s25], [sflag:$0x4], $0x80, s26, s30, $0xb8;
	[tilespmem:$0x1A000] =	vst v63  }
0x1b8: {  	_ =	swait.ge [sflag:s0], $0x2800  }
0x1b9: {  	[sflag:s0] =	ssyncset.done $0x0  }
0x1ba: {  	s12 =	rddreg [dreg:$0xf];
	[sflag:s0] =	ssyncadd.s32 $0xFFFFD800  }
0x1bb: {  	[tilespmem:s25], [sflag:$0x1] =	stream.indirect.gather [hbm4b:s4+s30], $0x80, s12, s30, $0xb8;
	[tilespmem:$0x1A000] =	vst v63  }
0x1bc: {  	_ =	swait.ge [sflag:s29], $0x2800  }
0x1bd: {  	[sflag:s29] =	ssyncset.done $0x0  }
0x1be: {  	s13 =	rddreg [dreg:$0x10];
	[sflag:s29] =	ssyncadd.s32 $0xFFFFD800  }
0x1bf: {  	[spmem:s1] =	stream.indirect.scatter.add.f32 [tilespmem:s31], [sflag:$0x4], $0x80, s13, s30, $0xb8;
	[tilespmem:$0x1A000] =	vst v63  }
0x1c0: {  	_ =	swait.ge [sflag:s0], $0x2800  }
0x1c1: {  	[sflag:s0] =	ssyncset.done $0x0  }
0x1c2: {  	s14 =	rddreg [dreg:$0x11];
	[sflag:s0] =	ssyncadd.s32 $0xFFFFD800  }
0x1c3: {  	[tilespmem:s31], [sflag:$0x2] =	stream.indirect.gather [hbm4b:s4+s30], $0x80, s14, s30, $0xb8;
	[tilespmem:$0x1A000] =	vst v63  }
0x1c4: {  	_ =	swait.ge [sflag:s28], $0x2800  }
0x1c5: {  	[sflag:s28] =	ssyncset.done $0x0  }
0x1c6: {  	s15 =	rddreg [dreg:$0x12];
	[sflag:s28] =	ssyncadd.s32 $0xFFFFD800  }
0x1c7: {  	[spmem:s1] =	stream.indirect.scatter.add.f32 [tilespmem:s25], [sflag:$0x4], $0x80, s15, s30, $0xb8;
	[tilespmem:$0x1A000] =	vst v63  }
0x1c8: {  	_ =	swait.ge [sflag:s0], $0x2800  }
0x1c9: {  	[sflag:s0] =	ssyncset.done $0x0  }
0x1ca: {  	s26 =	rddreg [dreg:$0x13];
	[sflag:s0] =	ssyncadd.s32 $0xFFFFD800  }
0x1cb: {  	[tilespmem:s25], [sflag:$0x1] =	stream.indirect.gather [hbm4b:s4+s30], $0x80, s26, s30, $0xb8;
	[tilespmem:$0x1A000] =	vst v63  }
0x1cc: {  	_ =	swait.ge [sflag:s29], $0x2800  }
0x1cd: {  	[sflag:s29] =	ssyncset.done $0x0  }
0x1ce: {  	s12 =	rddreg [dreg:$0x14];
	[sflag:s29] =	ssyncadd.s32 $0xFFFFD800  }
0x1cf: {  	[spmem:s1] =	stream.indirect.scatter.add.f32 [tilespmem:s31], [sflag:$0x4], $0x80, s12, s30, $0xb8;
	[tilespmem:$0x1A000] =	vst v63  }
0x1d0: {  	_ =	swait.ge [sflag:s0], $0x2800  }
0x1d1: {  	[sflag:s0] =	ssyncset.done $0x0  }
0x1d2: {  	[sflag:s0] =	ssyncadd.s32 $0xFFFFD800  }
0x1d3: {  	[tilespmem:s31], [sflag:$0x2] =	stream.indirect.gather [hbm4b:s4+s30], $0x80, s3, s30, $0xb8;
	[tilespmem:$0x1A000] =	vst v63  }
0x1d4: {  	_ =	swait.ge [sflag:s28], $0x2800  }
0x1d5: {  	[sflag:s28] =	ssyncset.done $0x0  }
0x1d6: {  	[sflag:s28] =	ssyncadd.s32 $0xFFFFD800  }
0x1d7: {  	[spmem:s1] =	stream.indirect.scatter.add.f32 [tilespmem:s25], [sflag:$0x4], $0x80, s5, s30, $0xb8;
	[tilespmem:$0x1A000] =	vst v63  }
0x1d8: {  	_ =	swait.ge [sflag:s0], $0x2800  }
0x1d9: {  	[sflag:s0] =	ssyncset.done $0x0  }
0x1da: {  	[sflag:s0] =	ssyncadd.s32 $0xFFFFD800  }
0x1db: {  	[tilespmem:s25], [sflag:$0x1] =	stream.indirect.gather [hbm4b:s4+s30], $0x80, s6, s30, $0xb8;
	[tilespmem:$0x1A000] =	vst v63  }
0x1dc: {  	_ =	swait.ge [sflag:s29], $0x2800  }
0x1dd: {  	[sflag:s29] =	ssyncset.done $0x0  }
0x1de: {  	[sflag:s29] =	ssyncadd.s32 $0xFFFFD800  }
0x1df: {  	[spmem:s1] =	stream.indirect.scatter.add.f32 [tilespmem:s31], [sflag:$0x4], $0x80, s7, s30, $0xb8;
	[tilespmem:$0x1A000] =	vst v63  }
0x1e0: {  	_ =	swait.ge [sflag:s0], $0x2800  }
0x1e1: {  	[sflag:s0] =	ssyncset.done $0x0  }
0x1e2: {  	[sflag:s0] =	ssyncadd.s32 $0xFFFFD800  }
0x1e3: {  	[tilespmem:s31], [sflag:$0x2] =	stream.indirect.gather [hbm4b:s4+s30], $0x80, s16, s30, $0xb8;
	[tilespmem:$0x1A000] =	vst v63  }
0x1e4: {  	_ =	swait.ge [sflag:s28], $0x2800  }
0x1e5: {  	[sflag:s28] =	ssyncset.done $0x0  }
0x1e6: {  	[sflag:s28] =	ssyncadd.s32 $0xFFFFD800  }
0x1e7: {  	[spmem:s1] =	stream.indirect.scatter.add.f32 [tilespmem:s25], [sflag:$0x4], $0x80, s17, s30, $0xb8;
	[tilespmem:$0x1A000] =	vst v63  }
0x1e8: {  	_ =	swait.ge [sflag:s0], $0x2800  }
0x1e9: {  	[sflag:s0] =	ssyncset.done $0x0  }
0x1ea: {  	[sflag:s0] =	ssyncadd.s32 $0xFFFFD800  }
0x1eb: {  	[tilespmem:s25], [sflag:$0x1] =	stream.indirect.gather [hbm4b:s4+s30], $0x80, s18, s30, $0xb8;
	[tilespmem:$0x1A000] =	vst v63  }
0x1ec: {  	_ =	swait.ge [sflag:s29], $0x2800  }
0x1ed: {  	[sflag:s29] =	ssyncset.done $0x0  }
0x1ee: {  	[sflag:s29] =	ssyncadd.s32 $0xFFFFD800  }
0x1ef: {  	[spmem:s1] =	stream.indirect.scatter.add.f32 [tilespmem:s31], [sflag:$0x4], $0x80, s19, s30, $0xb8;
	[tilespmem:$0x1A000] =	vst v63  }
0x1f0: {  	_ =	swait.ge [sflag:s0], $0x2800  }
0x1f1: {  	[sflag:s0] =	ssyncset.done $0x0  }
0x1f2: {  	[sflag:s0] =	ssyncadd.s32 $0xFFFFD800  }
0x1f3: {  	[tilespmem:s31], [sflag:$0x2] =	stream.indirect.gather [hbm4b:s4+s30], $0x80, s20, s30, $0xb8;
	[tilespmem:$0x1A000] =	vst v63  }
0x1f4: {  	_ =	swait.ge [sflag:s28], $0x2800  }
0x1f5: {  	[sflag:s28] =	ssyncset.done $0x0  }
0x1f6: {  	[sflag:s28] =	ssyncadd.s32 $0xFFFFD800  }
0x1f7: {  	[spmem:s1] =	stream.indirect.scatter.add.f32 [tilespmem:s25], [sflag:$0x4], $0x80, s21, s30, $0xb8;
	[tilespmem:$0x1A000] =	vst v63  }
0x1f8: {  	_ =	swait.ge [sflag:s0], $0x2800  }
0x1f9: {  	[sflag:s0] =	ssyncset.done $0x0  }
0x1fa: {  	[sflag:s0] =	ssyncadd.s32 $0xFFFFD800  }
0x1fb: {  	[tilespmem:s25], [sflag:$0x1] =	stream.indirect.gather [hbm4b:s4+s30], $0x80, s22, s30, $0xb8;
	[tilespmem:$0x1A000] =	vst v63  }
0x1fc: {  	_ =	swait.ge [sflag:s29], $0x2800  }
0x1fd: {  	[sflag:s29] =	ssyncset.done $0x0  }
0x1fe: {  	[sflag:s29] =	ssyncadd.s32 $0xFFFFD800  }
0x1ff: {  	[spmem:s1] =	stream.indirect.scatter.add.f32 [tilespmem:s31], [sflag:$0x4], $0x80, s23, s30, $0xb8;
	[tilespmem:$0x1A000] =	vst v63  }
0x200: {  	_ =	swait.ge [sflag:s0], $0x2800  }
0x201: {  	[sflag:s0] =	ssyncset.done $0x0  }
0x202: {  	[sflag:s0] =	ssyncadd.s32 $0xFFFFD800  }
0x203: {  	[tilespmem:s31], [sflag:$0x2] =	stream.indirect.gather [hbm4b:s4+s30], $0x80, s8, s30, $0xb8;
	[tilespmem:$0x1A000] =	vst v63  }
0x204: {  	_ =	swait.ge [sflag:s28], $0x2800  }
0x205: {  	[sflag:s28] =	ssyncset.done $0x0  }
0x206: {  	[sflag:s28] =	ssyncadd.s32 $0xFFFFD800  }
0x207: {  	[spmem:s1] =	stream.indirect.scatter.add.f32 [tilespmem:s25], [sflag:$0x4], $0x80, s9, s30, $0xb8;
	[tilespmem:$0x1A000] =	vst v63  }
0x208: {  	_ =	swait.ge [sflag:s0], $0x2800  }
0x209: {  	[sflag:s0] =	ssyncset.done $0x0  }
0x20a: {  	[sflag:s0] =	ssyncadd.s32 $0xFFFFD800  }
0x20b: {  	_ =	swait.ge [sflag:s29], $0x2800  }
0x20c: {  	[sflag:s29] =	ssyncset.done $0x0  }
0x20d: {  	[sflag:s29] =	ssyncadd.s32 $0xFFFFD800  }
0x20e: {  	[spmem:s1] =	stream.indirect.scatter.add.f32 [tilespmem:s31], [sflag:$0x4], $0x80, s10, s30, $0xb8;
	[tilespmem:$0x1A000] =	vst v63  }
0x20f: {  	_ =	swait.ge [sflag:s0], $0x2800  }
0x210: {  	[sflag:s0] =	ssyncset.done $0x0  }
0x211: {  	[sflag:s0] =	ssyncadd.s32 $0xFFFFD800  }
0x212: {  	[bflag:$0x0] =	sbarrier.arrive $0xFFFF  }
0x213: {  	s13 =	stileid.u32;
	s26 =	sld [smem:$0x7F6]  }
0x214: {  	s11 =	sshll.u32 s13, $0x6;
	s15 =	rddreg [dreg:$0x18]  }
0x215: {  	s11 =	sor.u32 $0x1C03, s11;
	s14 =	sshrl.u32 s15, $0x3  }
0x216: {  	[hbm:s26], [sflag:s11] =	dma.local [spmem:s14], $0x500  }
0x217: {  	s13 =	sld [smem:$0x7F7]  }
0x218: {  	s26 =	rddreg [dreg:$0x19]  }
0x219: {  	s14 =	sshrl.u32 s26, $0x3  }
0x21a: {  	[hbm:s13], [sflag:s11] =	dma.local [spmem:s14], $0x500  }
0x21b: {  	s13 =	sld [smem:$0x7F8]  }
0x21c: {  	s12 =	rddreg [dreg:$0x1a]  }
0x21d: {  	s12 =	sshrl.u32 s12, $0x3  }
0x21e: {  	[hbm:s13], [sflag:s11] =	dma.local [spmem:s12], $0x500  }
0x21f: {  	s13 =	sld [smem:$0x7F9]  }
0x220: {  	s12 =	rddreg [dreg:$0x1b]  }
0x221: {  	s12 =	sshrl.u32 s12, $0x3  }
0x222: {  	[hbm:s13], [sflag:s11] =	dma.local [spmem:s12], $0x500  }
0x223: {  	s13 =	sld [smem:$0x7FA]  }
0x224: {  	s12 =	rddreg [dreg:$0x1c]  }
0x225: {  	s12 =	sshrl.u32 s12, $0x3  }
0x226: {  	[hbm:s13], [sflag:s11] =	dma.local [spmem:s12], $0x500  }
0x227: {  	s13 =	sld [smem:$0x7FB]  }
0x228: {  	s12 =	rddreg [dreg:$0x1d]  }
0x229: {  	s12 =	sshrl.u32 s12, $0x3  }
0x22a: {  	[hbm:s13], [sflag:s11] =	dma.local [spmem:s12], $0x500  }
0x22b: {  	s13 =	sld [smem:$0x7FC]  }
0x22c: {  	s12 =	rddreg [dreg:$0x1e]  }
0x22d: {  	s12 =	sshrl.u32 s12, $0x3  }
0x22e: {  	[hbm:s13], [sflag:s11] =	dma.local [spmem:s12], $0x500  }
0x22f: {  	s13 =	sld [smem:$0x7FD]  }
0x230: {  	s14 =	rddreg [dreg:$0x1f]  }
0x231: {  	s12 =	sshrl.u32 s14, $0x3  }
0x232: {  	[hbm:s13], [sflag:s11] =	dma.local [spmem:s12], $0x500  }
0x233: {  	s12 =	simm.s32 $0x3  }
0x234: {  	_ =	swait.ge [sflag:s12], $0x500  }
0x235: {  	[sflag:s12] =	ssyncset.done $0x0  }
0x236: {  	[sflag:s12] =	ssyncadd.s32 $0xFFFFFB00  }
0x237: {  	_ =	swait.ge [sflag:s12], $0x500  }
0x238: {  	[sflag:s12] =	ssyncset.done $0x0  }
0x239: {  	[sflag:s12] =	ssyncadd.s32 $0xFFFFFB00  }
0x23a: {  	_ =	swait.ge [sflag:s12], $0x500  }
0x23b: {  	[sflag:s12] =	ssyncset.done $0x0  }
0x23c: {  	[sflag:s12] =	ssyncadd.s32 $0xFFFFFB00  }
0x23d: {  	_ =	swait.ge [sflag:s12], $0x500  }
0x23e: {  	[sflag:s12] =	ssyncset.done $0x0  }
0x23f: {  	[sflag:s12] =	ssyncadd.s32 $0xFFFFFB00  }
0x240: {  	_ =	swait.ge [sflag:s12], $0x500  }
0x241: {  	[sflag:s12] =	ssyncset.done $0x0  }
0x242: {  	[sflag:s12] =	ssyncadd.s32 $0xFFFFFB00  }
0x243: {  	_ =	swait.ge [sflag:s12], $0x500  }
0x244: {  	[sflag:s12] =	ssyncset.done $0x0  }
0x245: {  	[sflag:s12] =	ssyncadd.s32 $0xFFFFFB00  }
0x246: {  	_ =	swait.ge [sflag:s12], $0x500  }
0x247: {  	[sflag:s12] =	ssyncset.done $0x0  }
0x248: {  	[sflag:s12] =	ssyncadd.s32 $0xFFFFFB00  }
0x249: {  	_ =	swait.ge [sflag:s12], $0x500  }
0x24a: {  	s11 =	sld [smem:$0x7F5];
	_ =	sdelay $0x2  }
0x24b: {  	s13 =	sadd.s32 $0x1, s11;
	s11 =	rddreg [dreg:$0x17]  }
0x24c: {  	p0 =	sne.s32 s13, s11  }
.Ltmp2:
0x24d: {  	_ = 	snop;
	(pc) =	sbr.rel @p0 .LBB2_1-.Ltmp2, $3  }
0x24e: {  	_ =	sdelay $0x1  }
0x24f: {  	[sflag:s12] =	ssyncset.done $0x0  }
0x250: {  	[sflag:s12] =	ssyncadd.s32 $0xFFFFFB00  }
0x251: {  	_ =	sfence.sel $0x180000  }
0x252: {  	[bflag:$0x0] =	sbarrier.arrive $0xFFFF  }
0x253: {  	_ =	strace $0x9000004D  }
0x254: {  	s0 =	stileid.u32;
	[bflag:$0x2] =	sbarrier.arrive $0xFFFF  }
0x255: {  	p0 =	sne.s32 s0, $0x0;
	s0 =	rddreg [dreg:$0x3]  }
0x256: {  	s0 =	sadd.s32 @!p0 $0x100000, s0  }
0x257: {  	[sflag:s0] =	ssyncadd.tile.s32 @!p0 $0x1;
	_ =	shalt  }
.Lfunc_end2:
_tile_overlayer_lowered:
.L_overlay_start_2:
0x258: {  	(tag) =	ssettag $0x2  }
0x259: {  	s0 =	rddreg [dreg:$0x0];
	s2 =	stileid.u32  }
0x25a: {  	s1 =	rddreg [dreg:$0x1];
	p0 =	sne.s32 s2, $0x0  }
0x25b: {  	s3 =	rddreg [dreg:$0x2];
	[bflag:$0x3] =	sbarrier.arrive $0xFFFF;
	s2 =	simm.s32 @!p0 $0x1C04  }
0x25c: {  	[timem:s3], [sflag:s2] =	dma.local @!p0 [hbm:s0], s1  }
0x25d: {  	s0 =	simm.s32 @!p0 $0x4  }
0x25e: {  	_ =	swait.ge @!p0 [sflag:s0], s1  }
0x25f: {  	s1 =	ssub.s32 @!p0 $0x0, s1;
	[sflag:s0] =	ssyncset.done @!p0 $0x0  }
0x260: {  	[sflag:s0] =	ssyncadd.s32 @!p0 s1  }
0x261: {  	[bflag:$0x3] =	sbarrier.arrive $0xFFFF  }
0x262: {  	_ =	shalt  }

// kernel: kernel.9.cloned.1.call-start
scs
__scs_entry_jumppad:
0x0: {  	(pc) =	sbr.rel $0x88, $3  }
0x1: {  	(tag) =	ssettag $0x0;
	lr =	simm.s32 $0x1  }
0x2: {  	[smem:$0x3F9B] =	sst lr;
	_ =	strace $0xD0000000  }
0x3: {  	_ = 	snop  }
0x4: {  	_ = 	snop  }
0x5: {  	_ = 	snop  }
0x6: {  	_ = 	snop  }
0x7: {  	_ = 	snop  }
__scs_overlays_trampoline_lowered:
0x8: {  	[smem:$0x3FAA] =	sst s0  }
0x9: {  	[smem:$0x3FAB] =	sst s1  }
0xa: {  	[smem:$0x3FAC] =	sst s2  }
0xb: {  	[smem:$0x3FAD] =	sst s3  }
0xc: {  	[smem:$0x3FAE] =	sst s4  }
0xd: {  	[smem:$0x3FAF] =	sst s5  }
0xe: {  	[smem:$0x3FB0] =	sst s6  }
0xf: {  	[smem:$0x3FB1] =	sst s7  }
0x10: {  	[smem:$0x3FB2] =	sst s8  }
0x11: {  	[smem:$0x3FB3] =	sst s9;
	s0 =	simm.s32 @!p0 $0x0  }
0x12: {  	s1 =	sld [smem:$0x3F99];
	s0 =	simm.s32 @p0 $0x1  }
0x13: {  	[smem:$0x3FB4] =	sst s0;
	s0 =	simm.s32 @!p1 $0x0  }
0x14: {  	s2 =	sld [smem:$0x3F98];
	s0 =	simm.s32 @p1 $0x1  }
0x15: {  	[smem:$0x3FB5] =	sst s0;
	s0 =	simm.s32 @!p2 $0x0  }
0x16: {  	s3 =	sld [smem:$0x3FDB];
	s0 =	simm.s32 @p2 $0x1  }
0x17: {  	s4 =	simm.s32 $0x1BF5;
	[smem:$0x3FB7] =	sst s0  }
0x18: {  	s0 =	sld [smem:$0x3F9A];
	_ =	swait.ge [sflag:s4], $0x0  }
0x19: {  	s7 =	sld [smem:$0x3F9B]  }
0x1a: {  	s8 =	sadd.s32 $0xFFFFE003, lr  }
0x1b: {  	s9 =	sadd.s32 $0xFFFFFEF7, lr;
	s5 =	simm.s32 $0xFFFFFFFF;
	p2 =	slt.u32 s8, $0xFFFFF086  }
0x1c: {  	p1 =	slt.u32 s9, $0xF7A;
	s5 =	simm.s32 @!p2 $0x0  }
0x1d: {  	s5 =	simm.s32 @p1 $0x1;
	p0 =	seq.s32 s7, s2  }
0x1e: {  	s7 =	smul.u32 @!p0 $0xF7A, s2;
	p2 =	seq.s32 @!p0 s5, $0x0  }
0x1f: {  	s9 =	smul.u32 $0xF7A, s1;
	s8 =	simm.s32 @!p0 $0x1BF5;
	p2 =	por !p2, p0  }
0x20: {  	[sflag:s8] =	ssyncset.s32 @!p0 $0xFFFFF086;
	s6 =	sadd.s32 @!p0 s3, s7;
	s7 =	simm.s32 @!p0 $0x108  }
0x21: {  	s3 =	sadd.s32 s3, s9;
	s6 =	sadd.s32 @!p0 $0x88, s6;
	s7 =	simm.s32 @p2 $0x1082  }
0x22: {  	[simem:s7], [sflag:s8] =	dma.local @!p0 [hbm:s6], $0xF7A  }
0x23: {  	s9 =	sor.u32 $0xD0000000, s2;
	s6 =	simm.s32 $0x108;
	_ =	swait.ge @!p0 [sflag:s8], $0x0  }
0x24: {  	s3 =	sadd.s32 $0x88, s3;
	s6 =	simm.s32 @!p1 $0x1082;
	[sflag:s4] =	ssyncset.s32 $0xFFFFF086  }
0x25: {  	[simem:s6], [sflag:s4] =	dma.local [hbm:s3], $0xF7A  }
0x26: {  	[smem:$0x3F9B] =	sst s1;
	(tag) =	ssettag s2;
	_ =	strace s9  }
0x27: {  	s1 =	sld [smem:$0x3FAB]  }
0x28: {  	s2 =	sld [smem:$0x3FAC]  }
0x29: {  	s4 =	sld [smem:$0x3FAE]  }
0x2a: {  	p0 =	seq.s32 s5, $0x0;
	s5 =	sld [smem:$0x3FAF]  }
0x2b: {  	s6 =	sld [smem:$0x3FB0]  }
0x2c: {  	s7 =	sld [smem:$0x3FB1]  }
0x2d: {  	s3 =	simm.s32 $0x108;
	s8 =	sld [smem:$0x3FB2]  }
0x2e: {  	s3 =	simm.s32 @!p0 $0x1082;
	s9 =	sld [smem:$0x3FB3]  }
0x2f: {  	lr =	sadd.s32 s0, s3;
	s0 =	sld [smem:$0x3FAA]  }
0x30: {  	s3 =	sld [smem:$0x3FAD]  }
0x31: {  	[smem:$0x3FB6] =	sst s10  }
0x32: {  	s10 =	sld [smem:$0x3FB4];
	_ =	sdelay $0x3  }
0x33: {  	p0 =	seq.s32 s10, $0x1;
	s10 =	sld [smem:$0x3FB6];
	_ =	sdelay $0x3  }
0x34: {  	[smem:$0x3FB6] =	sst s10  }
0x35: {  	s10 =	sld [smem:$0x3FB5];
	_ =	sdelay $0x3  }
0x36: {  	p1 =	seq.s32 s10, $0x1;
	s10 =	sld [smem:$0x3FB6];
	_ =	sdelay $0x3  }
0x37: {  	[smem:$0x3FB6] =	sst s10  }
0x38: {  	s10 =	sld [smem:$0x3FB7]  }
0x39: {  	_ = 	snop;
	(pc) =	sbr.ind lr, $3  }
0x3a: {  	_ = 	snop  }
0x3b: {  	_ = 	snop  }
0x3c: {  	p2 =	seq.s32 s10, $0x1;
	s10 =	sld [smem:$0x3FB6]  }
0x3d: {  	_ =	shalt  }
0x3e: {  	_ =	shalt  }
0x3f: {  	_ =	shalt  }
0x40: {  	_ =	shalt  }
0x41: {  	_ =	shalt  }
0x42: {  	_ =	shalt  }
0x43: {  	_ =	shalt  }
0x44: {  	_ =	shalt  }
0x45: {  	_ =	shalt  }
0x46: {  	_ =	shalt  }
0x47: {  	_ =	shalt  }
0x48: {  	_ =	shalt  }
0x49: {  	_ =	shalt  }
0x4a: {  	_ =	shalt  }
0x4b: {  	_ =	shalt  }
0x4c: {  	_ =	shalt  }
0x4d: {  	_ =	shalt  }
0x4e: {  	_ =	shalt  }
0x4f: {  	_ =	shalt  }
0x50: {  	_ =	shalt  }
0x51: {  	_ =	shalt  }
0x52: {  	_ =	shalt  }
0x53: {  	_ =	shalt  }
0x54: {  	_ =	shalt  }
0x55: {  	_ =	shalt  }
0x56: {  	_ =	shalt  }
0x57: {  	_ =	shalt  }
0x58: {  	_ =	shalt  }
0x59: {  	_ =	shalt  }
0x5a: {  	_ =	shalt  }
0x5b: {  	_ =	shalt  }
0x5c: {  	_ =	shalt  }
0x5d: {  	_ =	shalt  }
0x5e: {  	_ =	shalt  }
0x5f: {  	_ =	shalt  }
0x60: {  	_ =	shalt  }
0x61: {  	_ =	shalt  }
0x62: {  	_ =	shalt  }
0x63: {  	_ =	shalt  }
0x64: {  	_ =	shalt  }
0x65: {  	_ =	shalt  }
0x66: {  	_ =	shalt  }
0x67: {  	_ =	shalt  }
0x68: {  	_ =	shalt  }
0x69: {  	_ =	shalt  }
0x6a: {  	_ =	shalt  }
0x6b: {  	_ =	shalt  }
0x6c: {  	_ =	shalt  }
0x6d: {  	_ =	shalt  }
0x6e: {  	_ =	shalt  }
0x6f: {  	_ =	shalt  }
0x70: {  	_ =	shalt  }
0x71: {  	_ =	shalt  }
0x72: {  	_ =	shalt  }
0x73: {  	_ =	shalt  }
0x74: {  	_ =	shalt  }
0x75: {  	_ =	shalt  }
0x76: {  	_ =	shalt  }
0x77: {  	_ =	shalt  }
0x78: {  	_ =	shalt  }
0x79: {  	_ =	shalt  }
0x7a: {  	_ =	shalt  }
0x7b: {  	_ =	shalt  }
0x7c: {  	_ =	shalt  }
0x7d: {  	_ =	shalt  }
0x7e: {  	_ =	shalt  }
0x7f: {  	_ =	shalt  }
0x80: {  	_ =	shalt  }
0x81: {  	_ =	shalt  }
0x82: {  	_ =	shalt  }
0x83: {  	_ =	shalt  }
0x84: {  	_ =	shalt  }
0x85: {  	_ =	shalt  }
0x86: {  	_ =	shalt  }
0x87: {  	_ =	shalt  }
.Lfunc_end0:
.L_simem_size_0:
called_computation_lowered:
.L_overlay_start_0:
0x88: {  	s2 =	sld [smem:$0x3FD9]  }
0x89: {  	s3 =	sld [smem:$0x3FFE];
	_ =	sdelay $0x1  }
0x8a: {  	s1 =	srdreg.scid  }
0x8b: {  	s0 =	sand.u32 $0x1, s1  }
0x8c: {  	s16 =	sshll.u32 s0, $0xA;
	s2 =	sadd.s32 s3, s2  }
0x8d: {  	s2 =	sadd.s32 s2, s16  }
0x8e: {  	[smem:$0x3FC2] =	sst s2  }
0x8f: {  	_ = 	snop  }
0x90: {  	(tm) =	ssettm $0x1  }
0x91: {  	s17 =	sld [smem:$0x3FFB];
	_ =	sdelay $0x3  }
0x92: {  	_ =	strace s17  }
0x93: {  	s2 =	sld [smem:$0x3FFC];
	_ =	sdelay $0x3  }
0x94: {  	_ =	strace s2  }
0x95: {  	s2 =	sld [smem:$0x3FFD];
	_ =	sdelay $0x3  }
0x96: {  	_ =	strace s2  }
0x97: {  	_ =	strace $0x8FFFFFFF  }
0x98: {  	s18 =	sld [smem:$0x3FDB];
	_ =	sdelay $0x1  }
0x99: {  	s19 =	simm.s32 $_scs_section_size  }
0x9a: {  	s4 =	simm.s32 $_size__tile_overlayer_lowered;
	s5 =	simm.s32 $_tile_overlayer_lowered  }
0x9b: {  	s22 =	simm.s32 $0x1BFF;
	s21 =	sshll.u32 s5, $0x1;
	s2 =	sadd.s32 s19, s18  }
0x9c: {  	s6 =	simm.s32 $0x0;
	s20 =	sshll.u32 s4, $0x1;
	s4 =	sadd.s32 s21, s2  }
0x9d: {  	[timem:s6], [sflag:s22] =	dma.local [hbm:s4], s20  }
0x9e: {  	_ =	swait.ge [sflag:s22], s20  }
0x9f: {  	s3 =	ssub.s32 $0x0, s20;
	[sflag:s22] =	ssyncset.done $0x0  }
0xa0: {  	[sflag:s22] =	ssyncadd.s32 s3;
	_ =	sdelay $0x1  }
0xa1: {  	s23 =	simm.s32 $0x1B8B  }
0xa2: {  	_ =	swait.ge [sflag:s23], $0x1  }
0xa3: {  	[sflag:s23] =	ssyncset.done $0x0  }
0xa4: {  	s25 =	simm.s32 $0x1B8E;
	s24 =	sld [smem:$0x3FFE];
	[sflag:s23] =	ssyncadd.s32 $0xFFFFFFFF  }
0xa5: {  	s26 =	simm.s32 $execute0_lowered;
	[smem:$0x3FD2] =	sst s25  }
0xa6: {  	s4 =	sshll.u32 s26, $0x1;
	_ =	strace $0x80000046;
	[dreg:$0x1] =	wrdreg $0xFFFFFFFF  }
0xa7: {  	s28 =	simm.s32 $_size_execute0_lowered;
	s2 =	sadd.s32 s2, s4;
	[dreg:$0x0] =	wrdreg $0x0  }
0xa8: {  	s4 =	sshll.u32 s28, $0x1;
	[dreg:$0x2] =	wrdreg s2  }
0xa9: {  	[dreg:$0x3] =	wrdreg s4  }
0xaa: {  	[dreg:$0x4] =	wrdreg $0xC0  }
0xab: {  	_ =	task [dreg:s6], $0x5FFFF  }
0xac: {  	[dreg:$0x1] =	wrdreg $0xFFFFFFFF  }
0xad: {  	[dreg:$0x0] =	wrdreg $0x60  }
0xae: {  	[dreg:$0x2] =	wrdreg s24  }
0xaf: {  	[dreg:$0x3] =	wrdreg $0x9  }
0xb0: {  	_ =	task.clear_ibuf [dreg:s6], $0x4FFFF;
	_ =	strace $0x90000046  }
0xb1: {  	s29 =	simm.s32 $0x9;
	_ =	strace $0x80000048  }
0xb2: {  	_ =	swait.ge [sflag:s29], $0x1  }
0xb3: {  	[sflag:s29] =	ssyncadd.s32 $0xFFFFFFFF  }
0xb4: {  	_ =	strace $0x90000048  }
0xb5: {  	_ =	sfence  }
0xb6: {  	s30 =	sld [smem:$0x0];
	_ =	sdelay $0x2  }
0xb7: {  	s31 =	sshll.u32 s1, $0xD;
	s1 =	sshrl.u32 s1, $0x2  }
0xb8: {  	s3 =	sand.u32 $0x4000, s31;
	s1 =	sadd.s32 s1, s30  }
0xb9: {  	s0 =	sor.u32 s3, s0;
	s1 =	sshll.u32 s1, $0x11  }
0xba: {  	s0 =	sor.u32 s1, s0  }
0xbb: {  	s0 =	sadd.s32 $0x8F2B, s0  }
0xbc: {  	[sflag:s0] =	ssyncadd.remote.s32 $0x1  }
0xbd: {  	_ =	sfence.sel $0xFFFF  }
0xbe: {  	[dreg:$0x0] =	wrdreg $0xFFFFFFFF;
	(pc) =	sbr.abs _section_cstart, $3  }
0xbf: {  	[dreg:$0x1] =	wrdreg $0xFFFFFFFF  }
0xc0: {  	_ =	task.clear_ibuf [dreg:s6], $0x2FFFF;
	_ =	strace $0x9FFFFFFF  }
0xc1: {  	(tm) =	ssettm $0x7FFFFFFF  }
tec
execute0_lowered:
.L_overlay_start_1:
0x0: {  	(tag) =	ssettag $0x1  }
0x1: {  	s1 =	srdreg.scid;
	s0 =	stileid.u32  }
0x2: {  	s3 =	rddreg [dreg:$0x0];
	s8 =	simm.s32 $0x80;
	s9 =	simm.s32 $0x400  }
0x3: {  	s4 =	sand.u32 $0x1, s1;
	s2 =	sshll.u32 s0, $0x1;
	s1 =	rddreg [dreg:$0x1]  }
0x4: {  	s6 =	sshrl.u32 s0, $0x2;
	s5 =	sor.u32 s4, s2;
	s2 =	simm.s32 $0x0  }
0x5: {  	s6 =	smul.u32 $0x14000, s6;
	s4 =	ssub.s32 $0x2, s4;
	s7 =	sshll.u32 s5, $0x7  }
0x6: {  	[smem:$0x7FF] =	sst s2;
	s5 =	smul.u32 $0x500, s5;
	s7 =	sand.u32 $0x380, s7  }
0x7: {  	s31 =	sshrl.u32 s4, $0x1;
	_ =	strace $0x80000047;
	s6 =	sor.u32 s6, s7  }
0x8: {  	s5 =	sadd.s32 s5, s3;
	s7 =	ssub.s32 s4, s31;
	s6 =	sshrl.u32 s6, $0x3  }
0x9: {  	s6 =	sadd.s32 s6, s3;
	s3 =	sadd.s32 $0x2400, s5;
	s5 =	smax.u32 s7, $0x1  }
0xa: {  	v0 =	vimm.f32 $0.0e+00;
	v1 =	vimm.f32 $1.000000000e+00;
	s7 =	simm.s32 $0x2800;
	s4 =	sadd.s32 $0xC400, s6;
	s6 =	simm.s32 $0x1  }
.LBB2_1:
0xb: {  	s10 =	simm.s32 $0x40;
	s11 =	simm.s32 $0x0  }
.LBB2_2:
0xc: {  	p0 =	sne.s32 s10, $0x9FC0;
	[tilespmem:s11+$0x2800] =	vst v0;
	s11 =	smov.u32 s10;
	s10 =	sadd.s32 $0x40, s10  }
.Ltmp0:
0xd: {  	(pc) =	sbr.rel @p0 .LBB2_2-.Ltmp0, $2  }
0xe: {  	_ =	sdelay $0x2  }
0xf: {  	s11 =	sshra.s32 s11, $0x2  }
0x10: {  	[tilespmem:s11+$0x2800] =	vst v0;
	s10 =	simm.s32 $0x0  }
0x11: {  	[tilespmem:s10], [sflag:$0x1] =	stream.linear.gather [hbm4b:s3+s10], $0x2800, $0x38;
	[tilespmem:$0x5000] =	vst v63  }
0x12: {  	_ =	swait.ge [sflag:s6], $0x2800  }
0x13: {  	[sflag:s6] =	ssyncset.done $0x0  }
0x14: {  	s11 =	simm.s32 $0x0;
	s10 =	simm.s32 $0x40;
	[sflag:s6] =	ssyncadd.s32 $0xFFFFD800  }
.LBB2_4:
0x15: {  	p0 =	sne.s32 s10, $0x9FC0;
	v2 =	vld [tilespmem:s11+$0x0];
	_ =	sdelay $0x3  }
.Ltmp1:
0x16: {  	(pc) =	sbr.rel @p0 .LBB2_4-.Ltmp1, $2  }
0x17: {  	_ =	sdelay $0x2  }
0x18: {  	s11 =	sshra.s32 s10, $0x2;
	s10 =	sadd.s32 $0x40, s10;
	[tilespmem:v2+s7+$0x0] =	vst.idx.add.f32.msk $0xffff, v1  }
0x19: {  	v2 =	vld [tilespmem:s11+$0x0];
	_ =	sdelay $0x5  }
0x1a: {  	s2 =	sadd.s32 $0x1, s2  }
0x1b: {  	p0 =	sne.s32 s2, s5  }
.Ltmp2:
0x1c: {  	[tilespmem:v2+s7+$0x0] =	vst.idx.add.f32.msk $0xffff, v1;
	(pc) =	sbr.rel @p0 .LBB2_1-.Ltmp2, $4  }
0x1d: {  	[hbm4b:s4+s8] =	stream.strided.scatter [tilespmem:s7], [sflag:$0x1], $0x2800, s9, s8, $0x38;
	[tilespmem:$0x5000] =	vst v63  }
0x1e: {  	_ =	swait.ge [sflag:s6], $0x2800  }
0x1f: {  	[sflag:s6] =	ssyncset.done $0x0  }
0x20: {  	[sflag:s6] =	ssyncadd.s32 $0xFFFFD800  }
0x21: {  	_ =	sfence.sel $0x180000  }
0x22: {  	[bflag:$0x0] =	sbarrier.arrive $0xFFFF  }
0x23: {  	p0 =	sne.s32 s0, $0x0;
	_ =	strace $0x90000047  }
0x24: {  	s0 =	sadd.s32 @!p0 $0x100000, s1;
	[bflag:$0x2] =	sbarrier.arrive $0xFFFF  }
0x25: {  	[sflag:s0] =	ssyncadd.tile.s32 @!p0 $0x1;
	_ =	shalt  }
.Lfunc_end2:
_tile_overlayer_lowered:
.L_overlay_start_2:
0x26: {  	(tag) =	ssettag $0x2  }
0x27: {  	s0 =	rddreg [dreg:$0x0];
	s2 =	stileid.u32  }
0x28: {  	s1 =	rddreg [dreg:$0x1];
	p0 =	sne.s32 s2, $0x0  }
0x29: {  	s3 =	rddreg [dreg:$0x2];
	[bflag:$0x3] =	sbarrier.arrive $0xFFFF;
	s2 =	simm.s32 @!p0 $0x1C01  }
0x2a: {  	[timem:s3], [sflag:s2] =	dma.local @!p0 [hbm:s0], s1  }
0x2b: {  	s0 =	simm.s32 @!p0 $0x1  }
0x2c: {  	_ =	swait.ge @!p0 [sflag:s0], s1  }
0x2d: {  	s1 =	ssub.s32 @!p0 $0x0, s1;
	[sflag:s0] =	ssyncset.done @!p0 $0x0  }
0x2e: {  	[sflag:s0] =	ssyncadd.s32 @!p0 s1  }
0x2f: {  	[bflag:$0x3] =	sbarrier.arrive $0xFFFF  }
0x30: {  	_ =	shalt  }

</sc_bundles>
